<compile_context>
chip_gen: v7x
topology: tpu7x:2x2x1
jax: 0.10.2.dev20260603
libtpu: 0.0.44.dev20260713+nightly
codegen_flags: <defaults>
</compile_context>

<pallas_src>
import functools

import jax
import jax.numpy as jnp
import numpy as np
from jax import lax
from jax.experimental import pallas as pl
from jax.experimental.pallas import tpu as pltpu
from jax.experimental.pallas import tpu_sc as plsc

D = 128
DW = D // 2
C = 64
LANES = 16

_PERM = np.concatenate(
    [np.concatenate([np.arange(g * 32, (g + 1) * 32, 2),
                     np.arange(g * 32 + 1, (g + 1) * 32, 2)])
     for g in range(D // 32)])


def _sc_aggregate(x2, rows, cols, vals, n_pad):
    e_total = rows.shape[0]
    nw = 32
    ept = e_total // nw
    n_chunks = ept // C
    zp_chunks = n_pad // C

    mesh = plsc.VectorSubcoreMesh(core_axis_name="c", subcore_axis_name="s")

    @functools.partial(
        pl.kernel,
        mesh=mesh,
        out_type=jax.ShapeDtypeStruct((2, n_pad, D), jnp.float32),
        compiler_params=pltpu.CompilerParams(
            needs_layout_passes=False, use_tc_tiling_on_sc=False),
        scratch_types=(
            [pltpu.VMEM((C,), jnp.int32) for _ in range(8)]
            + [pltpu.VMEM((C,), jnp.int32) for _ in range(8)]
            + [pltpu.VMEM((C,), jnp.float32) for _ in range(8)]
            + [
                pltpu.VMEM((8, C, DW), jnp.int32),
                pltpu.VMEM((2, C, D), jnp.float32),
                pltpu.VMEM_SHARED((n_pad, D), jnp.float32),
            ]
            + [pltpu.SemaphoreType.DMA for _ in range(18)]
        ),
    )
    def k(x_hbm, rows_hbm, cols_hbm, vals_hbm, out_hbm,
          c0, c1, c2, c3, c4, c5, c6, c7,
          r0, r1, r2, r3, r4, r5, r6, r7,
          v0, v1, v2, v3, v4, v5, v6, v7, gbuf, obuf, shared,
          si0, si1, si2, si3, si4, si5, si6, si7,
          sg0, sg1, sg2, sg3, sg4, sg5, sg6, sg7, ss0, ss1):
        cid = lax.axis_index("c")
        sid = lax.axis_index("s")
        wid = sid * 2 + cid
        cv = (c0, c1, c2, c3, c4, c5, c6, c7)
        rv = (r0, r1, r2, r3, r4, r5, r6, r7)
        vv = (v0, v1, v2, v3, v4, v5, v6, v7)
        sem_i = (si0, si1, si2, si3, si4, si5, si6, si7)
        sem_g = (sg0, sg1, sg2, sg3, sg4, sg5, sg6, sg7)
        sem_s = (ss0, ss1)

        def issue_idx(kk, q):
            base = wid * ept + kk * C
            pltpu.async_copy(cols_hbm.at[pl.ds(base, C)], cv[q], sem_i[q])
            pltpu.async_copy(rows_hbm.at[pl.ds(base, C)], rv[q], sem_i[q])
            pltpu.async_copy(vals_hbm.at[pl.ds(base, C)], vv[q], sem_i[q])

        def wait_idx(q):
            pltpu.make_async_copy(cols_hbm.at[pl.ds(0, C)], cv[q], sem_i[q]).wait()
            pltpu.make_async_copy(rows_hbm.at[pl.ds(0, C)], rv[q], sem_i[q]).wait()
            pltpu.make_async_copy(vals_hbm.at[pl.ds(0, C)], vv[q], sem_i[q]).wait()

        def issue_gather(q, g):
            pltpu.async_copy(x_hbm.at[cv[q]], gbuf.at[g], sem_g[g])

        def wait_gather(q, g):
            pltpu.make_async_copy(x_hbm.at[cv[q]], gbuf.at[g], sem_g[g]).wait()

        def issue_scatter(q, s):
            pltpu.async_copy(obuf.at[s], shared.at[rv[q]], sem_s[s], add=True)

        def wait_scatter(q, s):
            pltpu.make_async_copy(obuf.at[s], shared.at[rv[q]], sem_s[s]).wait()

        for j in range(6):
            issue_idx(j, j)

        def zbuf_body(i, carry):
            for j in range(D // LANES):
                obuf[0, i, pl.ds(j * LANES, LANES)] = jnp.zeros((LANES,), jnp.float32)
            return carry
        lax.fori_loop(0, C, zbuf_body, 0)

        def zspmem_body(t, carry):
            kk = sid + t * 16
            @pl.when(kk < zp_chunks)
            def _():
                pltpu.async_copy(obuf.at[0], shared.at[pl.ds(kk * C, C)], ss0)
            return carry
        zp_iters = (zp_chunks + 15) // 16
        lax.fori_loop(0, zp_iters, zspmem_body, 0)

        def zdrain_body(t, carry):
            kk = sid + t * 16
            @pl.when(kk < zp_chunks)
            def _():
                pltpu.make_async_copy(
                    obuf.at[0], shared.at[pl.ds(kk * C, C)], ss0).wait()
            return carry
        lax.fori_loop(0, zp_iters, zdrain_body, 0)
        plsc.subcore_barrier()

        for j in range(4):
            wait_idx(j)
            issue_gather(j, j)

        def octo_body(t, q):
            kk = 8 * t + q
            g = q
            s = q % 2

            @pl.when(kk + 4 < n_chunks)
            def _():
                wait_idx((q + 4) % 8)
                issue_gather((q + 4) % 8, (g + 4) % 8)

            wait_gather(q, g)

            @pl.when(kk >= 2)
            def _():
                wait_scatter((q + 6) % 8, s)

            def scale_body(i, carry):
                a = plsc.load_gather(vv[q], [jnp.full((LANES,), i, jnp.int32)])
                for grp in range(D // 32):
                    v = gbuf[g, i, pl.ds(grp * LANES, LANES)]
                    lo = plsc.bitcast(v << 16, jnp.float32)
                    hi = plsc.bitcast(v & jnp.int32(-65536), jnp.float32)
                    obuf[s, i, pl.ds(grp * 32, LANES)] = lo * a
                    obuf[s, i, pl.ds(grp * 32 + LANES, LANES)] = hi * a
                return carry
            lax.fori_loop(0, C, scale_body, 0)

            issue_scatter(q, s)

            @pl.when(kk + 6 < n_chunks)
            def _():
                issue_idx(kk + 6, (q + 6) % 8)

        def chunk_body(t, carry):
            for q in range(8):
                octo_body(t, q)
            return carry
        lax.fori_loop(0, n_chunks // 8, chunk_body, 0)

        wait_scatter((n_chunks - 2) % 8, (n_chunks - 2) % 2)
        wait_scatter((n_chunks - 1) % 8, (n_chunks - 1) % 2)
        plsc.subcore_barrier()

        def out_body(t, carry):
            kk = sid + t * 16
            @pl.when(kk < zp_chunks)
            def _():
                pltpu.async_copy(
                    shared.at[pl.ds(kk * C, C)],
                    out_hbm.at[cid, pl.ds(kk * C, C)], ss1)
            return carry
        lax.fori_loop(0, zp_iters, out_body, 0)

        def out_drain_body(t, carry):
            kk = sid + t * 16
            @pl.when(kk < zp_chunks)
            def _():
                pltpu.make_async_copy(
                    shared.at[pl.ds(kk * C, C)],
                    out_hbm.at[cid, pl.ds(kk * C, C)], ss1).wait()
            return carry
        lax.fori_loop(0, zp_iters, out_drain_body, 0)

    return k(x2, rows, cols, vals)


def _tc_matmul(agg, w_perm, n_nodes):
    br = 400
    grid = n_nodes // br

    def body(p_ref, w_ref, o_ref):
        o_ref[...] = jnp.dot(p_ref[0] + p_ref[1], w_ref[...],
                             preferred_element_type=jnp.float32)

    return pl.pallas_call(
        body,
        grid=(grid,),
        in_specs=[
            pl.BlockSpec((2, br, D), lambda i: (0, i, 0)),
            pl.BlockSpec((D, D), lambda i: (0, 0)),
        ],
        out_specs=pl.BlockSpec((br, D), lambda i: (i, 0)),
        out_shape=jax.ShapeDtypeStruct((n_nodes, D), jnp.float32),
    )(agg, w_perm)


def kernel(x, edge_index, adj_values, weight):
    n_nodes = x.shape[0]
    e = edge_index.shape[1]
    rows = edge_index[0]
    cols = edge_index[1]

    x2 = lax.bitcast_convert_type(
        x.astype(jnp.bfloat16).reshape(n_nodes, DW, 2), jnp.int32)

    w_perm = weight[_PERM, :]

    mult = 32 * 8 * C
    ep = ((e + mult - 1) // mult) * mult
    pad = ep - e
    if pad:
        rows = jnp.concatenate([rows, jnp.zeros((pad,), jnp.int32)])
        cols = jnp.concatenate([cols, jnp.zeros((pad,), jnp.int32)])
        adj_values = jnp.concatenate([adj_values, jnp.zeros((pad,), jnp.float32)])

    n_pad = ((n_nodes + C - 1) // C) * C
    agg = _sc_aggregate(x2, rows, cols, adj_values, n_pad)
    return _tc_matmul(agg, w_perm, n_nodes)

# --- scband reference (transcript-rebuilt; emitter-appended) ---
"""Pipeline reference for scband-graph-convolution-layer-22428319219855 (READ-ONLY COPY).

The authoritative reference and input builder live on the scoring server;
editing this copy changes nothing except your own understanding.
"""

import jax, jax.numpy as jnp
import numpy as np

N_NODES = 10000
N_EDGES = 320000
D_IN = 128
D_OUT = 128


def setup_inputs(seed: int = 0) -> dict:
    key = jax.random.key(seed)
    k1, k2, k3, k4 = jax.random.split(key, 4)
    x = jax.random.normal(k1, (N_NODES, D_IN), dtype=jnp.float32)
    edge_index = jax.random.randint(k2, (2, N_EDGES), 0, N_NODES, dtype=jnp.int32)
    adj_values = jax.random.uniform(k3, (N_EDGES,), dtype=jnp.float32)
    # xavier_uniform init for weight [D_IN, D_OUT]
    limit = float(np.sqrt(6.0 / (D_IN + D_OUT)))
    weight = jax.random.uniform(k4, (D_IN, D_OUT), minval=-limit, maxval=limit, dtype=jnp.float32)
    return {"x": x, "edge_index": edge_index, "adj_values": adj_values, "weight": weight}


def reference(x, edge_index, adj_values, weight):
    # support = torch.mm(x, self.weight)  (active=False default path)
    support = x @ weight
    # output = torch.spmm(adj, support): out[row] += adj_val * support[col]
    rows = edge_index[0]
    cols = edge_index[1]
    gathered = jnp.take(support, cols, axis=0) * adj_values[:, None]
    output = jax.ops.segment_sum(gathered, rows, num_segments=N_NODES)
    return output

if __name__ == "__main__":
    import jax
    _d = setup_inputs()
    print(jax.jit(kernel)(*tuple(_d.values())))

</pallas_src>

<mosaic_0001>
#map = affine_map<(d0, d1) -> (0, 0)>
#map1 = affine_map<(d0, d1) -> (0)>
#map2 = affine_map<(d0, d1) -> (0, 0, 0)>
module attributes {stable_mosaic.version = 14 : i64} {
  func.func @k(%arg0: i32, %arg1: i32, %arg2: memref<10000x64xi32, #tpu.memory_space<hbm>>, %arg3: memref<327680xi32, #tpu.memory_space<hbm>>, %arg4: memref<327680xi32, #tpu.memory_space<hbm>>, %arg5: memref<327680xf32, #tpu.memory_space<hbm>>, %arg6: memref<2x10048x128xf32, #tpu.memory_space<hbm>>, %arg7: memref<64xi32, #tpu.memory_space<vmem>>, %arg8: memref<64xi32, #tpu.memory_space<vmem>>, %arg9: memref<64xi32, #tpu.memory_space<vmem>>, %arg10: memref<64xi32, #tpu.memory_space<vmem>>, %arg11: memref<64xi32, #tpu.memory_space<vmem>>, %arg12: memref<64xi32, #tpu.memory_space<vmem>>, %arg13: memref<64xi32, #tpu.memory_space<vmem>>, %arg14: memref<64xi32, #tpu.memory_space<vmem>>, %arg15: memref<64xi32, #tpu.memory_space<vmem>>, %arg16: memref<64xi32, #tpu.memory_space<vmem>>, %arg17: memref<64xi32, #tpu.memory_space<vmem>>, %arg18: memref<64xi32, #tpu.memory_space<vmem>>, %arg19: memref<64xi32, #tpu.memory_space<vmem>>, %arg20: memref<64xi32, #tpu.memory_space<vmem>>, %arg21: memref<64xi32, #tpu.memory_space<vmem>>, %arg22: memref<64xi32, #tpu.memory_space<vmem>>, %arg23: memref<64xf32, #tpu.memory_space<vmem>>, %arg24: memref<64xf32, #tpu.memory_space<vmem>>, %arg25: memref<64xf32, #tpu.memory_space<vmem>>, %arg26: memref<64xf32, #tpu.memory_space<vmem>>, %arg27: memref<64xf32, #tpu.memory_space<vmem>>, %arg28: memref<64xf32, #tpu.memory_space<vmem>>, %arg29: memref<64xf32, #tpu.memory_space<vmem>>, %arg30: memref<64xf32, #tpu.memory_space<vmem>>, %arg31: memref<8x64x64xi32, #tpu.memory_space<vmem>>, %arg32: memref<2x64x128xf32, #tpu.memory_space<vmem>>, %arg33: memref<10048x128xf32, #tpu.memory_space<vmem_shared>>, %arg34: memref<!tpu.dma_semaphore, #tpu.memory_space<semaphore_mem>>, %arg35: memref<!tpu.dma_semaphore, #tpu.memory_space<semaphore_mem>>, %arg36: memref<!tpu.dma_semaphore, #tpu.memory_space<semaphore_mem>>, %arg37: memref<!tpu.dma_semaphore, #tpu.memory_space<semaphore_mem>>, %arg38: memref<!tpu.dma_semaphore, #tpu.memory_space<semaphore_mem>>, %arg39: memref<!tpu.dma_semaphore, #tpu.memory_space<semaphore_mem>>, %arg40: memref<!tpu.dma_semaphore, #tpu.memory_space<semaphore_mem>>, %arg41: memref<!tpu.dma_semaphore, #tpu.memory_space<semaphore_mem>>, %arg42: memref<!tpu.dma_semaphore, #tpu.memory_space<semaphore_mem>>, %arg43: memref<!tpu.dma_semaphore, #tpu.memory_space<semaphore_mem>>, %arg44: memref<!tpu.dma_semaphore, #tpu.memory_space<semaphore_mem>>, %arg45: memref<!tpu.dma_semaphore, #tpu.memory_space<semaphore_mem>>, %arg46: memref<!tpu.dma_semaphore, #tpu.memory_space<semaphore_mem>>, %arg47: memref<!tpu.dma_semaphore, #tpu.memory_space<semaphore_mem>>, %arg48: memref<!tpu.dma_semaphore, #tpu.memory_space<semaphore_mem>>, %arg49: memref<!tpu.dma_semaphore, #tpu.memory_space<semaphore_mem>>, %arg50: memref<!tpu.dma_semaphore, #tpu.memory_space<semaphore_mem>>, %arg51: memref<!tpu.dma_semaphore, #tpu.memory_space<semaphore_mem>>) attributes {dimension_semantics = [#tpu.dimension_semantics<core_parallel>, #tpu.dimension_semantics<subcore_parallel>], iteration_bounds = array<i64: 2, 16>, scalar_prefetch = 0 : i64, scratch_operands = 45 : i64, tpu.core_type = #tpu.core_type<sc_vector_subcore>, window_params = [{transform_indices = #map}, {transform_indices = #map1}, {transform_indices = #map1}, {transform_indices = #map1}, {transform_indices = #map2}]} {
    %mul3A = arith.constant 2 : i32
    %mul3A_0 = arith.muli %arg1, %mul3A : i32
    %add3A = arith.addi %mul3A_0, %arg0 : i32
    %mul3A_1 = arith.constant 10240 : i32
    %mul3A_2 = arith.muli %add3A, %mul3A_1 : i32
    %add3A_3 = arith.constant 0 : i32
    %add3A_4 = arith.addi %mul3A_2, %add3A_3 : i32
    %dma_start3A = tpu.memref_slice %arg4[%add3A_4] : memref<327680xi32, #tpu.memory_space<hbm>> -> memref<64xi32, #tpu.memory_space<hbm>>
    %dma_start3A_5 = tpu.memref_slice %arg4[%add3A_4] : memref<327680xi32, #tpu.memory_space<hbm>> -> memref<64xi32, #tpu.memory_space<hbm>>
    tpu.enqueue_dma source(%dma_start3A_5 : memref<64xi32, #tpu.memory_space<hbm>>) target(%arg7 : memref<64xi32, #tpu.memory_space<vmem>>) target_semaphore(%arg34 : memref<!tpu.dma_semaphore, #tpu.memory_space<semaphore_mem>>)
    %dma_start3A_6 = tpu.memref_slice %arg3[%add3A_4] : memref<327680xi32, #tpu.memory_space<hbm>> -> memref<64xi32, #tpu.memory_space<hbm>>
    %dma_start3A_7 = tpu.memref_slice %arg3[%add3A_4] : memref<327680xi32, #tpu.memory_space<hbm>> -> memref<64xi32, #tpu.memory_space<hbm>>
    tpu.enqueue_dma source(%dma_start3A_7 : memref<64xi32, #tpu.memory_space<hbm>>) target(%arg15 : memref<64xi32, #tpu.memory_space<vmem>>) target_semaphore(%arg34 : memref<!tpu.dma_semaphore, #tpu.memory_space<semaphore_mem>>)
    %dma_start3A_8 = tpu.memref_slice %arg5[%add3A_4] : memref<327680xf32, #tpu.memory_space<hbm>> -> memref<64xf32, #tpu.memory_space<hbm>>
    %dma_start3A_9 = tpu.memref_slice %arg5[%add3A_4] : memref<327680xf32, #tpu.memory_space<hbm>> -> memref<64xf32, #tpu.memory_space<hbm>>
    tpu.enqueue_dma source(%dma_start3A_9 : memref<64xf32, #tpu.memory_space<hbm>>) target(%arg23 : memref<64xf32, #tpu.memory_space<vmem>>) target_semaphore(%arg34 : memref<!tpu.dma_semaphore, #tpu.memory_space<semaphore_mem>>)
    %mul3A_10 = arith.constant 10240 : i32
    %mul3A_11 = arith.muli %add3A, %mul3A_10 : i32
    %add3A_12 = arith.constant 64 : i32
    %add3A_13 = arith.addi %mul3A_11, %add3A_12 : i32
    %dma_start3A_14 = tpu.memref_slice %arg4[%add3A_13] : memref<327680xi32, #tpu.memory_space<hbm>> -> memref<64xi32, #tpu.memory_space<hbm>>
    %dma_start3A_15 = tpu.memref_slice %arg4[%add3A_13] : memref<327680xi32, #tpu.memory_space<hbm>> -> memref<64xi32, #tpu.memory_space<hbm>>
    tpu.enqueue_dma source(%dma_start3A_15 : memref<64xi32, #tpu.memory_space<hbm>>) target(%arg8 : memref<64xi32, #tpu.memory_space<vmem>>) target_semaphore(%arg35 : memref<!tpu.dma_semaphore, #tpu.memory_space<semaphore_mem>>)
    %dma_start3A_16 = tpu.memref_slice %arg3[%add3A_13] : memref<327680xi32, #tpu.memory_space<hbm>> -> memref<64xi32, #tpu.memory_space<hbm>>
    %dma_start3A_17 = tpu.memref_slice %arg3[%add3A_13] : memref<327680xi32, #tpu.memory_space<hbm>> -> memref<64xi32, #tpu.memory_space<hbm>>
    tpu.enqueue_dma source(%dma_start3A_17 : memref<64xi32, #tpu.memory_space<hbm>>) target(%arg16 : memref<64xi32, #tpu.memory_space<vmem>>) target_semaphore(%arg35 : memref<!tpu.dma_semaphore, #tpu.memory_space<semaphore_mem>>)
    %dma_start3A_18 = tpu.memref_slice %arg5[%add3A_13] : memref<327680xf32, #tpu.memory_space<hbm>> -> memref<64xf32, #tpu.memory_space<hbm>>
    %dma_start3A_19 = tpu.memref_slice %arg5[%add3A_13] : memref<327680xf32, #tpu.memory_space<hbm>> -> memref<64xf32, #tpu.memory_space<hbm>>
    tpu.enqueue_dma source(%dma_start3A_19 : memref<64xf32, #tpu.memory_space<hbm>>) target(%arg24 : memref<64xf32, #tpu.memory_space<vmem>>) target_semaphore(%arg35 : memref<!tpu.dma_semaphore, #tpu.memory_space<semaphore_mem>>)
    %mul3A_20 = arith.constant 10240 : i32
    %mul3A_21 = arith.muli %add3A, %mul3A_20 : i32
    %add3A_22 = arith.constant 128 : i32
    %add3A_23 = arith.addi %mul3A_21, %add3A_22 : i32
    %dma_start3A_24 = tpu.memref_slice %arg4[%add3A_23] : memref<327680xi32, #tpu.memory_space<hbm>> -> memref<64xi32, #tpu.memory_space<hbm>>
    %dma_start3A_25 = tpu.memref_slice %arg4[%add3A_23] : memref<327680xi32, #tpu.memory_space<hbm>> -> memref<64xi32, #tpu.memory_space<hbm>>
    tpu.enqueue_dma source(%dma_start3A_25 : memref<64xi32, #tpu.memory_space<hbm>>) target(%arg9 : memref<64xi32, #tpu.memory_space<vmem>>) target_semaphore(%arg36 : memref<!tpu.dma_semaphore, #tpu.memory_space<semaphore_mem>>)
    %dma_start3A_26 = tpu.memref_slice %arg3[%add3A_23] : memref<327680xi32, #tpu.memory_space<hbm>> -> memref<64xi32, #tpu.memory_space<hbm>>
    %dma_start3A_27 = tpu.memref_slice %arg3[%add3A_23] : memref<327680xi32, #tpu.memory_space<hbm>> -> memref<64xi32, #tpu.memory_space<hbm>>
    tpu.enqueue_dma source(%dma_start3A_27 : memref<64xi32, #tpu.memory_space<hbm>>) target(%arg17 : memref<64xi32, #tpu.memory_space<vmem>>) target_semaphore(%arg36 : memref<!tpu.dma_semaphore, #tpu.memory_space<semaphore_mem>>)
    %dma_start3A_28 = tpu.memref_slice %arg5[%add3A_23] : memref<327680xf32, #tpu.memory_space<hbm>> -> memref<64xf32, #tpu.memory_space<hbm>>
    %dma_start3A_29 = tpu.memref_slice %arg5[%add3A_23] : memref<327680xf32, #tpu.memory_space<hbm>> -> memref<64xf32, #tpu.memory_space<hbm>>
    tpu.enqueue_dma source(%dma_start3A_29 : memref<64xf32, #tpu.memory_space<hbm>>) target(%arg25 : memref<64xf32, #tpu.memory_space<vmem>>) target_semaphore(%arg36 : memref<!tpu.dma_semaphore, #tpu.memory_space<semaphore_mem>>)
    %mul3A_30 = arith.constant 10240 : i32
    %mul3A_31 = arith.muli %add3A, %mul3A_30 : i32
    %add3A_32 = arith.constant 192 : i32
    %add3A_33 = arith.addi %mul3A_31, %add3A_32 : i32
    %dma_start3A_34 = tpu.memref_slice %arg4[%add3A_33] : memref<327680xi32, #tpu.memory_space<hbm>> -> memref<64xi32, #tpu.memory_space<hbm>>
    %dma_start3A_35 = tpu.memref_slice %arg4[%add3A_33] : memref<327680xi32, #tpu.memory_space<hbm>> -> memref<64xi32, #tpu.memory_space<hbm>>
    tpu.enqueue_dma source(%dma_start3A_35 : memref<64xi32, #tpu.memory_space<hbm>>) target(%arg10 : memref<64xi32, #tpu.memory_space<vmem>>) target_semaphore(%arg37 : memref<!tpu.dma_semaphore, #tpu.memory_space<semaphore_mem>>)
    %dma_start3A_36 = tpu.memref_slice %arg3[%add3A_33] : memref<327680xi32, #tpu.memory_space<hbm>> -> memref<64xi32, #tpu.memory_space<hbm>>
    %dma_start3A_37 = tpu.memref_slice %arg3[%add3A_33] : memref<327680xi32, #tpu.memory_space<hbm>> -> memref<64xi32, #tpu.memory_space<hbm>>
    tpu.enqueue_dma source(%dma_start3A_37 : memref<64xi32, #tpu.memory_space<hbm>>) target(%arg18 : memref<64xi32, #tpu.memory_space<vmem>>) target_semaphore(%arg37 : memref<!tpu.dma_semaphore, #tpu.memory_space<semaphore_mem>>)
    %dma_start3A_38 = tpu.memref_slice %arg5[%add3A_33] : memref<327680xf32, #tpu.memory_space<hbm>> -> memref<64xf32, #tpu.memory_space<hbm>>
    %dma_start3A_39 = tpu.memref_slice %arg5[%add3A_33] : memref<327680xf32, #tpu.memory_space<hbm>> -> memref<64xf32, #tpu.memory_space<hbm>>
    tpu.enqueue_dma source(%dma_start3A_39 : memref<64xf32, #tpu.memory_space<hbm>>) target(%arg26 : memref<64xf32, #tpu.memory_space<vmem>>) target_semaphore(%arg37 : memref<!tpu.dma_semaphore, #tpu.memory_space<semaphore_mem>>)
    %mul3A_40 = arith.constant 10240 : i32
    %mul3A_41 = arith.muli %add3A, %mul3A_40 : i32
    %add3A_42 = arith.constant 256 : i32
    %add3A_43 = arith.addi %mul3A_41, %add3A_42 : i32
    %dma_start3A_44 = tpu.memref_slice %arg4[%add3A_43] : memref<327680xi32, #tpu.memory_space<hbm>> -> memref<64xi32, #tpu.memory_space<hbm>>
    %dma_start3A_45 = tpu.memref_slice %arg4[%add3A_43] : memref<327680xi32, #tpu.memory_space<hbm>> -> memref<64xi32, #tpu.memory_space<hbm>>
    tpu.enqueue_dma source(%dma_start3A_45 : memref<64xi32, #tpu.memory_space<hbm>>) target(%arg11 : memref<64xi32, #tpu.memory_space<vmem>>) target_semaphore(%arg38 : memref<!tpu.dma_semaphore, #tpu.memory_space<semaphore_mem>>)
    %dma_start3A_46 = tpu.memref_slice %arg3[%add3A_43] : memref<327680xi32, #tpu.memory_space<hbm>> -> memref<64xi32, #tpu.memory_space<hbm>>
    %dma_start3A_47 = tpu.memref_slice %arg3[%add3A_43] : memref<327680xi32, #tpu.memory_space<hbm>> -> memref<64xi32, #tpu.memory_space<hbm>>
    tpu.enqueue_dma source(%dma_start3A_47 : memref<64xi32, #tpu.memory_space<hbm>>) target(%arg19 : memref<64xi32, #tpu.memory_space<vmem>>) target_semaphore(%arg38 : memref<!tpu.dma_semaphore, #tpu.memory_space<semaphore_mem>>)
    %dma_start3A_48 = tpu.memref_slice %arg5[%add3A_43] : memref<327680xf32, #tpu.memory_space<hbm>> -> memref<64xf32, #tpu.memory_space<hbm>>
    %dma_start3A_49 = tpu.memref_slice %arg5[%add3A_43] : memref<327680xf32, #tpu.memory_space<hbm>> -> memref<64xf32, #tpu.memory_space<hbm>>
    tpu.enqueue_dma source(%dma_start3A_49 : memref<64xf32, #tpu.memory_space<hbm>>) target(%arg27 : memref<64xf32, #tpu.memory_space<vmem>>) target_semaphore(%arg38 : memref<!tpu.dma_semaphore, #tpu.memory_space<semaphore_mem>>)
    %mul3A_50 = arith.constant 10240 : i32
    %mul3A_51 = arith.muli %add3A, %mul3A_50 : i32
    %add3A_52 = arith.constant 320 : i32
    %add3A_53 = arith.addi %mul3A_51, %add3A_52 : i32
    %dma_start3A_54 = tpu.memref_slice %arg4[%add3A_53] : memref<327680xi32, #tpu.memory_space<hbm>> -> memref<64xi32, #tpu.memory_space<hbm>>
    %dma_start3A_55 = tpu.memref_slice %arg4[%add3A_53] : memref<327680xi32, #tpu.memory_space<hbm>> -> memref<64xi32, #tpu.memory_space<hbm>>
    tpu.enqueue_dma source(%dma_start3A_55 : memref<64xi32, #tpu.memory_space<hbm>>) target(%arg12 : memref<64xi32, #tpu.memory_space<vmem>>) target_semaphore(%arg39 : memref<!tpu.dma_semaphore, #tpu.memory_space<semaphore_mem>>)
    %dma_start3A_56 = tpu.memref_slice %arg3[%add3A_53] : memref<327680xi32, #tpu.memory_space<hbm>> -> memref<64xi32, #tpu.memory_space<hbm>>
    %dma_start3A_57 = tpu.memref_slice %arg3[%add3A_53] : memref<327680xi32, #tpu.memory_space<hbm>> -> memref<64xi32, #tpu.memory_space<hbm>>
    tpu.enqueue_dma source(%dma_start3A_57 : memref<64xi32, #tpu.memory_space<hbm>>) target(%arg20 : memref<64xi32, #tpu.memory_space<vmem>>) target_semaphore(%arg39 : memref<!tpu.dma_semaphore, #tpu.memory_space<semaphore_mem>>)
    %dma_start3A_58 = tpu.memref_slice %arg5[%add3A_53] : memref<327680xf32, #tpu.memory_space<hbm>> -> memref<64xf32, #tpu.memory_space<hbm>>
    %dma_start3A_59 = tpu.memref_slice %arg5[%add3A_53] : memref<327680xf32, #tpu.memory_space<hbm>> -> memref<64xf32, #tpu.memory_space<hbm>>
    tpu.enqueue_dma source(%dma_start3A_59 : memref<64xf32, #tpu.memory_space<hbm>>) target(%arg28 : memref<64xf32, #tpu.memory_space<vmem>>) target_semaphore(%arg39 : memref<!tpu.dma_semaphore, #tpu.memory_space<semaphore_mem>>)
    %scan3A = arith.constant 0 : i32
    %scan3A_60 = arith.constant 0 : i32
    %scan3A_61 = arith.constant 64 : i32
    %scan3A_62 = arith.addi %scan3A_60, %scan3A_61 : i32
    %scan3A_63 = arith.constant 1 : i32
    scf.for %scan3A_191 = %scan3A_60 to %scan3A_62 step %scan3A_63  : i32 {
      %broadcast_in_dim3A = arith.constant 0.000000e+00 : f32
      %broadcast_in_dim3A_192 = vector.broadcast %broadcast_in_dim3A : f32 to vector<16xf32>
      %swap3A = arith.constant 0 : i32
      %swap3A_193 = arith.index_cast %swap3A : i32 to index
      %swap3A_194 = arith.index_cast %scan3A_191 : i32 to index
      %swap3A_195 = arith.constant 0 : index
      %swap3A_196 = tpu.vector_load %arg32[%swap3A_193, %swap3A_194, %swap3A_195] {strides = array<i32>} : memref<2x64x128xf32, #tpu.memory_space<vmem>>, vector<16xf32>,
      tpu.vector_store %arg32[%swap3A_193, %swap3A_194, %swap3A_195], %broadcast_in_dim3A_192 {strides = array<i32>} : memref<2x64x128xf32, #tpu.memory_space<vmem>>, vector<16xf32>,
      %broadcast_in_dim3A_197 = arith.constant 0.000000e+00 : f32
      %broadcast_in_dim3A_198 = vector.broadcast %broadcast_in_dim3A_197 : f32 to vector<16xf32>
      %swap3A_199 = arith.constant 0 : i32
      %swap3A_200 = arith.index_cast %swap3A_199 : i32 to index
      %swap3A_201 = arith.index_cast %scan3A_191 : i32 to index
      %swap3A_202 = arith.constant 16 : index
      %swap3A_203 = tpu.vector_load %arg32[%swap3A_200, %swap3A_201, %swap3A_202] {strides = array<i32>} : memref<2x64x128xf32, #tpu.memory_space<vmem>>, vector<16xf32>,
      tpu.vector_store %arg32[%swap3A_200, %swap3A_201, %swap3A_202], %broadcast_in_dim3A_198 {strides = array<i32>} : memref<2x64x128xf32, #tpu.memory_space<vmem>>, vector<16xf32>,
      %broadcast_in_dim3A_204 = arith.constant 0.000000e+00 : f32
      %broadcast_in_dim3A_205 = vector.broadcast %broadcast_in_dim3A_204 : f32 to vector<16xf32>
      %swap3A_206 = arith.constant 0 : i32
      %swap3A_207 = arith.index_cast %swap3A_206 : i32 to index
      %swap3A_208 = arith.index_cast %scan3A_191 : i32 to index
      %swap3A_209 = arith.constant 32 : index
      %swap3A_210 = tpu.vector_load %arg32[%swap3A_207, %swap3A_208, %swap3A_209] {strides = array<i32>} : memref<2x64x128xf32, #tpu.memory_space<vmem>>, vector<16xf32>,
      tpu.vector_store %arg32[%swap3A_207, %swap3A_208, %swap3A_209], %broadcast_in_dim3A_205 {strides = array<i32>} : memref<2x64x128xf32, #tpu.memory_space<vmem>>, vector<16xf32>,
      %broadcast_in_dim3A_211 = arith.constant 0.000000e+00 : f32
      %broadcast_in_dim3A_212 = vector.broadcast %broadcast_in_dim3A_211 : f32 to vector<16xf32>
      %swap3A_213 = arith.constant 0 : i32
      %swap3A_214 = arith.index_cast %swap3A_213 : i32 to index
      %swap3A_215 = arith.index_cast %scan3A_191 : i32 to index
      %swap3A_216 = arith.constant 48 : index
      %swap3A_217 = tpu.vector_load %arg32[%swap3A_214, %swap3A_215, %swap3A_216] {strides = array<i32>} : memref<2x64x128xf32, #tpu.memory_space<vmem>>, vector<16xf32>,
      tpu.vector_store %arg32[%swap3A_214, %swap3A_215, %swap3A_216], %broadcast_in_dim3A_212 {strides = array<i32>} : memref<2x64x128xf32, #tpu.memory_space<vmem>>, vector<16xf32>,
      %broadcast_in_dim3A_218 = arith.constant 0.000000e+00 : f32
      %broadcast_in_dim3A_219 = vector.broadcast %broadcast_in_dim3A_218 : f32 to vector<16xf32>
      %swap3A_220 = arith.constant 0 : i32
      %swap3A_221 = arith.index_cast %swap3A_220 : i32 to index
      %swap3A_222 = arith.index_cast %scan3A_191 : i32 to index
      %swap3A_223 = arith.constant 64 : index
      %swap3A_224 = tpu.vector_load %arg32[%swap3A_221, %swap3A_222, %swap3A_223] {strides = array<i32>} : memref<2x64x128xf32, #tpu.memory_space<vmem>>, vector<16xf32>,
      tpu.vector_store %arg32[%swap3A_221, %swap3A_222, %swap3A_223], %broadcast_in_dim3A_219 {strides = array<i32>} : memref<2x64x128xf32, #tpu.memory_space<vmem>>, vector<16xf32>,
      %broadcast_in_dim3A_225 = arith.constant 0.000000e+00 : f32
      %broadcast_in_dim3A_226 = vector.broadcast %broadcast_in_dim3A_225 : f32 to vector<16xf32>
      %swap3A_227 = arith.constant 0 : i32
      %swap3A_228 = arith.index_cast %swap3A_227 : i32 to index
      %swap3A_229 = arith.index_cast %scan3A_191 : i32 to index
      %swap3A_230 = arith.constant 80 : index
      %swap3A_231 = tpu.vector_load %arg32[%swap3A_228, %swap3A_229, %swap3A_230] {strides = array<i32>} : memref<2x64x128xf32, #tpu.memory_space<vmem>>, vector<16xf32>,
      tpu.vector_store %arg32[%swap3A_228, %swap3A_229, %swap3A_230], %broadcast_in_dim3A_226 {strides = array<i32>} : memref<2x64x128xf32, #tpu.memory_space<vmem>>, vector<16xf32>,
      %broadcast_in_dim3A_232 = arith.constant 0.000000e+00 : f32
      %broadcast_in_dim3A_233 = vector.broadcast %broadcast_in_dim3A_232 : f32 to vector<16xf32>
      %swap3A_234 = arith.constant 0 : i32
      %swap3A_235 = arith.index_cast %swap3A_234 : i32 to index
      %swap3A_236 = arith.index_cast %scan3A_191 : i32 to index
      %swap3A_237 = arith.constant 96 : index
      %swap3A_238 = tpu.vector_load %arg32[%swap3A_235, %swap3A_236, %swap3A_237] {strides = array<i32>} : memref<2x64x128xf32, #tpu.memory_space<vmem>>, vector<16xf32>,
      tpu.vector_store %arg32[%swap3A_235, %swap3A_236, %swap3A_237], %broadcast_in_dim3A_233 {strides = array<i32>} : memref<2x64x128xf32, #tpu.memory_space<vmem>>, vector<16xf32>,
      %broadcast_in_dim3A_239 = arith.constant 0.000000e+00 : f32
      %broadcast_in_dim3A_240 = vector.broadcast %broadcast_in_dim3A_239 : f32 to vector<16xf32>
      %swap3A_241 = arith.constant 0 : i32
      %swap3A_242 = arith.index_cast %swap3A_241 : i32 to index
      %swap3A_243 = arith.index_cast %scan3A_191 : i32 to index
      %swap3A_244 = arith.constant 112 : index
      %swap3A_245 = tpu.vector_load %arg32[%swap3A_242, %swap3A_243, %swap3A_244] {strides = array<i32>} : memref<2x64x128xf32, #tpu.memory_space<vmem>>, vector<16xf32>,
      tpu.vector_store %arg32[%swap3A_242, %swap3A_243, %swap3A_244], %broadcast_in_dim3A_240 {strides = array<i32>} : memref<2x64x128xf32, #tpu.memory_space<vmem>>, vector<16xf32>,
    }
    %scan3A_64 = arith.constant 64 : i32
    %scan3A_65 = arith.constant 0 : i32
    %scan3A_66 = arith.constant 0 : i32
    %scan3A_67 = arith.constant 10 : i32
    %scan3A_68 = arith.addi %scan3A_66, %scan3A_67 : i32
    %scan3A_69 = arith.constant 1 : i32
    scf.for %scan3A_191 = %scan3A_66 to %scan3A_68 step %scan3A_69  : i32 {
      %mul3A_192 = arith.constant 16 : i32
      %mul3A_193 = arith.muli %scan3A_191, %mul3A_192 : i32
      %add3A_194 = arith.addi %arg1, %mul3A_193 : i32
      %lt3A = arith.constant 157 : i32
      %lt3A_195 = arith.cmpi slt, %add3A_194, %lt3A : i32
      %convert_element_type3A = arith.extui %lt3A_195 : i1 to i32
      %cond3A = arith.constant 0 : i32
      %cond3A_196 = arith.cmpi ne, %convert_element_type3A, %cond3A : i32
      scf.if %cond3A_196 {
        %mul3A_197 = arith.constant 64 : i32
        %mul3A_198 = arith.muli %add3A_194, %mul3A_197 : i32
        %dma_start3A_199 = arith.constant 0 : i32
        %dma_start3A_200 = arith.constant 0 : i32
        %dma_start3A_201 = arith.constant 0 : i32
        %dma_start3A_202 = tpu.memref_slice %arg32[%dma_start3A_199, %dma_start3A_200, %dma_start3A_201] : memref<2x64x128xf32, #tpu.memory_space<vmem>> -> memref<1x64x128xf32, #tpu.memory_space<vmem>>
        %dma_start3A_203 = tpu.memref_squeeze %dma_start3A_202 : memref<1x64x128xf32, #tpu.memory_space<vmem>> -> memref<64x128xf32, #tpu.memory_space<vmem>>
        %dma_start3A_204 = arith.constant 0 : i32
        %dma_start3A_205 = tpu.memref_slice %arg33[%mul3A_198, %dma_start3A_204] : memref<10048x128xf32, #tpu.memory_space<vmem_shared>> -> memref<64x128xf32, #tpu.memory_space<vmem_shared>>
        %dma_start3A_206 = arith.constant 0 : i32
        %dma_start3A_207 = tpu.memref_slice %arg33[%mul3A_198, %dma_start3A_206] : memref<10048x128xf32, #tpu.memory_space<vmem_shared>> -> memref<64x128xf32, #tpu.memory_space<vmem_shared>>
        %dma_start3A_208 = arith.constant 0 : i32
        %dma_start3A_209 = arith.constant 0 : i32
        %dma_start3A_210 = tpu.memref_slice %arg32[%dma_start3A_199, %dma_start3A_208, %dma_start3A_209] : memref<2x64x128xf32, #tpu.memory_space<vmem>> -> memref<1x64x128xf32, #tpu.memory_space<vmem>>
        %dma_start3A_211 = tpu.memref_squeeze %dma_start3A_210 : memref<1x64x128xf32, #tpu.memory_space<vmem>> -> memref<64x128xf32, #tpu.memory_space<vmem>>
        tpu.enqueue_dma source(%dma_start3A_211 : memref<64x128xf32, #tpu.memory_space<vmem>>) target(%dma_start3A_207 : memref<64x128xf32, #tpu.memory_space<vmem_shared>>) target_semaphore(%arg50 : memref<!tpu.dma_semaphore, #tpu.memory_space<semaphore_mem>>)
      } else {
      }
    }
    %scan3A_70 = arith.constant 10 : i32
    %scan3A_71 = arith.constant 0 : i32
    %scan3A_72 = arith.constant 0 : i32
    %scan3A_73 = arith.constant 10 : i32
    %scan3A_74 = arith.addi %scan3A_72, %scan3A_73 : i32
    %scan3A_75 = arith.constant 1 : i32
    scf.for %scan3A_191 = %scan3A_72 to %scan3A_74 step %scan3A_75  : i32 {
      %mul3A_192 = arith.constant 16 : i32
      %mul3A_193 = arith.muli %scan3A_191, %mul3A_192 : i32
      %add3A_194 = arith.addi %arg1, %mul3A_193 : i32
      %lt3A = arith.constant 157 : i32
      %lt3A_195 = arith.cmpi slt, %add3A_194, %lt3A : i32
      %convert_element_type3A = arith.extui %lt3A_195 : i1 to i32
      %cond3A = arith.constant 0 : i32
      %cond3A_196 = arith.cmpi ne, %convert_element_type3A, %cond3A : i32
      scf.if %cond3A_196 {
        %mul3A_197 = arith.constant 64 : i32
        %mul3A_198 = arith.muli %add3A_194, %mul3A_197 : i32
        %dma_wait3A_199 = arith.constant 0 : i32
        %dma_wait3A_200 = arith.constant 0 : i32
        %dma_wait3A_201 = arith.constant 0 : i32
        %dma_wait3A_202 = tpu.memref_slice %arg32[%dma_wait3A_199, %dma_wait3A_200, %dma_wait3A_201] : memref<2x64x128xf32, #tpu.memory_space<vmem>> -> memref<1x64x128xf32, #tpu.memory_space<vmem>>
        %dma_wait3A_203 = tpu.memref_squeeze %dma_wait3A_202 : memref<1x64x128xf32, #tpu.memory_space<vmem>> -> memref<64x128xf32, #tpu.memory_space<vmem>>
        %dma_wait3A_204 = arith.constant 0 : i32
        %dma_wait3A_205 = tpu.memref_slice %arg33[%mul3A_198, %dma_wait3A_204] : memref<10048x128xf32, #tpu.memory_space<vmem_shared>> -> memref<64x128xf32, #tpu.memory_space<vmem_shared>>
        %dma_wait3A_206 = arith.constant 0 : i32
        %dma_wait3A_207 = tpu.memref_slice %arg33[%mul3A_198, %dma_wait3A_206] : memref<10048x128xf32, #tpu.memory_space<vmem_shared>> -> memref<64x128xf32, #tpu.memory_space<vmem_shared>>
        %dma_wait3A_208 = arith.constant 0 : i32
        %dma_wait3A_209 = arith.constant 0 : i32
        %dma_wait3A_210 = tpu.memref_slice %arg32[%dma_wait3A_199, %dma_wait3A_208, %dma_wait3A_209] : memref<2x64x128xf32, #tpu.memory_space<vmem>> -> memref<1x64x128xf32, #tpu.memory_space<vmem>>
        %dma_wait3A_211 = tpu.memref_squeeze %dma_wait3A_210 : memref<1x64x128xf32, #tpu.memory_space<vmem>> -> memref<64x128xf32, #tpu.memory_space<vmem>>
        tpu.wait_dma2 semaphore(%arg50 : memref<!tpu.dma_semaphore, #tpu.memory_space<semaphore_mem>>) src(%dma_wait3A_211 : memref<64x128xf32, #tpu.memory_space<vmem>>) dst(%dma_wait3A_207 : memref<64x128xf32, #tpu.memory_space<vmem_shared>>)
      } else {
      }
    }
    %scan3A_76 = arith.constant 10 : i32
    %barrier3A = arith.constant 0 : index
    tpu.barrier barrier_id(%barrier3A)
    %dma_wait3A = arith.constant 0 : i32
    %dma_wait3A_77 = tpu.memref_slice %arg4[%dma_wait3A] : memref<327680xi32, #tpu.memory_space<hbm>> -> memref<64xi32, #tpu.memory_space<hbm>>
    %dma_wait3A_78 = arith.constant 0 : i32
    %dma_wait3A_79 = tpu.memref_slice %arg4[%dma_wait3A_78] : memref<327680xi32, #tpu.memory_space<hbm>> -> memref<64xi32, #tpu.memory_space<hbm>>
    tpu.wait_dma2 semaphore(%arg34 : memref<!tpu.dma_semaphore, #tpu.memory_space<semaphore_mem>>) src(%dma_wait3A_79 : memref<64xi32, #tpu.memory_space<hbm>>) dst(%arg7 : memref<64xi32, #tpu.memory_space<vmem>>)
    %dma_wait3A_80 = arith.constant 0 : i32
    %dma_wait3A_81 = tpu.memref_slice %arg3[%dma_wait3A_80] : memref<327680xi32, #tpu.memory_space<hbm>> -> memref<64xi32, #tpu.memory_space<hbm>>
    %dma_wait3A_82 = arith.constant 0 : i32
    %dma_wait3A_83 = tpu.memref_slice %arg3[%dma_wait3A_82] : memref<327680xi32, #tpu.memory_space<hbm>> -> memref<64xi32, #tpu.memory_space<hbm>>
    tpu.wait_dma2 semaphore(%arg34 : memref<!tpu.dma_semaphore, #tpu.memory_space<semaphore_mem>>) src(%dma_wait3A_83 : memref<64xi32, #tpu.memory_space<hbm>>) dst(%arg15 : memref<64xi32, #tpu.memory_space<vmem>>)
    %dma_wait3A_84 = arith.constant 0 : i32
    %dma_wait3A_85 = tpu.memref_slice %arg5[%dma_wait3A_84] : memref<327680xf32, #tpu.memory_space<hbm>> -> memref<64xf32, #tpu.memory_space<hbm>>
    %dma_wait3A_86 = arith.constant 0 : i32
    %dma_wait3A_87 = tpu.memref_slice %arg5[%dma_wait3A_86] : memref<327680xf32, #tpu.memory_space<hbm>> -> memref<64xf32, #tpu.memory_space<hbm>>
    tpu.wait_dma2 semaphore(%arg34 : memref<!tpu.dma_semaphore, #tpu.memory_space<semaphore_mem>>) src(%dma_wait3A_87 : memref<64xf32, #tpu.memory_space<hbm>>) dst(%arg23 : memref<64xf32, #tpu.memory_space<vmem>>)
    %dma_start3A_88 = arith.constant 0 : i32
    %dma_start3A_89 = arith.constant 0 : i32
    %dma_start3A_90 = arith.constant 0 : i32
    %dma_start3A_91 = tpu.memref_slice %arg31[%dma_start3A_88, %dma_start3A_89, %dma_start3A_90] : memref<8x64x64xi32, #tpu.memory_space<vmem>> -> memref<1x64x64xi32, #tpu.memory_space<vmem>>
    %dma_start3A_92 = tpu.memref_squeeze %dma_start3A_91 : memref<1x64x64xi32, #tpu.memory_space<vmem>> -> memref<64x64xi32, #tpu.memory_space<vmem>>
    %dma_start3A_93 = arith.constant 0 : i32
    %dma_start3A_94 = arith.constant 0 : i32
    %dma_start3A_95 = tpu.memref_slice %arg2[%dma_start3A_93, %dma_start3A_94] : memref<10000x64xi32, #tpu.memory_space<hbm>> -> memref<10000x64xi32, #tpu.memory_space<hbm>>
    tpu.enqueue_indirect_dma source(%dma_start3A_95 : memref<10000x64xi32, #tpu.memory_space<hbm>>) target(%dma_start3A_92 : memref<64x64xi32, #tpu.memory_space<vmem>>) offsets(%arg7 : memref<64xi32, #tpu.memory_space<vmem>>) semaphore(%arg42 : memref<!tpu.dma_semaphore, #tpu.memory_space<semaphore_mem>>)
    %dma_wait3A_96 = arith.constant 0 : i32
    %dma_wait3A_97 = tpu.memref_slice %arg4[%dma_wait3A_96] : memref<327680xi32, #tpu.memory_space<hbm>> -> memref<64xi32, #tpu.memory_space<hbm>>
    %dma_wait3A_98 = arith.constant 0 : i32
    %dma_wait3A_99 = tpu.memref_slice %arg4[%dma_wait3A_98] : memref<327680xi32, #tpu.memory_space<hbm>> -> memref<64xi32, #tpu.memory_space<hbm>>
    tpu.wait_dma2 semaphore(%arg35 : memref<!tpu.dma_semaphore, #tpu.memory_space<semaphore_mem>>) src(%dma_wait3A_99 : memref<64xi32, #tpu.memory_space<hbm>>) dst(%arg8 : memref<64xi32, #tpu.memory_space<vmem>>)
    %dma_wait3A_100 = arith.constant 0 : i32
    %dma_wait3A_101 = tpu.memref_slice %arg3[%dma_wait3A_100] : memref<327680xi32, #tpu.memory_space<hbm>> -> memref<64xi32, #tpu.memory_space<hbm>>
    %dma_wait3A_102 = arith.constant 0 : i32
    %dma_wait3A_103 = tpu.memref_slice %arg3[%dma_wait3A_102] : memref<327680xi32, #tpu.memory_space<hbm>> -> memref<64xi32, #tpu.memory_space<hbm>>
    tpu.wait_dma2 semaphore(%arg35 : memref<!tpu.dma_semaphore, #tpu.memory_space<semaphore_mem>>) src(%dma_wait3A_103 : memref<64xi32, #tpu.memory_space<hbm>>) dst(%arg16 : memref<64xi32, #tpu.memory_space<vmem>>)
    %dma_wait3A_104 = arith.constant 0 : i32
    %dma_wait3A_105 = tpu.memref_slice %arg5[%dma_wait3A_104] : memref<327680xf32, #tpu.memory_space<hbm>> -> memref<64xf32, #tpu.memory_space<hbm>>
    %dma_wait3A_106 = arith.constant 0 : i32
    %dma_wait3A_107 = tpu.memref_slice %arg5[%dma_wait3A_106] : memref<327680xf32, #tpu.memory_space<hbm>> -> memref<64xf32, #tpu.memory_space<hbm>>
    tpu.wait_dma2 semaphore(%arg35 : memref<!tpu.dma_semaphore, #tpu.memory_space<semaphore_mem>>) src(%dma_wait3A_107 : memref<64xf32, #tpu.memory_space<hbm>>) dst(%arg24 : memref<64xf32, #tpu.memory_space<vmem>>)
    %dma_start3A_108 = arith.constant 1 : i32
    %dma_start3A_109 = arith.constant 0 : i32
    %dma_start3A_110 = arith.constant 0 : i32
    %dma_start3A_111 = tpu.memref_slice %arg31[%dma_start3A_108, %dma_start3A_109, %dma_start3A_110] : memref<8x64x64xi32, #tpu.memory_space<vmem>> -> memref<1x64x64xi32, #tpu.memory_space<vmem>>
    %dma_start3A_112 = tpu.memref_squeeze %dma_start3A_111 : memref<1x64x64xi32, #tpu.memory_space<vmem>> -> memref<64x64xi32, #tpu.memory_space<vmem>>
    %dma_start3A_113 = arith.constant 0 : i32
    %dma_start3A_114 = arith.constant 0 : i32
    %dma_start3A_115 = tpu.memref_slice %arg2[%dma_start3A_113, %dma_start3A_114] : memref<10000x64xi32, #tpu.memory_space<hbm>> -> memref<10000x64xi32, #tpu.memory_space<hbm>>
    tpu.enqueue_indirect_dma source(%dma_start3A_115 : memref<10000x64xi32, #tpu.memory_space<hbm>>) target(%dma_start3A_112 : memref<64x64xi32, #tpu.memory_space<vmem>>) offsets(%arg8 : memref<64xi32, #tpu.memory_space<vmem>>) semaphore(%arg43 : memref<!tpu.dma_semaphore, #tpu.memory_space<semaphore_mem>>)
    %dma_wait3A_116 = arith.constant 0 : i32
    %dma_wait3A_117 = tpu.memref_slice %arg4[%dma_wait3A_116] : memref<327680xi32, #tpu.memory_space<hbm>> -> memref<64xi32, #tpu.memory_space<hbm>>
    %dma_wait3A_118 = arith.constant 0 : i32
    %dma_wait3A_119 = tpu.memref_slice %arg4[%dma_wait3A_118] : memref<327680xi32, #tpu.memory_space<hbm>> -> memref<64xi32, #tpu.memory_space<hbm>>
    tpu.wait_dma2 semaphore(%arg36 : memref<!tpu.dma_semaphore, #tpu.memory_space<semaphore_mem>>) src(%dma_wait3A_119 : memref<64xi32, #tpu.memory_space<hbm>>) dst(%arg9 : memref<64xi32, #tpu.memory_space<vmem>>)
    %dma_wait3A_120 = arith.constant 0 : i32
    %dma_wait3A_121 = tpu.memref_slice %arg3[%dma_wait3A_120] : memref<327680xi32, #tpu.memory_space<hbm>> -> memref<64xi32, #tpu.memory_space<hbm>>
    %dma_wait3A_122 = arith.constant 0 : i32
    %dma_wait3A_123 = tpu.memref_slice %arg3[%dma_wait3A_122] : memref<327680xi32, #tpu.memory_space<hbm>> -> memref<64xi32, #tpu.memory_space<hbm>>
    tpu.wait_dma2 semaphore(%arg36 : memref<!tpu.dma_semaphore, #tpu.memory_space<semaphore_mem>>) src(%dma_wait3A_123 : memref<64xi32, #tpu.memory_space<hbm>>) dst(%arg17 : memref<64xi32, #tpu.memory_space<vmem>>)
    %dma_wait3A_124 = arith.constant 0 : i32
    %dma_wait3A_125 = tpu.memref_slice %arg5[%dma_wait3A_124] : memref<327680xf32, #tpu.memory_space<hbm>> -> memref<64xf32, #tpu.memory_space<hbm>>
    %dma_wait3A_126 = arith.constant 0 : i32
    %dma_wait3A_127 = tpu.memref_slice %arg5[%dma_wait3A_126] : memref<327680xf32, #tpu.memory_space<hbm>> -> memref<64xf32, #tpu.memory_space<hbm>>
    tpu.wait_dma2 semaphore(%arg36 : memref<!tpu.dma_semaphore, #tpu.memory_space<semaphore_mem>>) src(%dma_wait3A_127 : memref<64xf32, #tpu.memory_space<hbm>>) dst(%arg25 : memref<64xf32, #tpu.memory_space<vmem>>)
    %dma_start3A_128 = arith.constant 2 : i32
    %dma_start3A_129 = arith.constant 0 : i32
    %dma_start3A_130 = arith.constant 0 : i32
    %dma_start3A_131 = tpu.memref_slice %arg31[%dma_start3A_128, %dma_start3A_129, %dma_start3A_130] : memref<8x64x64xi32, #tpu.memory_space<vmem>> -> memref<1x64x64xi32, #tpu.memory_space<vmem>>
    %dma_start3A_132 = tpu.memref_squeeze %dma_start3A_131 : memref<1x64x64xi32, #tpu.memory_space<vmem>> -> memref<64x64xi32, #tpu.memory_space<vmem>>
    %dma_start3A_133 = arith.constant 0 : i32
    %dma_start3A_134 = arith.constant 0 : i32
    %dma_start3A_135 = tpu.memref_slice %arg2[%dma_start3A_133, %dma_start3A_134] : memref<10000x64xi32, #tpu.memory_space<hbm>> -> memref<10000x64xi32, #tpu.memory_space<hbm>>
    tpu.enqueue_indirect_dma source(%dma_start3A_135 : memref<10000x64xi32, #tpu.memory_space<hbm>>) target(%dma_start3A_132 : memref<64x64xi32, #tpu.memory_space<vmem>>) offsets(%arg9 : memref<64xi32, #tpu.memory_space<vmem>>) semaphore(%arg44 : memref<!tpu.dma_semaphore, #tpu.memory_space<semaphore_mem>>)
    %dma_wait3A_136 = arith.constant 0 : i32
    %dma_wait3A_137 = tpu.memref_slice %arg4[%dma_wait3A_136] : memref<327680xi32, #tpu.memory_space<hbm>> -> memref<64xi32, #tpu.memory_space<hbm>>
    %dma_wait3A_138 = arith.constant 0 : i32
    %dma_wait3A_139 = tpu.memref_slice %arg4[%dma_wait3A_138] : memref<327680xi32, #tpu.memory_space<hbm>> -> memref<64xi32, #tpu.memory_space<hbm>>
    tpu.wait_dma2 semaphore(%arg37 : memref<!tpu.dma_semaphore, #tpu.memory_space<semaphore_mem>>) src(%dma_wait3A_139 : memref<64xi32, #tpu.memory_space<hbm>>) dst(%arg10 : memref<64xi32, #tpu.memory_space<vmem>>)
    %dma_wait3A_140 = arith.constant 0 : i32
    %dma_wait3A_141 = tpu.memref_slice %arg3[%dma_wait3A_140] : memref<327680xi32, #tpu.memory_space<hbm>> -> memref<64xi32, #tpu.memory_space<hbm>>
    %dma_wait3A_142 = arith.constant 0 : i32
    %dma_wait3A_143 = tpu.memref_slice %arg3[%dma_wait3A_142] : memref<327680xi32, #tpu.memory_space<hbm>> -> memref<64xi32, #tpu.memory_space<hbm>>
    tpu.wait_dma2 semaphore(%arg37 : memref<!tpu.dma_semaphore, #tpu.memory_space<semaphore_mem>>) src(%dma_wait3A_143 : memref<64xi32, #tpu.memory_space<hbm>>) dst(%arg18 : memref<64xi32, #tpu.memory_space<vmem>>)
    %dma_wait3A_144 = arith.constant 0 : i32
    %dma_wait3A_145 = tpu.memref_slice %arg5[%dma_wait3A_144] : memref<327680xf32, #tpu.memory_space<hbm>> -> memref<64xf32, #tpu.memory_space<hbm>>
    %dma_wait3A_146 = arith.constant 0 : i32
    %dma_wait3A_147 = tpu.memref_slice %arg5[%dma_wait3A_146] : memref<327680xf32, #tpu.memory_space<hbm>> -> memref<64xf32, #tpu.memory_space<hbm>>
    tpu.wait_dma2 semaphore(%arg37 : memref<!tpu.dma_semaphore, #tpu.memory_space<semaphore_mem>>) src(%dma_wait3A_147 : memref<64xf32, #tpu.memory_space<hbm>>) dst(%arg26 : memref<64xf32, #tpu.memory_space<vmem>>)
    %dma_start3A_148 = arith.constant 3 : i32
    %dma_start3A_149 = arith.constant 0 : i32
    %dma_start3A_150 = arith.constant 0 : i32
    %dma_start3A_151 = tpu.memref_slice %arg31[%dma_start3A_148, %dma_start3A_149, %dma_start3A_150] : memref<8x64x64xi32, #tpu.memory_space<vmem>> -> memref<1x64x64xi32, #tpu.memory_space<vmem>>
    %dma_start3A_152 = tpu.memref_squeeze %dma_start3A_151 : memref<1x64x64xi32, #tpu.memory_space<vmem>> -> memref<64x64xi32, #tpu.memory_space<vmem>>
    %dma_start3A_153 = arith.constant 0 : i32
    %dma_start3A_154 = arith.constant 0 : i32
    %dma_start3A_155 = tpu.memref_slice %arg2[%dma_start3A_153, %dma_start3A_154] : memref<10000x64xi32, #tpu.memory_space<hbm>> -> memref<10000x64xi32, #tpu.memory_space<hbm>>
    tpu.enqueue_indirect_dma source(%dma_start3A_155 : memref<10000x64xi32, #tpu.memory_space<hbm>>) target(%dma_start3A_152 : memref<64x64xi32, #tpu.memory_space<vmem>>) offsets(%arg10 : memref<64xi32, #tpu.memory_space<vmem>>) semaphore(%arg45 : memref<!tpu.dma_semaphore, #tpu.memory_space<semaphore_mem>>)
    %scan3A_156 = arith.constant 0 : i32
    %scan3A_157 = arith.constant 0 : i32
    %scan3A_158 = arith.constant 20 : i32
    %scan3A_159 = arith.addi %scan3A_157, %scan3A_158 : i32
    %scan3A_160 = arith.constant 1 : i32
    scf.for %scan3A_191 = %scan3A_157 to %scan3A_159 step %scan3A_160  : i32 {
      %mul3A_192 = arith.constant 8 : i32
      %mul3A_193 = arith.muli %mul3A_192, %scan3A_191 : i32
      %add3A_194 = arith.constant 0 : i32
      %add3A_195 = arith.addi %mul3A_193, %add3A_194 : i32
      %add3A_196 = arith.constant 4 : i32
      %add3A_197 = arith.addi %add3A_195, %add3A_196 : i32
      %lt3A = arith.constant 160 : i32
      %lt3A_198 = arith.cmpi slt, %add3A_197, %lt3A : i32
      %convert_element_type3A = arith.extui %lt3A_198 : i1 to i32
      %cond3A = arith.constant 0 : i32
      %cond3A_199 = arith.cmpi ne, %convert_element_type3A, %cond3A : i32
      scf.if %cond3A_199 {
        %dma_wait3A_548 = arith.constant 0 : i32
        %dma_wait3A_549 = tpu.memref_slice %arg4[%dma_wait3A_548] : memref<327680xi32, #tpu.memory_space<hbm>> -> memref<64xi32, #tpu.memory_space<hbm>>
        %dma_wait3A_550 = arith.constant 0 : i32
        %dma_wait3A_551 = tpu.memref_slice %arg4[%dma_wait3A_550] : memref<327680xi32, #tpu.memory_space<hbm>> -> memref<64xi32, #tpu.memory_space<hbm>>
        tpu.wait_dma2 semaphore(%arg38 : memref<!tpu.dma_semaphore, #tpu.memory_space<semaphore_mem>>) src(%dma_wait3A_551 : memref<64xi32, #tpu.memory_space<hbm>>) dst(%arg11 : memref<64xi32, #tpu.memory_space<vmem>>)
        %dma_wait3A_552 = arith.constant 0 : i32
        %dma_wait3A_553 = tpu.memref_slice %arg3[%dma_wait3A_552] : memref<327680xi32, #tpu.memory_space<hbm>> -> memref<64xi32, #tpu.memory_space<hbm>>
        %dma_wait3A_554 = arith.constant 0 : i32
        %dma_wait3A_555 = tpu.memref_slice %arg3[%dma_wait3A_554] : memref<327680xi32, #tpu.memory_space<hbm>> -> memref<64xi32, #tpu.memory_space<hbm>>
        tpu.wait_dma2 semaphore(%arg38 : memref<!tpu.dma_semaphore, #tpu.memory_space<semaphore_mem>>) src(%dma_wait3A_555 : memref<64xi32, #tpu.memory_space<hbm>>) dst(%arg19 : memref<64xi32, #tpu.memory_space<vmem>>)
        %dma_wait3A_556 = arith.constant 0 : i32
        %dma_wait3A_557 = tpu.memref_slice %arg5[%dma_wait3A_556] : memref<327680xf32, #tpu.memory_space<hbm>> -> memref<64xf32, #tpu.memory_space<hbm>>
        %dma_wait3A_558 = arith.constant 0 : i32
        %dma_wait3A_559 = tpu.memref_slice %arg5[%dma_wait3A_558] : memref<327680xf32, #tpu.memory_space<hbm>> -> memref<64xf32, #tpu.memory_space<hbm>>
        tpu.wait_dma2 semaphore(%arg38 : memref<!tpu.dma_semaphore, #tpu.memory_space<semaphore_mem>>) src(%dma_wait3A_559 : memref<64xf32, #tpu.memory_space<hbm>>) dst(%arg27 : memref<64xf32, #tpu.memory_space<vmem>>)
        %dma_start3A_560 = arith.constant 4 : i32
        %dma_start3A_561 = arith.constant 0 : i32
        %dma_start3A_562 = arith.constant 0 : i32
        %dma_start3A_563 = tpu.memref_slice %arg31[%dma_start3A_560, %dma_start3A_561, %dma_start3A_562] : memref<8x64x64xi32, #tpu.memory_space<vmem>> -> memref<1x64x64xi32, #tpu.memory_space<vmem>>
        %dma_start3A_564 = tpu.memref_squeeze %dma_start3A_563 : memref<1x64x64xi32, #tpu.memory_space<vmem>> -> memref<64x64xi32, #tpu.memory_space<vmem>>
        %dma_start3A_565 = arith.constant 0 : i32
        %dma_start3A_566 = arith.constant 0 : i32
        %dma_start3A_567 = tpu.memref_slice %arg2[%dma_start3A_565, %dma_start3A_566] : memref<10000x64xi32, #tpu.memory_space<hbm>> -> memref<10000x64xi32, #tpu.memory_space<hbm>>
        tpu.enqueue_indirect_dma source(%dma_start3A_567 : memref<10000x64xi32, #tpu.memory_space<hbm>>) target(%dma_start3A_564 : memref<64x64xi32, #tpu.memory_space<vmem>>) offsets(%arg11 : memref<64xi32, #tpu.memory_space<vmem>>) semaphore(%arg46 : memref<!tpu.dma_semaphore, #tpu.memory_space<semaphore_mem>>)
      } else {
      }
      %dma_wait3A_200 = arith.constant 0 : i32
      %dma_wait3A_201 = arith.constant 0 : i32
      %dma_wait3A_202 = arith.constant 0 : i32
      %dma_wait3A_203 = tpu.memref_slice %arg31[%dma_wait3A_200, %dma_wait3A_201, %dma_wait3A_202] : memref<8x64x64xi32, #tpu.memory_space<vmem>> -> memref<1x64x64xi32, #tpu.memory_space<vmem>>
      %dma_wait3A_204 = tpu.memref_squeeze %dma_wait3A_203 : memref<1x64x64xi32, #tpu.memory_space<vmem>> -> memref<64x64xi32, #tpu.memory_space<vmem>>
      %dma_wait3A_205 = arith.constant 0 : i32
      %dma_wait3A_206 = arith.constant 0 : i32
      %dma_wait3A_207 = tpu.memref_slice %arg2[%dma_wait3A_205, %dma_wait3A_206] : memref<10000x64xi32, #tpu.memory_space<hbm>> -> memref<10000x64xi32, #tpu.memory_space<hbm>>
      tpu.wait_indirect_dma semaphore(%arg42 : memref<!tpu.dma_semaphore, #tpu.memory_space<semaphore_mem>>) src(%dma_wait3A_207 : memref<10000x64xi32, #tpu.memory_space<hbm>>) dst(%dma_wait3A_204 : memref<64x64xi32, #tpu.memory_space<vmem>>)
      %ge3A = arith.constant 2 : i32
      %ge3A_208 = arith.cmpi sge, %add3A_195, %ge3A : i32
      %convert_element_type3A_209 = arith.extui %ge3A_208 : i1 to i32
      %cond3A_210 = arith.constant 0 : i32
      %cond3A_211 = arith.cmpi ne, %convert_element_type3A_209, %cond3A_210 : i32
      scf.if %cond3A_211 {
        %dma_wait3A_548 = arith.constant 0 : i32
        %dma_wait3A_549 = arith.constant 0 : i32
        %dma_wait3A_550 = arith.constant 0 : i32
        %dma_wait3A_551 = tpu.memref_slice %arg32[%dma_wait3A_548, %dma_wait3A_549, %dma_wait3A_550] : memref<2x64x128xf32, #tpu.memory_space<vmem>> -> memref<1x64x128xf32, #tpu.memory_space<vmem>>
        %dma_wait3A_552 = tpu.memref_squeeze %dma_wait3A_551 : memref<1x64x128xf32, #tpu.memory_space<vmem>> -> memref<64x128xf32, #tpu.memory_space<vmem>>
        %dma_wait3A_553 = arith.constant 0 : i32
        %dma_wait3A_554 = arith.constant 0 : i32
        %dma_wait3A_555 = tpu.memref_slice %arg33[%dma_wait3A_553, %dma_wait3A_554] : memref<10048x128xf32, #tpu.memory_space<vmem_shared>> -> memref<10048x128xf32, #tpu.memory_space<vmem_shared>>
        tpu.wait_indirect_dma semaphore(%arg50 : memref<!tpu.dma_semaphore, #tpu.memory_space<semaphore_mem>>) src(%dma_wait3A_552 : memref<64x128xf32, #tpu.memory_space<vmem>>) dst(%dma_wait3A_555 : memref<10048x128xf32, #tpu.memory_space<vmem_shared>>)
      } else {
      }
      %scan3A_212 = arith.constant 0 : i32
      %scan3A_213 = arith.constant 0 : i32
      %scan3A_214 = arith.constant 64 : i32
      %scan3A_215 = arith.addi %scan3A_213, %scan3A_214 : i32
      %scan3A_216 = arith.constant 1 : i32
      scf.for %scan3A_548 = %scan3A_213 to %scan3A_215 step %scan3A_216  : i32 {
        %broadcast_in_dim3A = vector.broadcast %scan3A_548 : i32 to vector<16xi32>
        %gather3A = tpu.vector_load_idx %arg23[%broadcast_in_dim3A] : memref<64xf32, #tpu.memory_space<vmem>>[vector<16xi32>], vector<16xf32>,
        %get3A = arith.constant 0 : i32
        %get3A_549 = arith.index_cast %get3A : i32 to index
        %get3A_550 = arith.index_cast %scan3A_548 : i32 to index
        %get3A_551 = arith.constant 0 : index
        %get3A_552 = tpu.vector_load %arg31[%get3A_549, %get3A_550, %get3A_551] {strides = array<i32>} : memref<8x64x64xi32, #tpu.memory_space<vmem>>, vector<16xi32>,
        %shift_left3A = arith.constant 16 : i32
        %shift_left3A_553 = vector.broadcast %shift_left3A : i32 to vector<16xi32>
        %shift_left3A_554 = arith.shli %get3A_552, %shift_left3A_553 : vector<16xi32>
        %bitcast3A = vector.bitcast %shift_left3A_554 : vector<16xi32> to vector<16xf32>
        %and3A = arith.constant -65536 : i32
        %and3A_555 = vector.broadcast %and3A : i32 to vector<16xi32>
        %and3A_556 = arith.andi %get3A_552, %and3A_555 : vector<16xi32>
        %bitcast3A_557 = vector.bitcast %and3A_556 : vector<16xi32> to vector<16xf32>
        %mul3A_558 = arith.mulf %bitcast3A, %gather3A : vector<16xf32>
        %swap3A = arith.constant 0 : i32
        %swap3A_559 = arith.index_cast %swap3A : i32 to index
        %swap3A_560 = arith.index_cast %scan3A_548 : i32 to index
        %swap3A_561 = arith.constant 0 : index
        %swap3A_562 = tpu.vector_load %arg32[%swap3A_559, %swap3A_560, %swap3A_561] {strides = array<i32>} : memref<2x64x128xf32, #tpu.memory_space<vmem>>, vector<16xf32>,
        tpu.vector_store %arg32[%swap3A_559, %swap3A_560, %swap3A_561], %mul3A_558 {strides = array<i32>} : memref<2x64x128xf32, #tpu.memory_space<vmem>>, vector<16xf32>,
        %mul3A_563 = arith.mulf %bitcast3A_557, %gather3A : vector<16xf32>
        %swap3A_564 = arith.constant 0 : i32
        %swap3A_565 = arith.index_cast %swap3A_564 : i32 to index
        %swap3A_566 = arith.index_cast %scan3A_548 : i32 to index
        %swap3A_567 = arith.constant 16 : index
        %swap3A_568 = tpu.vector_load %arg32[%swap3A_565, %swap3A_566, %swap3A_567] {strides = array<i32>} : memref<2x64x128xf32, #tpu.memory_space<vmem>>, vector<16xf32>,
        tpu.vector_store %arg32[%swap3A_565, %swap3A_566, %swap3A_567], %mul3A_563 {strides = array<i32>} : memref<2x64x128xf32, #tpu.memory_space<vmem>>, vector<16xf32>,
        %get3A_569 = arith.constant 0 : i32
        %get3A_570 = arith.index_cast %get3A_569 : i32 to index
        %get3A_571 = arith.index_cast %scan3A_548 : i32 to index
        %get3A_572 = arith.constant 16 : index
        %get3A_573 = tpu.vector_load %arg31[%get3A_570, %get3A_571, %get3A_572] {strides = array<i32>} : memref<8x64x64xi32, #tpu.memory_space<vmem>>, vector<16xi32>,
        %shift_left3A_574 = arith.constant 16 : i32
        %shift_left3A_575 = vector.broadcast %shift_left3A_574 : i32 to vector<16xi32>
        %shift_left3A_576 = arith.shli %get3A_573, %shift_left3A_575 : vector<16xi32>
        %bitcast3A_577 = vector.bitcast %shift_left3A_576 : vector<16xi32> to vector<16xf32>
        %and3A_578 = arith.constant -65536 : i32
        %and3A_579 = vector.broadcast %and3A_578 : i32 to vector<16xi32>
        %and3A_580 = arith.andi %get3A_573, %and3A_579 : vector<16xi32>
        %bitcast3A_581 = vector.bitcast %and3A_580 : vector<16xi32> to vector<16xf32>
        %mul3A_582 = arith.mulf %bitcast3A_577, %gather3A : vector<16xf32>
        %swap3A_583 = arith.constant 0 : i32
        %swap3A_584 = arith.index_cast %swap3A_583 : i32 to index
        %swap3A_585 = arith.index_cast %scan3A_548 : i32 to index
        %swap3A_586 = arith.constant 32 : index
        %swap3A_587 = tpu.vector_load %arg32[%swap3A_584, %swap3A_585, %swap3A_586] {strides = array<i32>} : memref<2x64x128xf32, #tpu.memory_space<vmem>>, vector<16xf32>,
        tpu.vector_store %arg32[%swap3A_584, %swap3A_585, %swap3A_586], %mul3A_582 {strides = array<i32>} : memref<2x64x128xf32, #tpu.memory_space<vmem>>, vector<16xf32>,
        %mul3A_588 = arith.mulf %bitcast3A_581, %gather3A : vector<16xf32>
        %swap3A_589 = arith.constant 0 : i32
        %swap3A_590 = arith.index_cast %swap3A_589 : i32 to index
        %swap3A_591 = arith.index_cast %scan3A_548 : i32 to index
        %swap3A_592 = arith.constant 48 : index
        %swap3A_593 = tpu.vector_load %arg32[%swap3A_590, %swap3A_591, %swap3A_592] {strides = array<i32>} : memref<2x64x128xf32, #tpu.memory_space<vmem>>, vector<16xf32>,
        tpu.vector_store %arg32[%swap3A_590, %swap3A_591, %swap3A_592], %mul3A_588 {strides = array<i32>} : memref<2x64x128xf32, #tpu.memory_space<vmem>>, vector<16xf32>,
        %get3A_594 = arith.constant 0 : i32
        %get3A_595 = arith.index_cast %get3A_594 : i32 to index
        %get3A_596 = arith.index_cast %scan3A_548 : i32 to index
        %get3A_597 = arith.constant 32 : index
        %get3A_598 = tpu.vector_load %arg31[%get3A_595, %get3A_596, %get3A_597] {strides = array<i32>} : memref<8x64x64xi32, #tpu.memory_space<vmem>>, vector<16xi32>,
        %shift_left3A_599 = arith.constant 16 : i32
        %shift_left3A_600 = vector.broadcast %shift_left3A_599 : i32 to vector<16xi32>
        %shift_left3A_601 = arith.shli %get3A_598, %shift_left3A_600 : vector<16xi32>
        %bitcast3A_602 = vector.bitcast %shift_left3A_601 : vector<16xi32> to vector<16xf32>
        %and3A_603 = arith.constant -65536 : i32
        %and3A_604 = vector.broadcast %and3A_603 : i32 to vector<16xi32>
        %and3A_605 = arith.andi %get3A_598, %and3A_604 : vector<16xi32>
        %bitcast3A_606 = vector.bitcast %and3A_605 : vector<16xi32> to vector<16xf32>
        %mul3A_607 = arith.mulf %bitcast3A_602, %gather3A : vector<16xf32>
        %swap3A_608 = arith.constant 0 : i32
        %swap3A_609 = arith.index_cast %swap3A_608 : i32 to index
        %swap3A_610 = arith.index_cast %scan3A_548 : i32 to index
        %swap3A_611 = arith.constant 64 : index
        %swap3A_612 = tpu.vector_load %arg32[%swap3A_609, %swap3A_610, %swap3A_611] {strides = array<i32>} : memref<2x64x128xf32, #tpu.memory_space<vmem>>, vector<16xf32>,
        tpu.vector_store %arg32[%swap3A_609, %swap3A_610, %swap3A_611], %mul3A_607 {strides = array<i32>} : memref<2x64x128xf32, #tpu.memory_space<vmem>>, vector<16xf32>,
        %mul3A_613 = arith.mulf %bitcast3A_606, %gather3A : vector<16xf32>
        %swap3A_614 = arith.constant 0 : i32
        %swap3A_615 = arith.index_cast %swap3A_614 : i32 to index
        %swap3A_616 = arith.index_cast %scan3A_548 : i32 to index
        %swap3A_617 = arith.constant 80 : index
        %swap3A_618 = tpu.vector_load %arg32[%swap3A_615, %swap3A_616, %swap3A_617] {strides = array<i32>} : memref<2x64x128xf32, #tpu.memory_space<vmem>>, vector<16xf32>,
        tpu.vector_store %arg32[%swap3A_615, %swap3A_616, %swap3A_617], %mul3A_613 {strides = array<i32>} : memref<2x64x128xf32, #tpu.memory_space<vmem>>, vector<16xf32>,
        %get3A_619 = arith.constant 0 : i32
        %get3A_620 = arith.index_cast %get3A_619 : i32 to index
        %get3A_621 = arith.index_cast %scan3A_548 : i32 to index
        %get3A_622 = arith.constant 48 : index
        %get3A_623 = tpu.vector_load %arg31[%get3A_620, %get3A_621, %get3A_622] {strides = array<i32>} : memref<8x64x64xi32, #tpu.memory_space<vmem>>, vector<16xi32>,
        %shift_left3A_624 = arith.constant 16 : i32
        %shift_left3A_625 = vector.broadcast %shift_left3A_624 : i32 to vector<16xi32>
        %shift_left3A_626 = arith.shli %get3A_623, %shift_left3A_625 : vector<16xi32>
        %bitcast3A_627 = vector.bitcast %shift_left3A_626 : vector<16xi32> to vector<16xf32>
        %and3A_628 = arith.constant -65536 : i32
        %and3A_629 = vector.broadcast %and3A_628 : i32 to vector<16xi32>
        %and3A_630 = arith.andi %get3A_623, %and3A_629 : vector<16xi32>
        %bitcast3A_631 = vector.bitcast %and3A_630 : vector<16xi32> to vector<16xf32>
        %mul3A_632 = arith.mulf %bitcast3A_627, %gather3A : vector<16xf32>
        %swap3A_633 = arith.constant 0 : i32
        %swap3A_634 = arith.index_cast %swap3A_633 : i32 to index
        %swap3A_635 = arith.index_cast %scan3A_548 : i32 to index
        %swap3A_636 = arith.constant 96 : index
        %swap3A_637 = tpu.vector_load %arg32[%swap3A_634, %swap3A_635, %swap3A_636] {strides = array<i32>} : memref<2x64x128xf32, #tpu.memory_space<vmem>>, vector<16xf32>,
        tpu.vector_store %arg32[%swap3A_634, %swap3A_635, %swap3A_636], %mul3A_632 {strides = array<i32>} : memref<2x64x128xf32, #tpu.memory_space<vmem>>, vector<16xf32>,
        %mul3A_638 = arith.mulf %bitcast3A_631, %gather3A : vector<16xf32>
        %swap3A_639 = arith.constant 0 : i32
        %swap3A_640 = arith.index_cast %swap3A_639 : i32 to index
        %swap3A_641 = arith.index_cast %scan3A_548 : i32 to index
        %swap3A_642 = arith.constant 112 : index
        %swap3A_643 = tpu.vector_load %arg32[%swap3A_640, %swap3A_641, %swap3A_642] {strides = array<i32>} : memref<2x64x128xf32, #tpu.memory_space<vmem>>, vector<16xf32>,
        tpu.vector_store %arg32[%swap3A_640, %swap3A_641, %swap3A_642], %mul3A_638 {strides = array<i32>} : memref<2x64x128xf32, #tpu.memory_space<vmem>>, vector<16xf32>,
      }
      %scan3A_217 = arith.constant 64 : i32
      %dma_start3A_218 = arith.constant 0 : i32
      %dma_start3A_219 = arith.constant 0 : i32
      %dma_start3A_220 = arith.constant 0 : i32
      %dma_start3A_221 = tpu.memref_slice %arg32[%dma_start3A_218, %dma_start3A_219, %dma_start3A_220] : memref<2x64x128xf32, #tpu.memory_space<vmem>> -> memref<1x64x128xf32, #tpu.memory_space<vmem>>
      %dma_start3A_222 = tpu.memref_squeeze %dma_start3A_221 : memref<1x64x128xf32, #tpu.memory_space<vmem>> -> memref<64x128xf32, #tpu.memory_space<vmem>>
      %dma_start3A_223 = arith.constant 0 : i32
      %dma_start3A_224 = arith.constant 0 : i32
      %dma_start3A_225 = tpu.memref_slice %arg33[%dma_start3A_223, %dma_start3A_224] : memref<10048x128xf32, #tpu.memory_space<vmem_shared>> -> memref<10048x128xf32, #tpu.memory_space<vmem_shared>>
      tpu.enqueue_indirect_dma source(%dma_start3A_222 : memref<64x128xf32, #tpu.memory_space<vmem>>) target(%dma_start3A_225 : memref<10048x128xf32, #tpu.memory_space<vmem_shared>>) offsets(%arg15 : memref<64xi32, #tpu.memory_space<vmem>>) semaphore(%arg50 : memref<!tpu.dma_semaphore, #tpu.memory_space<semaphore_mem>>) {add = true}
      %add3A_226 = arith.constant 6 : i32
      %add3A_227 = arith.addi %add3A_195, %add3A_226 : i32
      %lt3A_228 = arith.constant 160 : i32
      %lt3A_229 = arith.cmpi slt, %add3A_227, %lt3A_228 : i32
      %convert_element_type3A_230 = arith.extui %lt3A_229 : i1 to i32
      %cond3A_231 = arith.constant 0 : i32
      %cond3A_232 = arith.cmpi ne, %convert_element_type3A_230, %cond3A_231 : i32
      scf.if %cond3A_232 {
        %add3A_548 = arith.constant 6 : i32
        %add3A_549 = arith.addi %add3A_195, %add3A_548 : i32
        %mul3A_550 = arith.constant 10240 : i32
        %mul3A_551 = arith.muli %add3A, %mul3A_550 : i32
        %mul3A_552 = arith.constant 64 : i32
        %mul3A_553 = arith.muli %add3A_549, %mul3A_552 : i32
        %add3A_554 = arith.addi %mul3A_551, %mul3A_553 : i32
        %dma_start3A_555 = tpu.memref_slice %arg4[%add3A_554] : memref<327680xi32, #tpu.memory_space<hbm>> -> memref<64xi32, #tpu.memory_space<hbm>>
        %dma_start3A_556 = tpu.memref_slice %arg4[%add3A_554] : memref<327680xi32, #tpu.memory_space<hbm>> -> memref<64xi32, #tpu.memory_space<hbm>>
        tpu.enqueue_dma source(%dma_start3A_556 : memref<64xi32, #tpu.memory_space<hbm>>) target(%arg13 : memref<64xi32, #tpu.memory_space<vmem>>) target_semaphore(%arg40 : memref<!tpu.dma_semaphore, #tpu.memory_space<semaphore_mem>>)
        %dma_start3A_557 = tpu.memref_slice %arg3[%add3A_554] : memref<327680xi32, #tpu.memory_space<hbm>> -> memref<64xi32, #tpu.memory_space<hbm>>
        %dma_start3A_558 = tpu.memref_slice %arg3[%add3A_554] : memref<327680xi32, #tpu.memory_space<hbm>> -> memref<64xi32, #tpu.memory_space<hbm>>
        tpu.enqueue_dma source(%dma_start3A_558 : memref<64xi32, #tpu.memory_space<hbm>>) target(%arg21 : memref<64xi32, #tpu.memory_space<vmem>>) target_semaphore(%arg40 : memref<!tpu.dma_semaphore, #tpu.memory_space<semaphore_mem>>)
        %dma_start3A_559 = tpu.memref_slice %arg5[%add3A_554] : memref<327680xf32, #tpu.memory_space<hbm>> -> memref<64xf32, #tpu.memory_space<hbm>>
        %dma_start3A_560 = tpu.memref_slice %arg5[%add3A_554] : memref<327680xf32, #tpu.memory_space<hbm>> -> memref<64xf32, #tpu.memory_space<hbm>>
        tpu.enqueue_dma source(%dma_start3A_560 : memref<64xf32, #tpu.memory_space<hbm>>) target(%arg29 : memref<64xf32, #tpu.memory_space<vmem>>) target_semaphore(%arg40 : memref<!tpu.dma_semaphore, #tpu.memory_space<semaphore_mem>>)
      } else {
      }
      %mul3A_233 = arith.constant 8 : i32
      %mul3A_234 = arith.muli %mul3A_233, %scan3A_191 : i32
      %add3A_235 = arith.constant 1 : i32
      %add3A_236 = arith.addi %mul3A_234, %add3A_235 : i32
      %add3A_237 = arith.constant 4 : i32
      %add3A_238 = arith.addi %add3A_236, %add3A_237 : i32
      %lt3A_239 = arith.constant 160 : i32
      %lt3A_240 = arith.cmpi slt, %add3A_238, %lt3A_239 : i32
      %convert_element_type3A_241 = arith.extui %lt3A_240 : i1 to i32
      %cond3A_242 = arith.constant 0 : i32
      %cond3A_243 = arith.cmpi ne, %convert_element_type3A_241, %cond3A_242 : i32
      scf.if %cond3A_243 {
        %dma_wait3A_548 = arith.constant 0 : i32
        %dma_wait3A_549 = tpu.memref_slice %arg4[%dma_wait3A_548] : memref<327680xi32, #tpu.memory_space<hbm>> -> memref<64xi32, #tpu.memory_space<hbm>>
        %dma_wait3A_550 = arith.constant 0 : i32
        %dma_wait3A_551 = tpu.memref_slice %arg4[%dma_wait3A_550] : memref<327680xi32, #tpu.memory_space<hbm>> -> memref<64xi32, #tpu.memory_space<hbm>>
        tpu.wait_dma2 semaphore(%arg39 : memref<!tpu.dma_semaphore, #tpu.memory_space<semaphore_mem>>) src(%dma_wait3A_551 : memref<64xi32, #tpu.memory_space<hbm>>) dst(%arg12 : memref<64xi32, #tpu.memory_space<vmem>>)
        %dma_wait3A_552 = arith.constant 0 : i32
        %dma_wait3A_553 = tpu.memref_slice %arg3[%dma_wait3A_552] : memref<327680xi32, #tpu.memory_space<hbm>> -> memref<64xi32, #tpu.memory_space<hbm>>
        %dma_wait3A_554 = arith.constant 0 : i32
        %dma_wait3A_555 = tpu.memref_slice %arg3[%dma_wait3A_554] : memref<327680xi32, #tpu.memory_space<hbm>> -> memref<64xi32, #tpu.memory_space<hbm>>
        tpu.wait_dma2 semaphore(%arg39 : memref<!tpu.dma_semaphore, #tpu.memory_space<semaphore_mem>>) src(%dma_wait3A_555 : memref<64xi32, #tpu.memory_space<hbm>>) dst(%arg20 : memref<64xi32, #tpu.memory_space<vmem>>)
        %dma_wait3A_556 = arith.constant 0 : i32
        %dma_wait3A_557 = tpu.memref_slice %arg5[%dma_wait3A_556] : memref<327680xf32, #tpu.memory_space<hbm>> -> memref<64xf32, #tpu.memory_space<hbm>>
        %dma_wait3A_558 = arith.constant 0 : i32
        %dma_wait3A_559 = tpu.memref_slice %arg5[%dma_wait3A_558] : memref<327680xf32, #tpu.memory_space<hbm>> -> memref<64xf32, #tpu.memory_space<hbm>>
        tpu.wait_dma2 semaphore(%arg39 : memref<!tpu.dma_semaphore, #tpu.memory_space<semaphore_mem>>) src(%dma_wait3A_559 : memref<64xf32, #tpu.memory_space<hbm>>) dst(%arg28 : memref<64xf32, #tpu.memory_space<vmem>>)
        %dma_start3A_560 = arith.constant 5 : i32
        %dma_start3A_561 = arith.constant 0 : i32
        %dma_start3A_562 = arith.constant 0 : i32
        %dma_start3A_563 = tpu.memref_slice %arg31[%dma_start3A_560, %dma_start3A_561, %dma_start3A_562] : memref<8x64x64xi32, #tpu.memory_space<vmem>> -> memref<1x64x64xi32, #tpu.memory_space<vmem>>
        %dma_start3A_564 = tpu.memref_squeeze %dma_start3A_563 : memref<1x64x64xi32, #tpu.memory_space<vmem>> -> memref<64x64xi32, #tpu.memory_space<vmem>>
        %dma_start3A_565 = arith.constant 0 : i32
        %dma_start3A_566 = arith.constant 0 : i32
        %dma_start3A_567 = tpu.memref_slice %arg2[%dma_start3A_565, %dma_start3A_566] : memref<10000x64xi32, #tpu.memory_space<hbm>> -> memref<10000x64xi32, #tpu.memory_space<hbm>>
        tpu.enqueue_indirect_dma source(%dma_start3A_567 : memref<10000x64xi32, #tpu.memory_space<hbm>>) target(%dma_start3A_564 : memref<64x64xi32, #tpu.memory_space<vmem>>) offsets(%arg12 : memref<64xi32, #tpu.memory_space<vmem>>) semaphore(%arg47 : memref<!tpu.dma_semaphore, #tpu.memory_space<semaphore_mem>>)
      } else {
      }
      %dma_wait3A_244 = arith.constant 1 : i32
      %dma_wait3A_245 = arith.constant 0 : i32
      %dma_wait3A_246 = arith.constant 0 : i32
      %dma_wait3A_247 = tpu.memref_slice %arg31[%dma_wait3A_244, %dma_wait3A_245, %dma_wait3A_246] : memref<8x64x64xi32, #tpu.memory_space<vmem>> -> memref<1x64x64xi32, #tpu.memory_space<vmem>>
      %dma_wait3A_248 = tpu.memref_squeeze %dma_wait3A_247 : memref<1x64x64xi32, #tpu.memory_space<vmem>> -> memref<64x64xi32, #tpu.memory_space<vmem>>
      %dma_wait3A_249 = arith.constant 0 : i32
      %dma_wait3A_250 = arith.constant 0 : i32
      %dma_wait3A_251 = tpu.memref_slice %arg2[%dma_wait3A_249, %dma_wait3A_250] : memref<10000x64xi32, #tpu.memory_space<hbm>> -> memref<10000x64xi32, #tpu.memory_space<hbm>>
      tpu.wait_indirect_dma semaphore(%arg43 : memref<!tpu.dma_semaphore, #tpu.memory_space<semaphore_mem>>) src(%dma_wait3A_251 : memref<10000x64xi32, #tpu.memory_space<hbm>>) dst(%dma_wait3A_248 : memref<64x64xi32, #tpu.memory_space<vmem>>)
      %ge3A_252 = arith.constant 2 : i32
      %ge3A_253 = arith.cmpi sge, %add3A_236, %ge3A_252 : i32
      %convert_element_type3A_254 = arith.extui %ge3A_253 : i1 to i32
      %cond3A_255 = arith.constant 0 : i32
      %cond3A_256 = arith.cmpi ne, %convert_element_type3A_254, %cond3A_255 : i32
      scf.if %cond3A_256 {
        %dma_wait3A_548 = arith.constant 1 : i32
        %dma_wait3A_549 = arith.constant 0 : i32
        %dma_wait3A_550 = arith.constant 0 : i32
        %dma_wait3A_551 = tpu.memref_slice %arg32[%dma_wait3A_548, %dma_wait3A_549, %dma_wait3A_550] : memref<2x64x128xf32, #tpu.memory_space<vmem>> -> memref<1x64x128xf32, #tpu.memory_space<vmem>>
        %dma_wait3A_552 = tpu.memref_squeeze %dma_wait3A_551 : memref<1x64x128xf32, #tpu.memory_space<vmem>> -> memref<64x128xf32, #tpu.memory_space<vmem>>
        %dma_wait3A_553 = arith.constant 0 : i32
        %dma_wait3A_554 = arith.constant 0 : i32
        %dma_wait3A_555 = tpu.memref_slice %arg33[%dma_wait3A_553, %dma_wait3A_554] : memref<10048x128xf32, #tpu.memory_space<vmem_shared>> -> memref<10048x128xf32, #tpu.memory_space<vmem_shared>>
        tpu.wait_indirect_dma semaphore(%arg51 : memref<!tpu.dma_semaphore, #tpu.memory_space<semaphore_mem>>) src(%dma_wait3A_552 : memref<64x128xf32, #tpu.memory_space<vmem>>) dst(%dma_wait3A_555 : memref<10048x128xf32, #tpu.memory_space<vmem_shared>>)
      } else {
      }
      %scan3A_257 = arith.constant 0 : i32
      %scan3A_258 = arith.constant 0 : i32
      %scan3A_259 = arith.constant 64 : i32
      %scan3A_260 = arith.addi %scan3A_258, %scan3A_259 : i32
      %scan3A_261 = arith.constant 1 : i32
      scf.for %scan3A_548 = %scan3A_258 to %scan3A_260 step %scan3A_261  : i32 {
        %broadcast_in_dim3A = vector.broadcast %scan3A_548 : i32 to vector<16xi32>
        %gather3A = tpu.vector_load_idx %arg24[%broadcast_in_dim3A] : memref<64xf32, #tpu.memory_space<vmem>>[vector<16xi32>], vector<16xf32>,
        %get3A = arith.constant 1 : i32
        %get3A_549 = arith.index_cast %get3A : i32 to index
        %get3A_550 = arith.index_cast %scan3A_548 : i32 to index
        %get3A_551 = arith.constant 0 : index
        %get3A_552 = tpu.vector_load %arg31[%get3A_549, %get3A_550, %get3A_551] {strides = array<i32>} : memref<8x64x64xi32, #tpu.memory_space<vmem>>, vector<16xi32>,
        %shift_left3A = arith.constant 16 : i32
        %shift_left3A_553 = vector.broadcast %shift_left3A : i32 to vector<16xi32>
        %shift_left3A_554 = arith.shli %get3A_552, %shift_left3A_553 : vector<16xi32>
        %bitcast3A = vector.bitcast %shift_left3A_554 : vector<16xi32> to vector<16xf32>
        %and3A = arith.constant -65536 : i32
        %and3A_555 = vector.broadcast %and3A : i32 to vector<16xi32>
        %and3A_556 = arith.andi %get3A_552, %and3A_555 : vector<16xi32>
        %bitcast3A_557 = vector.bitcast %and3A_556 : vector<16xi32> to vector<16xf32>
        %mul3A_558 = arith.mulf %bitcast3A, %gather3A : vector<16xf32>
        %swap3A = arith.constant 1 : i32
        %swap3A_559 = arith.index_cast %swap3A : i32 to index
        %swap3A_560 = arith.index_cast %scan3A_548 : i32 to index
        %swap3A_561 = arith.constant 0 : index
        %swap3A_562 = tpu.vector_load %arg32[%swap3A_559, %swap3A_560, %swap3A_561] {strides = array<i32>} : memref<2x64x128xf32, #tpu.memory_space<vmem>>, vector<16xf32>,
        tpu.vector_store %arg32[%swap3A_559, %swap3A_560, %swap3A_561], %mul3A_558 {strides = array<i32>} : memref<2x64x128xf32, #tpu.memory_space<vmem>>, vector<16xf32>,
        %mul3A_563 = arith.mulf %bitcast3A_557, %gather3A : vector<16xf32>
        %swap3A_564 = arith.constant 1 : i32
        %swap3A_565 = arith.index_cast %swap3A_564 : i32 to index
        %swap3A_566 = arith.index_cast %scan3A_548 : i32 to index
        %swap3A_567 = arith.constant 16 : index
        %swap3A_568 = tpu.vector_load %arg32[%swap3A_565, %swap3A_566, %swap3A_567] {strides = array<i32>} : memref<2x64x128xf32, #tpu.memory_space<vmem>>, vector<16xf32>,
        tpu.vector_store %arg32[%swap3A_565, %swap3A_566, %swap3A_567], %mul3A_563 {strides = array<i32>} : memref<2x64x128xf32, #tpu.memory_space<vmem>>, vector<16xf32>,
        %get3A_569 = arith.constant 1 : i32
        %get3A_570 = arith.index_cast %get3A_569 : i32 to index
        %get3A_571 = arith.index_cast %scan3A_548 : i32 to index
        %get3A_572 = arith.constant 16 : index
        %get3A_573 = tpu.vector_load %arg31[%get3A_570, %get3A_571, %get3A_572] {strides = array<i32>} : memref<8x64x64xi32, #tpu.memory_space<vmem>>, vector<16xi32>,
        %shift_left3A_574 = arith.constant 16 : i32
        %shift_left3A_575 = vector.broadcast %shift_left3A_574 : i32 to vector<16xi32>
        %shift_left3A_576 = arith.shli %get3A_573, %shift_left3A_575 : vector<16xi32>
        %bitcast3A_577 = vector.bitcast %shift_left3A_576 : vector<16xi32> to vector<16xf32>
        %and3A_578 = arith.constant -65536 : i32
        %and3A_579 = vector.broadcast %and3A_578 : i32 to vector<16xi32>
        %and3A_580 = arith.andi %get3A_573, %and3A_579 : vector<16xi32>
        %bitcast3A_581 = vector.bitcast %and3A_580 : vector<16xi32> to vector<16xf32>
        %mul3A_582 = arith.mulf %bitcast3A_577, %gather3A : vector<16xf32>
        %swap3A_583 = arith.constant 1 : i32
        %swap3A_584 = arith.index_cast %swap3A_583 : i32 to index
        %swap3A_585 = arith.index_cast %scan3A_548 : i32 to index
        %swap3A_586 = arith.constant 32 : index
        %swap3A_587 = tpu.vector_load %arg32[%swap3A_584, %swap3A_585, %swap3A_586] {strides = array<i32>} : memref<2x64x128xf32, #tpu.memory_space<vmem>>, vector<16xf32>,
        tpu.vector_store %arg32[%swap3A_584, %swap3A_585, %swap3A_586], %mul3A_582 {strides = array<i32>} : memref<2x64x128xf32, #tpu.memory_space<vmem>>, vector<16xf32>,
        %mul3A_588 = arith.mulf %bitcast3A_581, %gather3A : vector<16xf32>
        %swap3A_589 = arith.constant 1 : i32
        %swap3A_590 = arith.index_cast %swap3A_589 : i32 to index
        %swap3A_591 = arith.index_cast %scan3A_548 : i32 to index
        %swap3A_592 = arith.constant 48 : index
        %swap3A_593 = tpu.vector_load %arg32[%swap3A_590, %swap3A_591, %swap3A_592] {strides = array<i32>} : memref<2x64x128xf32, #tpu.memory_space<vmem>>, vector<16xf32>,
        tpu.vector_store %arg32[%swap3A_590, %swap3A_591, %swap3A_592], %mul3A_588 {strides = array<i32>} : memref<2x64x128xf32, #tpu.memory_space<vmem>>, vector<16xf32>,
        %get3A_594 = arith.constant 1 : i32
        %get3A_595 = arith.index_cast %get3A_594 : i32 to index
        %get3A_596 = arith.index_cast %scan3A_548 : i32 to index
        %get3A_597 = arith.constant 32 : index
        %get3A_598 = tpu.vector_load %arg31[%get3A_595, %get3A_596, %get3A_597] {strides = array<i32>} : memref<8x64x64xi32, #tpu.memory_space<vmem>>, vector<16xi32>,
        %shift_left3A_599 = arith.constant 16 : i32
        %shift_left3A_600 = vector.broadcast %shift_left3A_599 : i32 to vector<16xi32>
        %shift_left3A_601 = arith.shli %get3A_598, %shift_left3A_600 : vector<16xi32>
        %bitcast3A_602 = vector.bitcast %shift_left3A_601 : vector<16xi32> to vector<16xf32>
        %and3A_603 = arith.constant -65536 : i32
        %and3A_604 = vector.broadcast %and3A_603 : i32 to vector<16xi32>
        %and3A_605 = arith.andi %get3A_598, %and3A_604 : vector<16xi32>
        %bitcast3A_606 = vector.bitcast %and3A_605 : vector<16xi32> to vector<16xf32>
        %mul3A_607 = arith.mulf %bitcast3A_602, %gather3A : vector<16xf32>
        %swap3A_608 = arith.constant 1 : i32
        %swap3A_609 = arith.index_cast %swap3A_608 : i32 to index
        %swap3A_610 = arith.index_cast %scan3A_548 : i32 to index
        %swap3A_611 = arith.constant 64 : index
        %swap3A_612 = tpu.vector_load %arg32[%swap3A_609, %swap3A_610, %swap3A_611] {strides = array<i32>} : memref<2x64x128xf32, #tpu.memory_space<vmem>>, vector<16xf32>,
        tpu.vector_store %arg32[%swap3A_609, %swap3A_610, %swap3A_611], %mul3A_607 {strides = array<i32>} : memref<2x64x128xf32, #tpu.memory_space<vmem>>, vector<16xf32>,
        %mul3A_613 = arith.mulf %bitcast3A_606, %gather3A : vector<16xf32>
        %swap3A_614 = arith.constant 1 : i32
        %swap3A_615 = arith.index_cast %swap3A_614 : i32 to index
        %swap3A_616 = arith.index_cast %scan3A_548 : i32 to index
        %swap3A_617 = arith.constant 80 : index
        %swap3A_618 = tpu.vector_load %arg32[%swap3A_615, %swap3A_616, %swap3A_617] {strides = array<i32>} : memref<2x64x128xf32, #tpu.memory_space<vmem>>, vector<16xf32>,
        tpu.vector_store %arg32[%swap3A_615, %swap3A_616, %swap3A_617], %mul3A_613 {strides = array<i32>} : memref<2x64x128xf32, #tpu.memory_space<vmem>>, vector<16xf32>,
        %get3A_619 = arith.constant 1 : i32
        %get3A_620 = arith.index_cast %get3A_619 : i32 to index
        %get3A_621 = arith.index_cast %scan3A_548 : i32 to index
        %get3A_622 = arith.constant 48 : index
        %get3A_623 = tpu.vector_load %arg31[%get3A_620, %get3A_621, %get3A_622] {strides = array<i32>} : memref<8x64x64xi32, #tpu.memory_space<vmem>>, vector<16xi32>,
        %shift_left3A_624 = arith.constant 16 : i32
        %shift_left3A_625 = vector.broadcast %shift_left3A_624 : i32 to vector<16xi32>
        %shift_left3A_626 = arith.shli %get3A_623, %shift_left3A_625 : vector<16xi32>
        %bitcast3A_627 = vector.bitcast %shift_left3A_626 : vector<16xi32> to vector<16xf32>
        %and3A_628 = arith.constant -65536 : i32
        %and3A_629 = vector.broadcast %and3A_628 : i32 to vector<16xi32>
        %and3A_630 = arith.andi %get3A_623, %and3A_629 : vector<16xi32>
        %bitcast3A_631 = vector.bitcast %and3A_630 : vector<16xi32> to vector<16xf32>
        %mul3A_632 = arith.mulf %bitcast3A_627, %gather3A : vector<16xf32>
        %swap3A_633 = arith.constant 1 : i32
        %swap3A_634 = arith.index_cast %swap3A_633 : i32 to index
        %swap3A_635 = arith.index_cast %scan3A_548 : i32 to index
        %swap3A_636 = arith.constant 96 : index
        %swap3A_637 = tpu.vector_load %arg32[%swap3A_634, %swap3A_635, %swap3A_636] {strides = array<i32>} : memref<2x64x128xf32, #tpu.memory_space<vmem>>, vector<16xf32>,
        tpu.vector_store %arg32[%swap3A_634, %swap3A_635, %swap3A_636], %mul3A_632 {strides = array<i32>} : memref<2x64x128xf32, #tpu.memory_space<vmem>>, vector<16xf32>,
        %mul3A_638 = arith.mulf %bitcast3A_631, %gather3A : vector<16xf32>
        %swap3A_639 = arith.constant 1 : i32
        %swap3A_640 = arith.index_cast %swap3A_639 : i32 to index
        %swap3A_641 = arith.index_cast %scan3A_548 : i32 to index
        %swap3A_642 = arith.constant 112 : index
        %swap3A_643 = tpu.vector_load %arg32[%swap3A_640, %swap3A_641, %swap3A_642] {strides = array<i32>} : memref<2x64x128xf32, #tpu.memory_space<vmem>>, vector<16xf32>,
        tpu.vector_store %arg32[%swap3A_640, %swap3A_641, %swap3A_642], %mul3A_638 {strides = array<i32>} : memref<2x64x128xf32, #tpu.memory_space<vmem>>, vector<16xf32>,
      }
      %scan3A_262 = arith.constant 64 : i32
      %dma_start3A_263 = arith.constant 1 : i32
      %dma_start3A_264 = arith.constant 0 : i32
      %dma_start3A_265 = arith.constant 0 : i32
      %dma_start3A_266 = tpu.memref_slice %arg32[%dma_start3A_263, %dma_start3A_264, %dma_start3A_265] : memref<2x64x128xf32, #tpu.memory_space<vmem>> -> memref<1x64x128xf32, #tpu.memory_space<vmem>>
      %dma_start3A_267 = tpu.memref_squeeze %dma_start3A_266 : memref<1x64x128xf32, #tpu.memory_space<vmem>> -> memref<64x128xf32, #tpu.memory_space<vmem>>
      %dma_start3A_268 = arith.constant 0 : i32
      %dma_start3A_269 = arith.constant 0 : i32
      %dma_start3A_270 = tpu.memref_slice %arg33[%dma_start3A_268, %dma_start3A_269] : memref<10048x128xf32, #tpu.memory_space<vmem_shared>> -> memref<10048x128xf32, #tpu.memory_space<vmem_shared>>
      tpu.enqueue_indirect_dma source(%dma_start3A_267 : memref<64x128xf32, #tpu.memory_space<vmem>>) target(%dma_start3A_270 : memref<10048x128xf32, #tpu.memory_space<vmem_shared>>) offsets(%arg16 : memref<64xi32, #tpu.memory_space<vmem>>) semaphore(%arg51 : memref<!tpu.dma_semaphore, #tpu.memory_space<semaphore_mem>>) {add = true}
      %add3A_271 = arith.constant 6 : i32
      %add3A_272 = arith.addi %add3A_236, %add3A_271 : i32
      %lt3A_273 = arith.constant 160 : i32
      %lt3A_274 = arith.cmpi slt, %add3A_272, %lt3A_273 : i32
      %convert_element_type3A_275 = arith.extui %lt3A_274 : i1 to i32
      %cond3A_276 = arith.constant 0 : i32
      %cond3A_277 = arith.cmpi ne, %convert_element_type3A_275, %cond3A_276 : i32
      scf.if %cond3A_277 {
        %add3A_548 = arith.constant 6 : i32
        %add3A_549 = arith.addi %add3A_236, %add3A_548 : i32
        %mul3A_550 = arith.constant 10240 : i32
        %mul3A_551 = arith.muli %add3A, %mul3A_550 : i32
        %mul3A_552 = arith.constant 64 : i32
        %mul3A_553 = arith.muli %add3A_549, %mul3A_552 : i32
        %add3A_554 = arith.addi %mul3A_551, %mul3A_553 : i32
        %dma_start3A_555 = tpu.memref_slice %arg4[%add3A_554] : memref<327680xi32, #tpu.memory_space<hbm>> -> memref<64xi32, #tpu.memory_space<hbm>>
        %dma_start3A_556 = tpu.memref_slice %arg4[%add3A_554] : memref<327680xi32, #tpu.memory_space<hbm>> -> memref<64xi32, #tpu.memory_space<hbm>>
        tpu.enqueue_dma source(%dma_start3A_556 : memref<64xi32, #tpu.memory_space<hbm>>) target(%arg14 : memref<64xi32, #tpu.memory_space<vmem>>) target_semaphore(%arg41 : memref<!tpu.dma_semaphore, #tpu.memory_space<semaphore_mem>>)
        %dma_start3A_557 = tpu.memref_slice %arg3[%add3A_554] : memref<327680xi32, #tpu.memory_space<hbm>> -> memref<64xi32, #tpu.memory_space<hbm>>
        %dma_start3A_558 = tpu.memref_slice %arg3[%add3A_554] : memref<327680xi32, #tpu.memory_space<hbm>> -> memref<64xi32, #tpu.memory_space<hbm>>
        tpu.enqueue_dma source(%dma_start3A_558 : memref<64xi32, #tpu.memory_space<hbm>>) target(%arg22 : memref<64xi32, #tpu.memory_space<vmem>>) target_semaphore(%arg41 : memref<!tpu.dma_semaphore, #tpu.memory_space<semaphore_mem>>)
        %dma_start3A_559 = tpu.memref_slice %arg5[%add3A_554] : memref<327680xf32, #tpu.memory_space<hbm>> -> memref<64xf32, #tpu.memory_space<hbm>>
        %dma_start3A_560 = tpu.memref_slice %arg5[%add3A_554] : memref<327680xf32, #tpu.memory_space<hbm>> -> memref<64xf32, #tpu.memory_space<hbm>>
        tpu.enqueue_dma source(%dma_start3A_560 : memref<64xf32, #tpu.memory_space<hbm>>) target(%arg30 : memref<64xf32, #tpu.memory_space<vmem>>) target_semaphore(%arg41 : memref<!tpu.dma_semaphore, #tpu.memory_space<semaphore_mem>>)
      } else {
      }
      %mul3A_278 = arith.constant 8 : i32
      %mul3A_279 = arith.muli %mul3A_278, %scan3A_191 : i32
      %add3A_280 = arith.constant 2 : i32
      %add3A_281 = arith.addi %mul3A_279, %add3A_280 : i32
      %add3A_282 = arith.constant 4 : i32
      %add3A_283 = arith.addi %add3A_281, %add3A_282 : i32
      %lt3A_284 = arith.constant 160 : i32
      %lt3A_285 = arith.cmpi slt, %add3A_283, %lt3A_284 : i32
      %convert_element_type3A_286 = arith.extui %lt3A_285 : i1 to i32
      %cond3A_287 = arith.constant 0 : i32
      %cond3A_288 = arith.cmpi ne, %convert_element_type3A_286, %cond3A_287 : i32
      scf.if %cond3A_288 {
        %dma_wait3A_548 = arith.constant 0 : i32
        %dma_wait3A_549 = tpu.memref_slice %arg4[%dma_wait3A_548] : memref<327680xi32, #tpu.memory_space<hbm>> -> memref<64xi32, #tpu.memory_space<hbm>>
        %dma_wait3A_550 = arith.constant 0 : i32
        %dma_wait3A_551 = tpu.memref_slice %arg4[%dma_wait3A_550] : memref<327680xi32, #tpu.memory_space<hbm>> -> memref<64xi32, #tpu.memory_space<hbm>>
        tpu.wait_dma2 semaphore(%arg40 : memref<!tpu.dma_semaphore, #tpu.memory_space<semaphore_mem>>) src(%dma_wait3A_551 : memref<64xi32, #tpu.memory_space<hbm>>) dst(%arg13 : memref<64xi32, #tpu.memory_space<vmem>>)
        %dma_wait3A_552 = arith.constant 0 : i32
        %dma_wait3A_553 = tpu.memref_slice %arg3[%dma_wait3A_552] : memref<327680xi32, #tpu.memory_space<hbm>> -> memref<64xi32, #tpu.memory_space<hbm>>
        %dma_wait3A_554 = arith.constant 0 : i32
        %dma_wait3A_555 = tpu.memref_slice %arg3[%dma_wait3A_554] : memref<327680xi32, #tpu.memory_space<hbm>> -> memref<64xi32, #tpu.memory_space<hbm>>
        tpu.wait_dma2 semaphore(%arg40 : memref<!tpu.dma_semaphore, #tpu.memory_space<semaphore_mem>>) src(%dma_wait3A_555 : memref<64xi32, #tpu.memory_space<hbm>>) dst(%arg21 : memref<64xi32, #tpu.memory_space<vmem>>)
        %dma_wait3A_556 = arith.constant 0 : i32
        %dma_wait3A_557 = tpu.memref_slice %arg5[%dma_wait3A_556] : memref<327680xf32, #tpu.memory_space<hbm>> -> memref<64xf32, #tpu.memory_space<hbm>>
        %dma_wait3A_558 = arith.constant 0 : i32
        %dma_wait3A_559 = tpu.memref_slice %arg5[%dma_wait3A_558] : memref<327680xf32, #tpu.memory_space<hbm>> -> memref<64xf32, #tpu.memory_space<hbm>>
        tpu.wait_dma2 semaphore(%arg40 : memref<!tpu.dma_semaphore, #tpu.memory_space<semaphore_mem>>) src(%dma_wait3A_559 : memref<64xf32, #tpu.memory_space<hbm>>) dst(%arg29 : memref<64xf32, #tpu.memory_space<vmem>>)
        %dma_start3A_560 = arith.constant 6 : i32
        %dma_start3A_561 = arith.constant 0 : i32
        %dma_start3A_562 = arith.constant 0 : i32
        %dma_start3A_563 = tpu.memref_slice %arg31[%dma_start3A_560, %dma_start3A_561, %dma_start3A_562] : memref<8x64x64xi32, #tpu.memory_space<vmem>> -> memref<1x64x64xi32, #tpu.memory_space<vmem>>
        %dma_start3A_564 = tpu.memref_squeeze %dma_start3A_563 : memref<1x64x64xi32, #tpu.memory_space<vmem>> -> memref<64x64xi32, #tpu.memory_space<vmem>>
        %dma_start3A_565 = arith.constant 0 : i32
        %dma_start3A_566 = arith.constant 0 : i32
        %dma_start3A_567 = tpu.memref_slice %arg2[%dma_start3A_565, %dma_start3A_566] : memref<10000x64xi32, #tpu.memory_space<hbm>> -> memref<10000x64xi32, #tpu.memory_space<hbm>>
        tpu.enqueue_indirect_dma source(%dma_start3A_567 : memref<10000x64xi32, #tpu.memory_space<hbm>>) target(%dma_start3A_564 : memref<64x64xi32, #tpu.memory_space<vmem>>) offsets(%arg13 : memref<64xi32, #tpu.memory_space<vmem>>) semaphore(%arg48 : memref<!tpu.dma_semaphore, #tpu.memory_space<semaphore_mem>>)
      } else {
      }
      %dma_wait3A_289 = arith.constant 2 : i32
      %dma_wait3A_290 = arith.constant 0 : i32
      %dma_wait3A_291 = arith.constant 0 : i32
      %dma_wait3A_292 = tpu.memref_slice %arg31[%dma_wait3A_289, %dma_wait3A_290, %dma_wait3A_291] : memref<8x64x64xi32, #tpu.memory_space<vmem>> -> memref<1x64x64xi32, #tpu.memory_space<vmem>>
      %dma_wait3A_293 = tpu.memref_squeeze %dma_wait3A_292 : memref<1x64x64xi32, #tpu.memory_space<vmem>> -> memref<64x64xi32, #tpu.memory_space<vmem>>
      %dma_wait3A_294 = arith.constant 0 : i32
      %dma_wait3A_295 = arith.constant 0 : i32
      %dma_wait3A_296 = tpu.memref_slice %arg2[%dma_wait3A_294, %dma_wait3A_295] : memref<10000x64xi32, #tpu.memory_space<hbm>> -> memref<10000x64xi32, #tpu.memory_space<hbm>>
      tpu.wait_indirect_dma semaphore(%arg44 : memref<!tpu.dma_semaphore, #tpu.memory_space<semaphore_mem>>) src(%dma_wait3A_296 : memref<10000x64xi32, #tpu.memory_space<hbm>>) dst(%dma_wait3A_293 : memref<64x64xi32, #tpu.memory_space<vmem>>)
      %ge3A_297 = arith.constant 2 : i32
      %ge3A_298 = arith.cmpi sge, %add3A_281, %ge3A_297 : i32
      %convert_element_type3A_299 = arith.extui %ge3A_298 : i1 to i32
      %cond3A_300 = arith.constant 0 : i32
      %cond3A_301 = arith.cmpi ne, %convert_element_type3A_299, %cond3A_300 : i32
      scf.if %cond3A_301 {
        %dma_wait3A_548 = arith.constant 0 : i32
        %dma_wait3A_549 = arith.constant 0 : i32
        %dma_wait3A_550 = arith.constant 0 : i32
        %dma_wait3A_551 = tpu.memref_slice %arg32[%dma_wait3A_548, %dma_wait3A_549, %dma_wait3A_550] : memref<2x64x128xf32, #tpu.memory_space<vmem>> -> memref<1x64x128xf32, #tpu.memory_space<vmem>>
        %dma_wait3A_552 = tpu.memref_squeeze %dma_wait3A_551 : memref<1x64x128xf32, #tpu.memory_space<vmem>> -> memref<64x128xf32, #tpu.memory_space<vmem>>
        %dma_wait3A_553 = arith.constant 0 : i32
        %dma_wait3A_554 = arith.constant 0 : i32
        %dma_wait3A_555 = tpu.memref_slice %arg33[%dma_wait3A_553, %dma_wait3A_554] : memref<10048x128xf32, #tpu.memory_space<vmem_shared>> -> memref<10048x128xf32, #tpu.memory_space<vmem_shared>>
        tpu.wait_indirect_dma semaphore(%arg50 : memref<!tpu.dma_semaphore, #tpu.memory_space<semaphore_mem>>) src(%dma_wait3A_552 : memref<64x128xf32, #tpu.memory_space<vmem>>) dst(%dma_wait3A_555 : memref<10048x128xf32, #tpu.memory_space<vmem_shared>>)
      } else {
      }
      %scan3A_302 = arith.constant 0 : i32
      %scan3A_303 = arith.constant 0 : i32
      %scan3A_304 = arith.constant 64 : i32
      %scan3A_305 = arith.addi %scan3A_303, %scan3A_304 : i32
      %scan3A_306 = arith.constant 1 : i32
      scf.for %scan3A_548 = %scan3A_303 to %scan3A_305 step %scan3A_306  : i32 {
        %broadcast_in_dim3A = vector.broadcast %scan3A_548 : i32 to vector<16xi32>
        %gather3A = tpu.vector_load_idx %arg25[%broadcast_in_dim3A] : memref<64xf32, #tpu.memory_space<vmem>>[vector<16xi32>], vector<16xf32>,
        %get3A = arith.constant 2 : i32
        %get3A_549 = arith.index_cast %get3A : i32 to index
        %get3A_550 = arith.index_cast %scan3A_548 : i32 to index
        %get3A_551 = arith.constant 0 : index
        %get3A_552 = tpu.vector_load %arg31[%get3A_549, %get3A_550, %get3A_551] {strides = array<i32>} : memref<8x64x64xi32, #tpu.memory_space<vmem>>, vector<16xi32>,
        %shift_left3A = arith.constant 16 : i32
        %shift_left3A_553 = vector.broadcast %shift_left3A : i32 to vector<16xi32>
        %shift_left3A_554 = arith.shli %get3A_552, %shift_left3A_553 : vector<16xi32>
        %bitcast3A = vector.bitcast %shift_left3A_554 : vector<16xi32> to vector<16xf32>
        %and3A = arith.constant -65536 : i32
        %and3A_555 = vector.broadcast %and3A : i32 to vector<16xi32>
        %and3A_556 = arith.andi %get3A_552, %and3A_555 : vector<16xi32>
        %bitcast3A_557 = vector.bitcast %and3A_556 : vector<16xi32> to vector<16xf32>
        %mul3A_558 = arith.mulf %bitcast3A, %gather3A : vector<16xf32>
        %swap3A = arith.constant 0 : i32
        %swap3A_559 = arith.index_cast %swap3A : i32 to index
        %swap3A_560 = arith.index_cast %scan3A_548 : i32 to index
        %swap3A_561 = arith.constant 0 : index
        %swap3A_562 = tpu.vector_load %arg32[%swap3A_559, %swap3A_560, %swap3A_561] {strides = array<i32>} : memref<2x64x128xf32, #tpu.memory_space<vmem>>, vector<16xf32>,
        tpu.vector_store %arg32[%swap3A_559, %swap3A_560, %swap3A_561], %mul3A_558 {strides = array<i32>} : memref<2x64x128xf32, #tpu.memory_space<vmem>>, vector<16xf32>,
        %mul3A_563 = arith.mulf %bitcast3A_557, %gather3A : vector<16xf32>
        %swap3A_564 = arith.constant 0 : i32
        %swap3A_565 = arith.index_cast %swap3A_564 : i32 to index
        %swap3A_566 = arith.index_cast %scan3A_548 : i32 to index
        %swap3A_567 = arith.constant 16 : index
        %swap3A_568 = tpu.vector_load %arg32[%swap3A_565, %swap3A_566, %swap3A_567] {strides = array<i32>} : memref<2x64x128xf32, #tpu.memory_space<vmem>>, vector<16xf32>,
        tpu.vector_store %arg32[%swap3A_565, %swap3A_566, %swap3A_567], %mul3A_563 {strides = array<i32>} : memref<2x64x128xf32, #tpu.memory_space<vmem>>, vector<16xf32>,
        %get3A_569 = arith.constant 2 : i32
        %get3A_570 = arith.index_cast %get3A_569 : i32 to index
        %get3A_571 = arith.index_cast %scan3A_548 : i32 to index
        %get3A_572 = arith.constant 16 : index
        %get3A_573 = tpu.vector_load %arg31[%get3A_570, %get3A_571, %get3A_572] {strides = array<i32>} : memref<8x64x64xi32, #tpu.memory_space<vmem>>, vector<16xi32>,
        %shift_left3A_574 = arith.constant 16 : i32
        %shift_left3A_575 = vector.broadcast %shift_left3A_574 : i32 to vector<16xi32>
        %shift_left3A_576 = arith.shli %get3A_573, %shift_left3A_575 : vector<16xi32>
        %bitcast3A_577 = vector.bitcast %shift_left3A_576 : vector<16xi32> to vector<16xf32>
        %and3A_578 = arith.constant -65536 : i32
        %and3A_579 = vector.broadcast %and3A_578 : i32 to vector<16xi32>
        %and3A_580 = arith.andi %get3A_573, %and3A_579 : vector<16xi32>
        %bitcast3A_581 = vector.bitcast %and3A_580 : vector<16xi32> to vector<16xf32>
        %mul3A_582 = arith.mulf %bitcast3A_577, %gather3A : vector<16xf32>
        %swap3A_583 = arith.constant 0 : i32
        %swap3A_584 = arith.index_cast %swap3A_583 : i32 to index
        %swap3A_585 = arith.index_cast %scan3A_548 : i32 to index
        %swap3A_586 = arith.constant 32 : index
        %swap3A_587 = tpu.vector_load %arg32[%swap3A_584, %swap3A_585, %swap3A_586] {strides = array<i32>} : memref<2x64x128xf32, #tpu.memory_space<vmem>>, vector<16xf32>,
        tpu.vector_store %arg32[%swap3A_584, %swap3A_585, %swap3A_586], %mul3A_582 {strides = array<i32>} : memref<2x64x128xf32, #tpu.memory_space<vmem>>, vector<16xf32>,
        %mul3A_588 = arith.mulf %bitcast3A_581, %gather3A : vector<16xf32>
        %swap3A_589 = arith.constant 0 : i32
        %swap3A_590 = arith.index_cast %swap3A_589 : i32 to index
        %swap3A_591 = arith.index_cast %scan3A_548 : i32 to index
        %swap3A_592 = arith.constant 48 : index
        %swap3A_593 = tpu.vector_load %arg32[%swap3A_590, %swap3A_591, %swap3A_592] {strides = array<i32>} : memref<2x64x128xf32, #tpu.memory_space<vmem>>, vector<16xf32>,
        tpu.vector_store %arg32[%swap3A_590, %swap3A_591, %swap3A_592], %mul3A_588 {strides = array<i32>} : memref<2x64x128xf32, #tpu.memory_space<vmem>>, vector<16xf32>,
        %get3A_594 = arith.constant 2 : i32
        %get3A_595 = arith.index_cast %get3A_594 : i32 to index
        %get3A_596 = arith.index_cast %scan3A_548 : i32 to index
        %get3A_597 = arith.constant 32 : index
        %get3A_598 = tpu.vector_load %arg31[%get3A_595, %get3A_596, %get3A_597] {strides = array<i32>} : memref<8x64x64xi32, #tpu.memory_space<vmem>>, vector<16xi32>,
        %shift_left3A_599 = arith.constant 16 : i32
        %shift_left3A_600 = vector.broadcast %shift_left3A_599 : i32 to vector<16xi32>
        %shift_left3A_601 = arith.shli %get3A_598, %shift_left3A_600 : vector<16xi32>
        %bitcast3A_602 = vector.bitcast %shift_left3A_601 : vector<16xi32> to vector<16xf32>
        %and3A_603 = arith.constant -65536 : i32
        %and3A_604 = vector.broadcast %and3A_603 : i32 to vector<16xi32>
        %and3A_605 = arith.andi %get3A_598, %and3A_604 : vector<16xi32>
        %bitcast3A_606 = vector.bitcast %and3A_605 : vector<16xi32> to vector<16xf32>
        %mul3A_607 = arith.mulf %bitcast3A_602, %gather3A : vector<16xf32>
        %swap3A_608 = arith.constant 0 : i32
        %swap3A_609 = arith.index_cast %swap3A_608 : i32 to index
        %swap3A_610 = arith.index_cast %scan3A_548 : i32 to index
        %swap3A_611 = arith.constant 64 : index
        %swap3A_612 = tpu.vector_load %arg32[%swap3A_609, %swap3A_610, %swap3A_611] {strides = array<i32>} : memref<2x64x128xf32, #tpu.memory_space<vmem>>, vector<16xf32>,
        tpu.vector_store %arg32[%swap3A_609, %swap3A_610, %swap3A_611], %mul3A_607 {strides = array<i32>} : memref<2x64x128xf32, #tpu.memory_space<vmem>>, vector<16xf32>,
        %mul3A_613 = arith.mulf %bitcast3A_606, %gather3A : vector<16xf32>
        %swap3A_614 = arith.constant 0 : i32
        %swap3A_615 = arith.index_cast %swap3A_614 : i32 to index
        %swap3A_616 = arith.index_cast %scan3A_548 : i32 to index
        %swap3A_617 = arith.constant 80 : index
        %swap3A_618 = tpu.vector_load %arg32[%swap3A_615, %swap3A_616, %swap3A_617] {strides = array<i32>} : memref<2x64x128xf32, #tpu.memory_space<vmem>>, vector<16xf32>,
        tpu.vector_store %arg32[%swap3A_615, %swap3A_616, %swap3A_617], %mul3A_613 {strides = array<i32>} : memref<2x64x128xf32, #tpu.memory_space<vmem>>, vector<16xf32>,
        %get3A_619 = arith.constant 2 : i32
        %get3A_620 = arith.index_cast %get3A_619 : i32 to index
        %get3A_621 = arith.index_cast %scan3A_548 : i32 to index
        %get3A_622 = arith.constant 48 : index
        %get3A_623 = tpu.vector_load %arg31[%get3A_620, %get3A_621, %get3A_622] {strides = array<i32>} : memref<8x64x64xi32, #tpu.memory_space<vmem>>, vector<16xi32>,
        %shift_left3A_624 = arith.constant 16 : i32
        %shift_left3A_625 = vector.broadcast %shift_left3A_624 : i32 to vector<16xi32>
        %shift_left3A_626 = arith.shli %get3A_623, %shift_left3A_625 : vector<16xi32>
        %bitcast3A_627 = vector.bitcast %shift_left3A_626 : vector<16xi32> to vector<16xf32>
        %and3A_628 = arith.constant -65536 : i32
        %and3A_629 = vector.broadcast %and3A_628 : i32 to vector<16xi32>
        %and3A_630 = arith.andi %get3A_623, %and3A_629 : vector<16xi32>
        %bitcast3A_631 = vector.bitcast %and3A_630 : vector<16xi32> to vector<16xf32>
        %mul3A_632 = arith.mulf %bitcast3A_627, %gather3A : vector<16xf32>
        %swap3A_633 = arith.constant 0 : i32
        %swap3A_634 = arith.index_cast %swap3A_633 : i32 to index
        %swap3A_635 = arith.index_cast %scan3A_548 : i32 to index
        %swap3A_636 = arith.constant 96 : index
        %swap3A_637 = tpu.vector_load %arg32[%swap3A_634, %swap3A_635, %swap3A_636] {strides = array<i32>} : memref<2x64x128xf32, #tpu.memory_space<vmem>>, vector<16xf32>,
        tpu.vector_store %arg32[%swap3A_634, %swap3A_635, %swap3A_636], %mul3A_632 {strides = array<i32>} : memref<2x64x128xf32, #tpu.memory_space<vmem>>, vector<16xf32>,
        %mul3A_638 = arith.mulf %bitcast3A_631, %gather3A : vector<16xf32>
        %swap3A_639 = arith.constant 0 : i32
        %swap3A_640 = arith.index_cast %swap3A_639 : i32 to index
        %swap3A_641 = arith.index_cast %scan3A_548 : i32 to index
        %swap3A_642 = arith.constant 112 : index
        %swap3A_643 = tpu.vector_load %arg32[%swap3A_640, %swap3A_641, %swap3A_642] {strides = array<i32>} : memref<2x64x128xf32, #tpu.memory_space<vmem>>, vector<16xf32>,
        tpu.vector_store %arg32[%swap3A_640, %swap3A_641, %swap3A_642], %mul3A_638 {strides = array<i32>} : memref<2x64x128xf32, #tpu.memory_space<vmem>>, vector<16xf32>,
      }
      %scan3A_307 = arith.constant 64 : i32
      %dma_start3A_308 = arith.constant 0 : i32
      %dma_start3A_309 = arith.constant 0 : i32
      %dma_start3A_310 = arith.constant 0 : i32
      %dma_start3A_311 = tpu.memref_slice %arg32[%dma_start3A_308, %dma_start3A_309, %dma_start3A_310] : memref<2x64x128xf32, #tpu.memory_space<vmem>> -> memref<1x64x128xf32, #tpu.memory_space<vmem>>
      %dma_start3A_312 = tpu.memref_squeeze %dma_start3A_311 : memref<1x64x128xf32, #tpu.memory_space<vmem>> -> memref<64x128xf32, #tpu.memory_space<vmem>>
      %dma_start3A_313 = arith.constant 0 : i32
      %dma_start3A_314 = arith.constant 0 : i32
      %dma_start3A_315 = tpu.memref_slice %arg33[%dma_start3A_313, %dma_start3A_314] : memref<10048x128xf32, #tpu.memory_space<vmem_shared>> -> memref<10048x128xf32, #tpu.memory_space<vmem_shared>>
      tpu.enqueue_indirect_dma source(%dma_start3A_312 : memref<64x128xf32, #tpu.memory_space<vmem>>) target(%dma_start3A_315 : memref<10048x128xf32, #tpu.memory_space<vmem_shared>>) offsets(%arg17 : memref<64xi32, #tpu.memory_space<vmem>>) semaphore(%arg50 : memref<!tpu.dma_semaphore, #tpu.memory_space<semaphore_mem>>) {add = true}
      %add3A_316 = arith.constant 6 : i32
      %add3A_317 = arith.addi %add3A_281, %add3A_316 : i32
      %lt3A_318 = arith.constant 160 : i32
      %lt3A_319 = arith.cmpi slt, %add3A_317, %lt3A_318 : i32
      %convert_element_type3A_320 = arith.extui %lt3A_319 : i1 to i32
      %cond3A_321 = arith.constant 0 : i32
      %cond3A_322 = arith.cmpi ne, %convert_element_type3A_320, %cond3A_321 : i32
      scf.if %cond3A_322 {
        %add3A_548 = arith.constant 6 : i32
        %add3A_549 = arith.addi %add3A_281, %add3A_548 : i32
        %mul3A_550 = arith.constant 10240 : i32
        %mul3A_551 = arith.muli %add3A, %mul3A_550 : i32
        %mul3A_552 = arith.constant 64 : i32
        %mul3A_553 = arith.muli %add3A_549, %mul3A_552 : i32
        %add3A_554 = arith.addi %mul3A_551, %mul3A_553 : i32
        %dma_start3A_555 = tpu.memref_slice %arg4[%add3A_554] : memref<327680xi32, #tpu.memory_space<hbm>> -> memref<64xi32, #tpu.memory_space<hbm>>
        %dma_start3A_556 = tpu.memref_slice %arg4[%add3A_554] : memref<327680xi32, #tpu.memory_space<hbm>> -> memref<64xi32, #tpu.memory_space<hbm>>
        tpu.enqueue_dma source(%dma_start3A_556 : memref<64xi32, #tpu.memory_space<hbm>>) target(%arg7 : memref<64xi32, #tpu.memory_space<vmem>>) target_semaphore(%arg34 : memref<!tpu.dma_semaphore, #tpu.memory_space<semaphore_mem>>)
        %dma_start3A_557 = tpu.memref_slice %arg3[%add3A_554] : memref<327680xi32, #tpu.memory_space<hbm>> -> memref<64xi32, #tpu.memory_space<hbm>>
        %dma_start3A_558 = tpu.memref_slice %arg3[%add3A_554] : memref<327680xi32, #tpu.memory_space<hbm>> -> memref<64xi32, #tpu.memory_space<hbm>>
        tpu.enqueue_dma source(%dma_start3A_558 : memref<64xi32, #tpu.memory_space<hbm>>) target(%arg15 : memref<64xi32, #tpu.memory_space<vmem>>) target_semaphore(%arg34 : memref<!tpu.dma_semaphore, #tpu.memory_space<semaphore_mem>>)
        %dma_start3A_559 = tpu.memref_slice %arg5[%add3A_554] : memref<327680xf32, #tpu.memory_space<hbm>> -> memref<64xf32, #tpu.memory_space<hbm>>
        %dma_start3A_560 = tpu.memref_slice %arg5[%add3A_554] : memref<327680xf32, #tpu.memory_space<hbm>> -> memref<64xf32, #tpu.memory_space<hbm>>
        tpu.enqueue_dma source(%dma_start3A_560 : memref<64xf32, #tpu.memory_space<hbm>>) target(%arg23 : memref<64xf32, #tpu.memory_space<vmem>>) target_semaphore(%arg34 : memref<!tpu.dma_semaphore, #tpu.memory_space<semaphore_mem>>)
      } else {
      }
      %mul3A_323 = arith.constant 8 : i32
      %mul3A_324 = arith.muli %mul3A_323, %scan3A_191 : i32
      %add3A_325 = arith.constant 3 : i32
      %add3A_326 = arith.addi %mul3A_324, %add3A_325 : i32
      %add3A_327 = arith.constant 4 : i32
      %add3A_328 = arith.addi %add3A_326, %add3A_327 : i32
      %lt3A_329 = arith.constant 160 : i32
      %lt3A_330 = arith.cmpi slt, %add3A_328, %lt3A_329 : i32
      %convert_element_type3A_331 = arith.extui %lt3A_330 : i1 to i32
      %cond3A_332 = arith.constant 0 : i32
      %cond3A_333 = arith.cmpi ne, %convert_element_type3A_331, %cond3A_332 : i32
      scf.if %cond3A_333 {
        %dma_wait3A_548 = arith.constant 0 : i32
        %dma_wait3A_549 = tpu.memref_slice %arg4[%dma_wait3A_548] : memref<327680xi32, #tpu.memory_space<hbm>> -> memref<64xi32, #tpu.memory_space<hbm>>
        %dma_wait3A_550 = arith.constant 0 : i32
        %dma_wait3A_551 = tpu.memref_slice %arg4[%dma_wait3A_550] : memref<327680xi32, #tpu.memory_space<hbm>> -> memref<64xi32, #tpu.memory_space<hbm>>
        tpu.wait_dma2 semaphore(%arg41 : memref<!tpu.dma_semaphore, #tpu.memory_space<semaphore_mem>>) src(%dma_wait3A_551 : memref<64xi32, #tpu.memory_space<hbm>>) dst(%arg14 : memref<64xi32, #tpu.memory_space<vmem>>)
        %dma_wait3A_552 = arith.constant 0 : i32
        %dma_wait3A_553 = tpu.memref_slice %arg3[%dma_wait3A_552] : memref<327680xi32, #tpu.memory_space<hbm>> -> memref<64xi32, #tpu.memory_space<hbm>>
        %dma_wait3A_554 = arith.constant 0 : i32
        %dma_wait3A_555 = tpu.memref_slice %arg3[%dma_wait3A_554] : memref<327680xi32, #tpu.memory_space<hbm>> -> memref<64xi32, #tpu.memory_space<hbm>>
        tpu.wait_dma2 semaphore(%arg41 : memref<!tpu.dma_semaphore, #tpu.memory_space<semaphore_mem>>) src(%dma_wait3A_555 : memref<64xi32, #tpu.memory_space<hbm>>) dst(%arg22 : memref<64xi32, #tpu.memory_space<vmem>>)
        %dma_wait3A_556 = arith.constant 0 : i32
        %dma_wait3A_557 = tpu.memref_slice %arg5[%dma_wait3A_556] : memref<327680xf32, #tpu.memory_space<hbm>> -> memref<64xf32, #tpu.memory_space<hbm>>
        %dma_wait3A_558 = arith.constant 0 : i32
        %dma_wait3A_559 = tpu.memref_slice %arg5[%dma_wait3A_558] : memref<327680xf32, #tpu.memory_space<hbm>> -> memref<64xf32, #tpu.memory_space<hbm>>
        tpu.wait_dma2 semaphore(%arg41 : memref<!tpu.dma_semaphore, #tpu.memory_space<semaphore_mem>>) src(%dma_wait3A_559 : memref<64xf32, #tpu.memory_space<hbm>>) dst(%arg30 : memref<64xf32, #tpu.memory_space<vmem>>)
        %dma_start3A_560 = arith.constant 7 : i32
        %dma_start3A_561 = arith.constant 0 : i32
        %dma_start3A_562 = arith.constant 0 : i32
        %dma_start3A_563 = tpu.memref_slice %arg31[%dma_start3A_560, %dma_start3A_561, %dma_start3A_562] : memref<8x64x64xi32, #tpu.memory_space<vmem>> -> memref<1x64x64xi32, #tpu.memory_space<vmem>>
        %dma_start3A_564 = tpu.memref_squeeze %dma_start3A_563 : memref<1x64x64xi32, #tpu.memory_space<vmem>> -> memref<64x64xi32, #tpu.memory_space<vmem>>
        %dma_start3A_565 = arith.constant 0 : i32
        %dma_start3A_566 = arith.constant 0 : i32
        %dma_start3A_567 = tpu.memref_slice %arg2[%dma_start3A_565, %dma_start3A_566] : memref<10000x64xi32, #tpu.memory_space<hbm>> -> memref<10000x64xi32, #tpu.memory_space<hbm>>
        tpu.enqueue_indirect_dma source(%dma_start3A_567 : memref<10000x64xi32, #tpu.memory_space<hbm>>) target(%dma_start3A_564 : memref<64x64xi32, #tpu.memory_space<vmem>>) offsets(%arg14 : memref<64xi32, #tpu.memory_space<vmem>>) semaphore(%arg49 : memref<!tpu.dma_semaphore, #tpu.memory_space<semaphore_mem>>)
      } else {
      }
      %dma_wait3A_334 = arith.constant 3 : i32
      %dma_wait3A_335 = arith.constant 0 : i32
      %dma_wait3A_336 = arith.constant 0 : i32
      %dma_wait3A_337 = tpu.memref_slice %arg31[%dma_wait3A_334, %dma_wait3A_335, %dma_wait3A_336] : memref<8x64x64xi32, #tpu.memory_space<vmem>> -> memref<1x64x64xi32, #tpu.memory_space<vmem>>
      %dma_wait3A_338 = tpu.memref_squeeze %dma_wait3A_337 : memref<1x64x64xi32, #tpu.memory_space<vmem>> -> memref<64x64xi32, #tpu.memory_space<vmem>>
      %dma_wait3A_339 = arith.constant 0 : i32
      %dma_wait3A_340 = arith.constant 0 : i32
      %dma_wait3A_341 = tpu.memref_slice %arg2[%dma_wait3A_339, %dma_wait3A_340] : memref<10000x64xi32, #tpu.memory_space<hbm>> -> memref<10000x64xi32, #tpu.memory_space<hbm>>
      tpu.wait_indirect_dma semaphore(%arg45 : memref<!tpu.dma_semaphore, #tpu.memory_space<semaphore_mem>>) src(%dma_wait3A_341 : memref<10000x64xi32, #tpu.memory_space<hbm>>) dst(%dma_wait3A_338 : memref<64x64xi32, #tpu.memory_space<vmem>>)
      %ge3A_342 = arith.constant 2 : i32
      %ge3A_343 = arith.cmpi sge, %add3A_326, %ge3A_342 : i32
      %convert_element_type3A_344 = arith.extui %ge3A_343 : i1 to i32
      %cond3A_345 = arith.constant 0 : i32
      %cond3A_346 = arith.cmpi ne, %convert_element_type3A_344, %cond3A_345 : i32
      scf.if %cond3A_346 {
        %dma_wait3A_548 = arith.constant 1 : i32
        %dma_wait3A_549 = arith.constant 0 : i32
        %dma_wait3A_550 = arith.constant 0 : i32
        %dma_wait3A_551 = tpu.memref_slice %arg32[%dma_wait3A_548, %dma_wait3A_549, %dma_wait3A_550] : memref<2x64x128xf32, #tpu.memory_space<vmem>> -> memref<1x64x128xf32, #tpu.memory_space<vmem>>
        %dma_wait3A_552 = tpu.memref_squeeze %dma_wait3A_551 : memref<1x64x128xf32, #tpu.memory_space<vmem>> -> memref<64x128xf32, #tpu.memory_space<vmem>>
        %dma_wait3A_553 = arith.constant 0 : i32
        %dma_wait3A_554 = arith.constant 0 : i32
        %dma_wait3A_555 = tpu.memref_slice %arg33[%dma_wait3A_553, %dma_wait3A_554] : memref<10048x128xf32, #tpu.memory_space<vmem_shared>> -> memref<10048x128xf32, #tpu.memory_space<vmem_shared>>
        tpu.wait_indirect_dma semaphore(%arg51 : memref<!tpu.dma_semaphore, #tpu.memory_space<semaphore_mem>>) src(%dma_wait3A_552 : memref<64x128xf32, #tpu.memory_space<vmem>>) dst(%dma_wait3A_555 : memref<10048x128xf32, #tpu.memory_space<vmem_shared>>)
      } else {
      }
      %scan3A_347 = arith.constant 0 : i32
      %scan3A_348 = arith.constant 0 : i32
      %scan3A_349 = arith.constant 64 : i32
      %scan3A_350 = arith.addi %scan3A_348, %scan3A_349 : i32
      %scan3A_351 = arith.constant 1 : i32
      scf.for %scan3A_548 = %scan3A_348 to %scan3A_350 step %scan3A_351  : i32 {
        %broadcast_in_dim3A = vector.broadcast %scan3A_548 : i32 to vector<16xi32>
        %gather3A = tpu.vector_load_idx %arg26[%broadcast_in_dim3A] : memref<64xf32, #tpu.memory_space<vmem>>[vector<16xi32>], vector<16xf32>,
        %get3A = arith.constant 3 : i32
        %get3A_549 = arith.index_cast %get3A : i32 to index
        %get3A_550 = arith.index_cast %scan3A_548 : i32 to index
        %get3A_551 = arith.constant 0 : index
        %get3A_552 = tpu.vector_load %arg31[%get3A_549, %get3A_550, %get3A_551] {strides = array<i32>} : memref<8x64x64xi32, #tpu.memory_space<vmem>>, vector<16xi32>,
        %shift_left3A = arith.constant 16 : i32
        %shift_left3A_553 = vector.broadcast %shift_left3A : i32 to vector<16xi32>
        %shift_left3A_554 = arith.shli %get3A_552, %shift_left3A_553 : vector<16xi32>
        %bitcast3A = vector.bitcast %shift_left3A_554 : vector<16xi32> to vector<16xf32>
        %and3A = arith.constant -65536 : i32
        %and3A_555 = vector.broadcast %and3A : i32 to vector<16xi32>
        %and3A_556 = arith.andi %get3A_552, %and3A_555 : vector<16xi32>
        %bitcast3A_557 = vector.bitcast %and3A_556 : vector<16xi32> to vector<16xf32>
        %mul3A_558 = arith.mulf %bitcast3A, %gather3A : vector<16xf32>
        %swap3A = arith.constant 1 : i32
        %swap3A_559 = arith.index_cast %swap3A : i32 to index
        %swap3A_560 = arith.index_cast %scan3A_548 : i32 to index
        %swap3A_561 = arith.constant 0 : index
        %swap3A_562 = tpu.vector_load %arg32[%swap3A_559, %swap3A_560, %swap3A_561] {strides = array<i32>} : memref<2x64x128xf32, #tpu.memory_space<vmem>>, vector<16xf32>,
        tpu.vector_store %arg32[%swap3A_559, %swap3A_560, %swap3A_561], %mul3A_558 {strides = array<i32>} : memref<2x64x128xf32, #tpu.memory_space<vmem>>, vector<16xf32>,
        %mul3A_563 = arith.mulf %bitcast3A_557, %gather3A : vector<16xf32>
        %swap3A_564 = arith.constant 1 : i32
        %swap3A_565 = arith.index_cast %swap3A_564 : i32 to index
        %swap3A_566 = arith.index_cast %scan3A_548 : i32 to index
        %swap3A_567 = arith.constant 16 : index
        %swap3A_568 = tpu.vector_load %arg32[%swap3A_565, %swap3A_566, %swap3A_567] {strides = array<i32>} : memref<2x64x128xf32, #tpu.memory_space<vmem>>, vector<16xf32>,
        tpu.vector_store %arg32[%swap3A_565, %swap3A_566, %swap3A_567], %mul3A_563 {strides = array<i32>} : memref<2x64x128xf32, #tpu.memory_space<vmem>>, vector<16xf32>,
        %get3A_569 = arith.constant 3 : i32
        %get3A_570 = arith.index_cast %get3A_569 : i32 to index
        %get3A_571 = arith.index_cast %scan3A_548 : i32 to index
        %get3A_572 = arith.constant 16 : index
        %get3A_573 = tpu.vector_load %arg31[%get3A_570, %get3A_571, %get3A_572] {strides = array<i32>} : memref<8x64x64xi32, #tpu.memory_space<vmem>>, vector<16xi32>,
        %shift_left3A_574 = arith.constant 16 : i32
        %shift_left3A_575 = vector.broadcast %shift_left3A_574 : i32 to vector<16xi32>
        %shift_left3A_576 = arith.shli %get3A_573, %shift_left3A_575 : vector<16xi32>
        %bitcast3A_577 = vector.bitcast %shift_left3A_576 : vector<16xi32> to vector<16xf32>
        %and3A_578 = arith.constant -65536 : i32
        %and3A_579 = vector.broadcast %and3A_578 : i32 to vector<16xi32>
        %and3A_580 = arith.andi %get3A_573, %and3A_579 : vector<16xi32>
        %bitcast3A_581 = vector.bitcast %and3A_580 : vector<16xi32> to vector<16xf32>
        %mul3A_582 = arith.mulf %bitcast3A_577, %gather3A : vector<16xf32>
        %swap3A_583 = arith.constant 1 : i32
        %swap3A_584 = arith.index_cast %swap3A_583 : i32 to index
        %swap3A_585 = arith.index_cast %scan3A_548 : i32 to index
        %swap3A_586 = arith.constant 32 : index
        %swap3A_587 = tpu.vector_load %arg32[%swap3A_584, %swap3A_585, %swap3A_586] {strides = array<i32>} : memref<2x64x128xf32, #tpu.memory_space<vmem>>, vector<16xf32>,
        tpu.vector_store %arg32[%swap3A_584, %swap3A_585, %swap3A_586], %mul3A_582 {strides = array<i32>} : memref<2x64x128xf32, #tpu.memory_space<vmem>>, vector<16xf32>,
        %mul3A_588 = arith.mulf %bitcast3A_581, %gather3A : vector<16xf32>
        %swap3A_589 = arith.constant 1 : i32
        %swap3A_590 = arith.index_cast %swap3A_589 : i32 to index
        %swap3A_591 = arith.index_cast %scan3A_548 : i32 to index
        %swap3A_592 = arith.constant 48 : index
        %swap3A_593 = tpu.vector_load %arg32[%swap3A_590, %swap3A_591, %swap3A_592] {strides = array<i32>} : memref<2x64x128xf32, #tpu.memory_space<vmem>>, vector<16xf32>,
        tpu.vector_store %arg32[%swap3A_590, %swap3A_591, %swap3A_592], %mul3A_588 {strides = array<i32>} : memref<2x64x128xf32, #tpu.memory_space<vmem>>, vector<16xf32>,
        %get3A_594 = arith.constant 3 : i32
        %get3A_595 = arith.index_cast %get3A_594 : i32 to index
        %get3A_596 = arith.index_cast %scan3A_548 : i32 to index
        %get3A_597 = arith.constant 32 : index
        %get3A_598 = tpu.vector_load %arg31[%get3A_595, %get3A_596, %get3A_597] {strides = array<i32>} : memref<8x64x64xi32, #tpu.memory_space<vmem>>, vector<16xi32>,
        %shift_left3A_599 = arith.constant 16 : i32
        %shift_left3A_600 = vector.broadcast %shift_left3A_599 : i32 to vector<16xi32>
        %shift_left3A_601 = arith.shli %get3A_598, %shift_left3A_600 : vector<16xi32>
        %bitcast3A_602 = vector.bitcast %shift_left3A_601 : vector<16xi32> to vector<16xf32>
        %and3A_603 = arith.constant -65536 : i32
        %and3A_604 = vector.broadcast %and3A_603 : i32 to vector<16xi32>
        %and3A_605 = arith.andi %get3A_598, %and3A_604 : vector<16xi32>
        %bitcast3A_606 = vector.bitcast %and3A_605 : vector<16xi32> to vector<16xf32>
        %mul3A_607 = arith.mulf %bitcast3A_602, %gather3A : vector<16xf32>
        %swap3A_608 = arith.constant 1 : i32
        %swap3A_609 = arith.index_cast %swap3A_608 : i32 to index
        %swap3A_610 = arith.index_cast %scan3A_548 : i32 to index
        %swap3A_611 = arith.constant 64 : index
        %swap3A_612 = tpu.vector_load %arg32[%swap3A_609, %swap3A_610, %swap3A_611] {strides = array<i32>} : memref<2x64x128xf32, #tpu.memory_space<vmem>>, vector<16xf32>,
        tpu.vector_store %arg32[%swap3A_609, %swap3A_610, %swap3A_611], %mul3A_607 {strides = array<i32>} : memref<2x64x128xf32, #tpu.memory_space<vmem>>, vector<16xf32>,
        %mul3A_613 = arith.mulf %bitcast3A_606, %gather3A : vector<16xf32>
        %swap3A_614 = arith.constant 1 : i32
        %swap3A_615 = arith.index_cast %swap3A_614 : i32 to index
        %swap3A_616 = arith.index_cast %scan3A_548 : i32 to index
        %swap3A_617 = arith.constant 80 : index
        %swap3A_618 = tpu.vector_load %arg32[%swap3A_615, %swap3A_616, %swap3A_617] {strides = array<i32>} : memref<2x64x128xf32, #tpu.memory_space<vmem>>, vector<16xf32>,
        tpu.vector_store %arg32[%swap3A_615, %swap3A_616, %swap3A_617], %mul3A_613 {strides = array<i32>} : memref<2x64x128xf32, #tpu.memory_space<vmem>>, vector<16xf32>,
        %get3A_619 = arith.constant 3 : i32
        %get3A_620 = arith.index_cast %get3A_619 : i32 to index
        %get3A_621 = arith.index_cast %scan3A_548 : i32 to index
        %get3A_622 = arith.constant 48 : index
        %get3A_623 = tpu.vector_load %arg31[%get3A_620, %get3A_621, %get3A_622] {strides = array<i32>} : memref<8x64x64xi32, #tpu.memory_space<vmem>>, vector<16xi32>,
        %shift_left3A_624 = arith.constant 16 : i32
        %shift_left3A_625 = vector.broadcast %shift_left3A_624 : i32 to vector<16xi32>
        %shift_left3A_626 = arith.shli %get3A_623, %shift_left3A_625 : vector<16xi32>
        %bitcast3A_627 = vector.bitcast %shift_left3A_626 : vector<16xi32> to vector<16xf32>
        %and3A_628 = arith.constant -65536 : i32
        %and3A_629 = vector.broadcast %and3A_628 : i32 to vector<16xi32>
        %and3A_630 = arith.andi %get3A_623, %and3A_629 : vector<16xi32>
        %bitcast3A_631 = vector.bitcast %and3A_630 : vector<16xi32> to vector<16xf32>
        %mul3A_632 = arith.mulf %bitcast3A_627, %gather3A : vector<16xf32>
        %swap3A_633 = arith.constant 1 : i32
        %swap3A_634 = arith.index_cast %swap3A_633 : i32 to index
        %swap3A_635 = arith.index_cast %scan3A_548 : i32 to index
        %swap3A_636 = arith.constant 96 : index
        %swap3A_637 = tpu.vector_load %arg32[%swap3A_634, %swap3A_635, %swap3A_636] {strides = array<i32>} : memref<2x64x128xf32, #tpu.memory_space<vmem>>, vector<16xf32>,
        tpu.vector_store %arg32[%swap3A_634, %swap3A_635, %swap3A_636], %mul3A_632 {strides = array<i32>} : memref<2x64x128xf32, #tpu.memory_space<vmem>>, vector<16xf32>,
        %mul3A_638 = arith.mulf %bitcast3A_631, %gather3A : vector<16xf32>
        %swap3A_639 = arith.constant 1 : i32
        %swap3A_640 = arith.index_cast %swap3A_639 : i32 to index
        %swap3A_641 = arith.index_cast %scan3A_548 : i32 to index
        %swap3A_642 = arith.constant 112 : index
        %swap3A_643 = tpu.vector_load %arg32[%swap3A_640, %swap3A_641, %swap3A_642] {strides = array<i32>} : memref<2x64x128xf32, #tpu.memory_space<vmem>>, vector<16xf32>,
        tpu.vector_store %arg32[%swap3A_640, %swap3A_641, %swap3A_642], %mul3A_638 {strides = array<i32>} : memref<2x64x128xf32, #tpu.memory_space<vmem>>, vector<16xf32>,
      }
      %scan3A_352 = arith.constant 64 : i32
      %dma_start3A_353 = arith.constant 1 : i32
      %dma_start3A_354 = arith.constant 0 : i32
      %dma_start3A_355 = arith.constant 0 : i32
      %dma_start3A_356 = tpu.memref_slice %arg32[%dma_start3A_353, %dma_start3A_354, %dma_start3A_355] : memref<2x64x128xf32, #tpu.memory_space<vmem>> -> memref<1x64x128xf32, #tpu.memory_space<vmem>>
      %dma_start3A_357 = tpu.memref_squeeze %dma_start3A_356 : memref<1x64x128xf32, #tpu.memory_space<vmem>> -> memref<64x128xf32, #tpu.memory_space<vmem>>
      %dma_start3A_358 = arith.constant 0 : i32
      %dma_start3A_359 = arith.constant 0 : i32
      %dma_start3A_360 = tpu.memref_slice %arg33[%dma_start3A_358, %dma_start3A_359] : memref<10048x128xf32, #tpu.memory_space<vmem_shared>> -> memref<10048x128xf32, #tpu.memory_space<vmem_shared>>
      tpu.enqueue_indirect_dma source(%dma_start3A_357 : memref<64x128xf32, #tpu.memory_space<vmem>>) target(%dma_start3A_360 : memref<10048x128xf32, #tpu.memory_space<vmem_shared>>) offsets(%arg18 : memref<64xi32, #tpu.memory_space<vmem>>) semaphore(%arg51 : memref<!tpu.dma_semaphore, #tpu.memory_space<semaphore_mem>>) {add = true}
      %add3A_361 = arith.constant 6 : i32
      %add3A_362 = arith.addi %add3A_326, %add3A_361 : i32
      %lt3A_363 = arith.constant 160 : i32
      %lt3A_364 = arith.cmpi slt, %add3A_362, %lt3A_363 : i32
      %convert_element_type3A_365 = arith.extui %lt3A_364 : i1 to i32
      %cond3A_366 = arith.constant 0 : i32
      %cond3A_367 = arith.cmpi ne, %convert_element_type3A_365, %cond3A_366 : i32
      scf.if %cond3A_367 {
        %add3A_548 = arith.constant 6 : i32
        %add3A_549 = arith.addi %add3A_326, %add3A_548 : i32
        %mul3A_550 = arith.constant 10240 : i32
        %mul3A_551 = arith.muli %add3A, %mul3A_550 : i32
        %mul3A_552 = arith.constant 64 : i32
        %mul3A_553 = arith.muli %add3A_549, %mul3A_552 : i32
        %add3A_554 = arith.addi %mul3A_551, %mul3A_553 : i32
        %dma_start3A_555 = tpu.memref_slice %arg4[%add3A_554] : memref<327680xi32, #tpu.memory_space<hbm>> -> memref<64xi32, #tpu.memory_space<hbm>>
        %dma_start3A_556 = tpu.memref_slice %arg4[%add3A_554] : memref<327680xi32, #tpu.memory_space<hbm>> -> memref<64xi32, #tpu.memory_space<hbm>>
        tpu.enqueue_dma source(%dma_start3A_556 : memref<64xi32, #tpu.memory_space<hbm>>) target(%arg8 : memref<64xi32, #tpu.memory_space<vmem>>) target_semaphore(%arg35 : memref<!tpu.dma_semaphore, #tpu.memory_space<semaphore_mem>>)
        %dma_start3A_557 = tpu.memref_slice %arg3[%add3A_554] : memref<327680xi32, #tpu.memory_space<hbm>> -> memref<64xi32, #tpu.memory_space<hbm>>
        %dma_start3A_558 = tpu.memref_slice %arg3[%add3A_554] : memref<327680xi32, #tpu.memory_space<hbm>> -> memref<64xi32, #tpu.memory_space<hbm>>
        tpu.enqueue_dma source(%dma_start3A_558 : memref<64xi32, #tpu.memory_space<hbm>>) target(%arg16 : memref<64xi32, #tpu.memory_space<vmem>>) target_semaphore(%arg35 : memref<!tpu.dma_semaphore, #tpu.memory_space<semaphore_mem>>)
        %dma_start3A_559 = tpu.memref_slice %arg5[%add3A_554] : memref<327680xf32, #tpu.memory_space<hbm>> -> memref<64xf32, #tpu.memory_space<hbm>>
        %dma_start3A_560 = tpu.memref_slice %arg5[%add3A_554] : memref<327680xf32, #tpu.memory_space<hbm>> -> memref<64xf32, #tpu.memory_space<hbm>>
        tpu.enqueue_dma source(%dma_start3A_560 : memref<64xf32, #tpu.memory_space<hbm>>) target(%arg24 : memref<64xf32, #tpu.memory_space<vmem>>) target_semaphore(%arg35 : memref<!tpu.dma_semaphore, #tpu.memory_space<semaphore_mem>>)
      } else {
      }
      %mul3A_368 = arith.constant 8 : i32
      %mul3A_369 = arith.muli %mul3A_368, %scan3A_191 : i32
      %add3A_370 = arith.constant 4 : i32
      %add3A_371 = arith.addi %mul3A_369, %add3A_370 : i32
      %add3A_372 = arith.constant 4 : i32
      %add3A_373 = arith.addi %add3A_371, %add3A_372 : i32
      %lt3A_374 = arith.constant 160 : i32
      %lt3A_375 = arith.cmpi slt, %add3A_373, %lt3A_374 : i32
      %convert_element_type3A_376 = arith.extui %lt3A_375 : i1 to i32
      %cond3A_377 = arith.constant 0 : i32
      %cond3A_378 = arith.cmpi ne, %convert_element_type3A_376, %cond3A_377 : i32
      scf.if %cond3A_378 {
        %dma_wait3A_548 = arith.constant 0 : i32
        %dma_wait3A_549 = tpu.memref_slice %arg4[%dma_wait3A_548] : memref<327680xi32, #tpu.memory_space<hbm>> -> memref<64xi32, #tpu.memory_space<hbm>>
        %dma_wait3A_550 = arith.constant 0 : i32
        %dma_wait3A_551 = tpu.memref_slice %arg4[%dma_wait3A_550] : memref<327680xi32, #tpu.memory_space<hbm>> -> memref<64xi32, #tpu.memory_space<hbm>>
        tpu.wait_dma2 semaphore(%arg34 : memref<!tpu.dma_semaphore, #tpu.memory_space<semaphore_mem>>) src(%dma_wait3A_551 : memref<64xi32, #tpu.memory_space<hbm>>) dst(%arg7 : memref<64xi32, #tpu.memory_space<vmem>>)
        %dma_wait3A_552 = arith.constant 0 : i32
        %dma_wait3A_553 = tpu.memref_slice %arg3[%dma_wait3A_552] : memref<327680xi32, #tpu.memory_space<hbm>> -> memref<64xi32, #tpu.memory_space<hbm>>
        %dma_wait3A_554 = arith.constant 0 : i32
        %dma_wait3A_555 = tpu.memref_slice %arg3[%dma_wait3A_554] : memref<327680xi32, #tpu.memory_space<hbm>> -> memref<64xi32, #tpu.memory_space<hbm>>
        tpu.wait_dma2 semaphore(%arg34 : memref<!tpu.dma_semaphore, #tpu.memory_space<semaphore_mem>>) src(%dma_wait3A_555 : memref<64xi32, #tpu.memory_space<hbm>>) dst(%arg15 : memref<64xi32, #tpu.memory_space<vmem>>)
        %dma_wait3A_556 = arith.constant 0 : i32
        %dma_wait3A_557 = tpu.memref_slice %arg5[%dma_wait3A_556] : memref<327680xf32, #tpu.memory_space<hbm>> -> memref<64xf32, #tpu.memory_space<hbm>>
        %dma_wait3A_558 = arith.constant 0 : i32
        %dma_wait3A_559 = tpu.memref_slice %arg5[%dma_wait3A_558] : memref<327680xf32, #tpu.memory_space<hbm>> -> memref<64xf32, #tpu.memory_space<hbm>>
        tpu.wait_dma2 semaphore(%arg34 : memref<!tpu.dma_semaphore, #tpu.memory_space<semaphore_mem>>) src(%dma_wait3A_559 : memref<64xf32, #tpu.memory_space<hbm>>) dst(%arg23 : memref<64xf32, #tpu.memory_space<vmem>>)
        %dma_start3A_560 = arith.constant 0 : i32
        %dma_start3A_561 = arith.constant 0 : i32
        %dma_start3A_562 = arith.constant 0 : i32
        %dma_start3A_563 = tpu.memref_slice %arg31[%dma_start3A_560, %dma_start3A_561, %dma_start3A_562] : memref<8x64x64xi32, #tpu.memory_space<vmem>> -> memref<1x64x64xi32, #tpu.memory_space<vmem>>
        %dma_start3A_564 = tpu.memref_squeeze %dma_start3A_563 : memref<1x64x64xi32, #tpu.memory_space<vmem>> -> memref<64x64xi32, #tpu.memory_space<vmem>>
        %dma_start3A_565 = arith.constant 0 : i32
        %dma_start3A_566 = arith.constant 0 : i32
        %dma_start3A_567 = tpu.memref_slice %arg2[%dma_start3A_565, %dma_start3A_566] : memref<10000x64xi32, #tpu.memory_space<hbm>> -> memref<10000x64xi32, #tpu.memory_space<hbm>>
        tpu.enqueue_indirect_dma source(%dma_start3A_567 : memref<10000x64xi32, #tpu.memory_space<hbm>>) target(%dma_start3A_564 : memref<64x64xi32, #tpu.memory_space<vmem>>) offsets(%arg7 : memref<64xi32, #tpu.memory_space<vmem>>) semaphore(%arg42 : memref<!tpu.dma_semaphore, #tpu.memory_space<semaphore_mem>>)
      } else {
      }
      %dma_wait3A_379 = arith.constant 4 : i32
      %dma_wait3A_380 = arith.constant 0 : i32
      %dma_wait3A_381 = arith.constant 0 : i32
      %dma_wait3A_382 = tpu.memref_slice %arg31[%dma_wait3A_379, %dma_wait3A_380, %dma_wait3A_381] : memref<8x64x64xi32, #tpu.memory_space<vmem>> -> memref<1x64x64xi32, #tpu.memory_space<vmem>>
      %dma_wait3A_383 = tpu.memref_squeeze %dma_wait3A_382 : memref<1x64x64xi32, #tpu.memory_space<vmem>> -> memref<64x64xi32, #tpu.memory_space<vmem>>
      %dma_wait3A_384 = arith.constant 0 : i32
      %dma_wait3A_385 = arith.constant 0 : i32
      %dma_wait3A_386 = tpu.memref_slice %arg2[%dma_wait3A_384, %dma_wait3A_385] : memref<10000x64xi32, #tpu.memory_space<hbm>> -> memref<10000x64xi32, #tpu.memory_space<hbm>>
      tpu.wait_indirect_dma semaphore(%arg46 : memref<!tpu.dma_semaphore, #tpu.memory_space<semaphore_mem>>) src(%dma_wait3A_386 : memref<10000x64xi32, #tpu.memory_space<hbm>>) dst(%dma_wait3A_383 : memref<64x64xi32, #tpu.memory_space<vmem>>)
      %ge3A_387 = arith.constant 2 : i32
      %ge3A_388 = arith.cmpi sge, %add3A_371, %ge3A_387 : i32
      %convert_element_type3A_389 = arith.extui %ge3A_388 : i1 to i32
      %cond3A_390 = arith.constant 0 : i32
      %cond3A_391 = arith.cmpi ne, %convert_element_type3A_389, %cond3A_390 : i32
      scf.if %cond3A_391 {
        %dma_wait3A_548 = arith.constant 0 : i32
        %dma_wait3A_549 = arith.constant 0 : i32
        %dma_wait3A_550 = arith.constant 0 : i32
        %dma_wait3A_551 = tpu.memref_slice %arg32[%dma_wait3A_548, %dma_wait3A_549, %dma_wait3A_550] : memref<2x64x128xf32, #tpu.memory_space<vmem>> -> memref<1x64x128xf32, #tpu.memory_space<vmem>>
        %dma_wait3A_552 = tpu.memref_squeeze %dma_wait3A_551 : memref<1x64x128xf32, #tpu.memory_space<vmem>> -> memref<64x128xf32, #tpu.memory_space<vmem>>
        %dma_wait3A_553 = arith.constant 0 : i32
        %dma_wait3A_554 = arith.constant 0 : i32
        %dma_wait3A_555 = tpu.memref_slice %arg33[%dma_wait3A_553, %dma_wait3A_554] : memref<10048x128xf32, #tpu.memory_space<vmem_shared>> -> memref<10048x128xf32, #tpu.memory_space<vmem_shared>>
        tpu.wait_indirect_dma semaphore(%arg50 : memref<!tpu.dma_semaphore, #tpu.memory_space<semaphore_mem>>) src(%dma_wait3A_552 : memref<64x128xf32, #tpu.memory_space<vmem>>) dst(%dma_wait3A_555 : memref<10048x128xf32, #tpu.memory_space<vmem_shared>>)
      } else {
      }
      %scan3A_392 = arith.constant 0 : i32
      %scan3A_393 = arith.constant 0 : i32
      %scan3A_394 = arith.constant 64 : i32
      %scan3A_395 = arith.addi %scan3A_393, %scan3A_394 : i32
      %scan3A_396 = arith.constant 1 : i32
      scf.for %scan3A_548 = %scan3A_393 to %scan3A_395 step %scan3A_396  : i32 {
        %broadcast_in_dim3A = vector.broadcast %scan3A_548 : i32 to vector<16xi32>
        %gather3A = tpu.vector_load_idx %arg27[%broadcast_in_dim3A] : memref<64xf32, #tpu.memory_space<vmem>>[vector<16xi32>], vector<16xf32>,
        %get3A = arith.constant 4 : i32
        %get3A_549 = arith.index_cast %get3A : i32 to index
        %get3A_550 = arith.index_cast %scan3A_548 : i32 to index
        %get3A_551 = arith.constant 0 : index
        %get3A_552 = tpu.vector_load %arg31[%get3A_549, %get3A_550, %get3A_551] {strides = array<i32>} : memref<8x64x64xi32, #tpu.memory_space<vmem>>, vector<16xi32>,
        %shift_left3A = arith.constant 16 : i32
        %shift_left3A_553 = vector.broadcast %shift_left3A : i32 to vector<16xi32>
        %shift_left3A_554 = arith.shli %get3A_552, %shift_left3A_553 : vector<16xi32>
        %bitcast3A = vector.bitcast %shift_left3A_554 : vector<16xi32> to vector<16xf32>
        %and3A = arith.constant -65536 : i32
        %and3A_555 = vector.broadcast %and3A : i32 to vector<16xi32>
        %and3A_556 = arith.andi %get3A_552, %and3A_555 : vector<16xi32>
        %bitcast3A_557 = vector.bitcast %and3A_556 : vector<16xi32> to vector<16xf32>
        %mul3A_558 = arith.mulf %bitcast3A, %gather3A : vector<16xf32>
        %swap3A = arith.constant 0 : i32
        %swap3A_559 = arith.index_cast %swap3A : i32 to index
        %swap3A_560 = arith.index_cast %scan3A_548 : i32 to index
        %swap3A_561 = arith.constant 0 : index
        %swap3A_562 = tpu.vector_load %arg32[%swap3A_559, %swap3A_560, %swap3A_561] {strides = array<i32>} : memref<2x64x128xf32, #tpu.memory_space<vmem>>, vector<16xf32>,
        tpu.vector_store %arg32[%swap3A_559, %swap3A_560, %swap3A_561], %mul3A_558 {strides = array<i32>} : memref<2x64x128xf32, #tpu.memory_space<vmem>>, vector<16xf32>,
        %mul3A_563 = arith.mulf %bitcast3A_557, %gather3A : vector<16xf32>
        %swap3A_564 = arith.constant 0 : i32
        %swap3A_565 = arith.index_cast %swap3A_564 : i32 to index
        %swap3A_566 = arith.index_cast %scan3A_548 : i32 to index
        %swap3A_567 = arith.constant 16 : index
        %swap3A_568 = tpu.vector_load %arg32[%swap3A_565, %swap3A_566, %swap3A_567] {strides = array<i32>} : memref<2x64x128xf32, #tpu.memory_space<vmem>>, vector<16xf32>,
        tpu.vector_store %arg32[%swap3A_565, %swap3A_566, %swap3A_567], %mul3A_563 {strides = array<i32>} : memref<2x64x128xf32, #tpu.memory_space<vmem>>, vector<16xf32>,
        %get3A_569 = arith.constant 4 : i32
        %get3A_570 = arith.index_cast %get3A_569 : i32 to index
        %get3A_571 = arith.index_cast %scan3A_548 : i32 to index
        %get3A_572 = arith.constant 16 : index
        %get3A_573 = tpu.vector_load %arg31[%get3A_570, %get3A_571, %get3A_572] {strides = array<i32>} : memref<8x64x64xi32, #tpu.memory_space<vmem>>, vector<16xi32>,
        %shift_left3A_574 = arith.constant 16 : i32
        %shift_left3A_575 = vector.broadcast %shift_left3A_574 : i32 to vector<16xi32>
        %shift_left3A_576 = arith.shli %get3A_573, %shift_left3A_575 : vector<16xi32>
        %bitcast3A_577 = vector.bitcast %shift_left3A_576 : vector<16xi32> to vector<16xf32>
        %and3A_578 = arith.constant -65536 : i32
        %and3A_579 = vector.broadcast %and3A_578 : i32 to vector<16xi32>
        %and3A_580 = arith.andi %get3A_573, %and3A_579 : vector<16xi32>
        %bitcast3A_581 = vector.bitcast %and3A_580 : vector<16xi32> to vector<16xf32>
        %mul3A_582 = arith.mulf %bitcast3A_577, %gather3A : vector<16xf32>
        %swap3A_583 = arith.constant 0 : i32
        %swap3A_584 = arith.index_cast %swap3A_583 : i32 to index
        %swap3A_585 = arith.index_cast %scan3A_548 : i32 to index
        %swap3A_586 = arith.constant 32 : index
        %swap3A_587 = tpu.vector_load %arg32[%swap3A_584, %swap3A_585, %swap3A_586] {strides = array<i32>} : memref<2x64x128xf32, #tpu.memory_space<vmem>>, vector<16xf32>,
        tpu.vector_store %arg32[%swap3A_584, %swap3A_585, %swap3A_586], %mul3A_582 {strides = array<i32>} : memref<2x64x128xf32, #tpu.memory_space<vmem>>, vector<16xf32>,
        %mul3A_588 = arith.mulf %bitcast3A_581, %gather3A : vector<16xf32>
        %swap3A_589 = arith.constant 0 : i32
        %swap3A_590 = arith.index_cast %swap3A_589 : i32 to index
        %swap3A_591 = arith.index_cast %scan3A_548 : i32 to index
        %swap3A_592 = arith.constant 48 : index
        %swap3A_593 = tpu.vector_load %arg32[%swap3A_590, %swap3A_591, %swap3A_592] {strides = array<i32>} : memref<2x64x128xf32, #tpu.memory_space<vmem>>, vector<16xf32>,
        tpu.vector_store %arg32[%swap3A_590, %swap3A_591, %swap3A_592], %mul3A_588 {strides = array<i32>} : memref<2x64x128xf32, #tpu.memory_space<vmem>>, vector<16xf32>,
        %get3A_594 = arith.constant 4 : i32
        %get3A_595 = arith.index_cast %get3A_594 : i32 to index
        %get3A_596 = arith.index_cast %scan3A_548 : i32 to index
        %get3A_597 = arith.constant 32 : index
        %get3A_598 = tpu.vector_load %arg31[%get3A_595, %get3A_596, %get3A_597] {strides = array<i32>} : memref<8x64x64xi32, #tpu.memory_space<vmem>>, vector<16xi32>,
        %shift_left3A_599 = arith.constant 16 : i32
        %shift_left3A_600 = vector.broadcast %shift_left3A_599 : i32 to vector<16xi32>
        %shift_left3A_601 = arith.shli %get3A_598, %shift_left3A_600 : vector<16xi32>
        %bitcast3A_602 = vector.bitcast %shift_left3A_601 : vector<16xi32> to vector<16xf32>
        %and3A_603 = arith.constant -65536 : i32
        %and3A_604 = vector.broadcast %and3A_603 : i32 to vector<16xi32>
        %and3A_605 = arith.andi %get3A_598, %and3A_604 : vector<16xi32>
        %bitcast3A_606 = vector.bitcast %and3A_605 : vector<16xi32> to vector<16xf32>
        %mul3A_607 = arith.mulf %bitcast3A_602, %gather3A : vector<16xf32>
        %swap3A_608 = arith.constant 0 : i32
        %swap3A_609 = arith.index_cast %swap3A_608 : i32 to index
        %swap3A_610 = arith.index_cast %scan3A_548 : i32 to index
        %swap3A_611 = arith.constant 64 : index
        %swap3A_612 = tpu.vector_load %arg32[%swap3A_609, %swap3A_610, %swap3A_611] {strides = array<i32>} : memref<2x64x128xf32, #tpu.memory_space<vmem>>, vector<16xf32>,
        tpu.vector_store %arg32[%swap3A_609, %swap3A_610, %swap3A_611], %mul3A_607 {strides = array<i32>} : memref<2x64x128xf32, #tpu.memory_space<vmem>>, vector<16xf32>,
        %mul3A_613 = arith.mulf %bitcast3A_606, %gather3A : vector<16xf32>
        %swap3A_614 = arith.constant 0 : i32
        %swap3A_615 = arith.index_cast %swap3A_614 : i32 to index
        %swap3A_616 = arith.index_cast %scan3A_548 : i32 to index
        %swap3A_617 = arith.constant 80 : index
        %swap3A_618 = tpu.vector_load %arg32[%swap3A_615, %swap3A_616, %swap3A_617] {strides = array<i32>} : memref<2x64x128xf32, #tpu.memory_space<vmem>>, vector<16xf32>,
        tpu.vector_store %arg32[%swap3A_615, %swap3A_616, %swap3A_617], %mul3A_613 {strides = array<i32>} : memref<2x64x128xf32, #tpu.memory_space<vmem>>, vector<16xf32>,
        %get3A_619 = arith.constant 4 : i32
        %get3A_620 = arith.index_cast %get3A_619 : i32 to index
        %get3A_621 = arith.index_cast %scan3A_548 : i32 to index
        %get3A_622 = arith.constant 48 : index
        %get3A_623 = tpu.vector_load %arg31[%get3A_620, %get3A_621, %get3A_622] {strides = array<i32>} : memref<8x64x64xi32, #tpu.memory_space<vmem>>, vector<16xi32>,
        %shift_left3A_624 = arith.constant 16 : i32
        %shift_left3A_625 = vector.broadcast %shift_left3A_624 : i32 to vector<16xi32>
        %shift_left3A_626 = arith.shli %get3A_623, %shift_left3A_625 : vector<16xi32>
        %bitcast3A_627 = vector.bitcast %shift_left3A_626 : vector<16xi32> to vector<16xf32>
        %and3A_628 = arith.constant -65536 : i32
        %and3A_629 = vector.broadcast %and3A_628 : i32 to vector<16xi32>
        %and3A_630 = arith.andi %get3A_623, %and3A_629 : vector<16xi32>
        %bitcast3A_631 = vector.bitcast %and3A_630 : vector<16xi32> to vector<16xf32>
        %mul3A_632 = arith.mulf %bitcast3A_627, %gather3A : vector<16xf32>
        %swap3A_633 = arith.constant 0 : i32
        %swap3A_634 = arith.index_cast %swap3A_633 : i32 to index
        %swap3A_635 = arith.index_cast %scan3A_548 : i32 to index
        %swap3A_636 = arith.constant 96 : index
        %swap3A_637 = tpu.vector_load %arg32[%swap3A_634, %swap3A_635, %swap3A_636] {strides = array<i32>} : memref<2x64x128xf32, #tpu.memory_space<vmem>>, vector<16xf32>,
        tpu.vector_store %arg32[%swap3A_634, %swap3A_635, %swap3A_636], %mul3A_632 {strides = array<i32>} : memref<2x64x128xf32, #tpu.memory_space<vmem>>, vector<16xf32>,
        %mul3A_638 = arith.mulf %bitcast3A_631, %gather3A : vector<16xf32>
        %swap3A_639 = arith.constant 0 : i32
        %swap3A_640 = arith.index_cast %swap3A_639 : i32 to index
        %swap3A_641 = arith.index_cast %scan3A_548 : i32 to index
        %swap3A_642 = arith.constant 112 : index
        %swap3A_643 = tpu.vector_load %arg32[%swap3A_640, %swap3A_641, %swap3A_642] {strides = array<i32>} : memref<2x64x128xf32, #tpu.memory_space<vmem>>, vector<16xf32>,
        tpu.vector_store %arg32[%swap3A_640, %swap3A_641, %swap3A_642], %mul3A_638 {strides = array<i32>} : memref<2x64x128xf32, #tpu.memory_space<vmem>>, vector<16xf32>,
      }
      %scan3A_397 = arith.constant 64 : i32
      %dma_start3A_398 = arith.constant 0 : i32
      %dma_start3A_399 = arith.constant 0 : i32
      %dma_start3A_400 = arith.constant 0 : i32
      %dma_start3A_401 = tpu.memref_slice %arg32[%dma_start3A_398, %dma_start3A_399, %dma_start3A_400] : memref<2x64x128xf32, #tpu.memory_space<vmem>> -> memref<1x64x128xf32, #tpu.memory_space<vmem>>
      %dma_start3A_402 = tpu.memref_squeeze %dma_start3A_401 : memref<1x64x128xf32, #tpu.memory_space<vmem>> -> memref<64x128xf32, #tpu.memory_space<vmem>>
      %dma_start3A_403 = arith.constant 0 : i32
      %dma_start3A_404 = arith.constant 0 : i32
      %dma_start3A_405 = tpu.memref_slice %arg33[%dma_start3A_403, %dma_start3A_404] : memref<10048x128xf32, #tpu.memory_space<vmem_shared>> -> memref<10048x128xf32, #tpu.memory_space<vmem_shared>>
      tpu.enqueue_indirect_dma source(%dma_start3A_402 : memref<64x128xf32, #tpu.memory_space<vmem>>) target(%dma_start3A_405 : memref<10048x128xf32, #tpu.memory_space<vmem_shared>>) offsets(%arg19 : memref<64xi32, #tpu.memory_space<vmem>>) semaphore(%arg50 : memref<!tpu.dma_semaphore, #tpu.memory_space<semaphore_mem>>) {add = true}
      %add3A_406 = arith.constant 6 : i32
      %add3A_407 = arith.addi %add3A_371, %add3A_406 : i32
      %lt3A_408 = arith.constant 160 : i32
      %lt3A_409 = arith.cmpi slt, %add3A_407, %lt3A_408 : i32
      %convert_element_type3A_410 = arith.extui %lt3A_409 : i1 to i32
      %cond3A_411 = arith.constant 0 : i32
      %cond3A_412 = arith.cmpi ne, %convert_element_type3A_410, %cond3A_411 : i32
      scf.if %cond3A_412 {
        %add3A_548 = arith.constant 6 : i32
        %add3A_549 = arith.addi %add3A_371, %add3A_548 : i32
        %mul3A_550 = arith.constant 10240 : i32
        %mul3A_551 = arith.muli %add3A, %mul3A_550 : i32
        %mul3A_552 = arith.constant 64 : i32
        %mul3A_553 = arith.muli %add3A_549, %mul3A_552 : i32
        %add3A_554 = arith.addi %mul3A_551, %mul3A_553 : i32
        %dma_start3A_555 = tpu.memref_slice %arg4[%add3A_554] : memref<327680xi32, #tpu.memory_space<hbm>> -> memref<64xi32, #tpu.memory_space<hbm>>
        %dma_start3A_556 = tpu.memref_slice %arg4[%add3A_554] : memref<327680xi32, #tpu.memory_space<hbm>> -> memref<64xi32, #tpu.memory_space<hbm>>
        tpu.enqueue_dma source(%dma_start3A_556 : memref<64xi32, #tpu.memory_space<hbm>>) target(%arg9 : memref<64xi32, #tpu.memory_space<vmem>>) target_semaphore(%arg36 : memref<!tpu.dma_semaphore, #tpu.memory_space<semaphore_mem>>)
        %dma_start3A_557 = tpu.memref_slice %arg3[%add3A_554] : memref<327680xi32, #tpu.memory_space<hbm>> -> memref<64xi32, #tpu.memory_space<hbm>>
        %dma_start3A_558 = tpu.memref_slice %arg3[%add3A_554] : memref<327680xi32, #tpu.memory_space<hbm>> -> memref<64xi32, #tpu.memory_space<hbm>>
        tpu.enqueue_dma source(%dma_start3A_558 : memref<64xi32, #tpu.memory_space<hbm>>) target(%arg17 : memref<64xi32, #tpu.memory_space<vmem>>) target_semaphore(%arg36 : memref<!tpu.dma_semaphore, #tpu.memory_space<semaphore_mem>>)
        %dma_start3A_559 = tpu.memref_slice %arg5[%add3A_554] : memref<327680xf32, #tpu.memory_space<hbm>> -> memref<64xf32, #tpu.memory_space<hbm>>
        %dma_start3A_560 = tpu.memref_slice %arg5[%add3A_554] : memref<327680xf32, #tpu.memory_space<hbm>> -> memref<64xf32, #tpu.memory_space<hbm>>
        tpu.enqueue_dma source(%dma_start3A_560 : memref<64xf32, #tpu.memory_space<hbm>>) target(%arg25 : memref<64xf32, #tpu.memory_space<vmem>>) target_semaphore(%arg36 : memref<!tpu.dma_semaphore, #tpu.memory_space<semaphore_mem>>)
      } else {
      }
      %mul3A_413 = arith.constant 8 : i32
      %mul3A_414 = arith.muli %mul3A_413, %scan3A_191 : i32
      %add3A_415 = arith.constant 5 : i32
      %add3A_416 = arith.addi %mul3A_414, %add3A_415 : i32
      %add3A_417 = arith.constant 4 : i32
      %add3A_418 = arith.addi %add3A_416, %add3A_417 : i32
      %lt3A_419 = arith.constant 160 : i32
      %lt3A_420 = arith.cmpi slt, %add3A_418, %lt3A_419 : i32
      %convert_element_type3A_421 = arith.extui %lt3A_420 : i1 to i32
      %cond3A_422 = arith.constant 0 : i32
      %cond3A_423 = arith.cmpi ne, %convert_element_type3A_421, %cond3A_422 : i32
      scf.if %cond3A_423 {
        %dma_wait3A_548 = arith.constant 0 : i32
        %dma_wait3A_549 = tpu.memref_slice %arg4[%dma_wait3A_548] : memref<327680xi32, #tpu.memory_space<hbm>> -> memref<64xi32, #tpu.memory_space<hbm>>
        %dma_wait3A_550 = arith.constant 0 : i32
        %dma_wait3A_551 = tpu.memref_slice %arg4[%dma_wait3A_550] : memref<327680xi32, #tpu.memory_space<hbm>> -> memref<64xi32, #tpu.memory_space<hbm>>
        tpu.wait_dma2 semaphore(%arg35 : memref<!tpu.dma_semaphore, #tpu.memory_space<semaphore_mem>>) src(%dma_wait3A_551 : memref<64xi32, #tpu.memory_space<hbm>>) dst(%arg8 : memref<64xi32, #tpu.memory_space<vmem>>)
        %dma_wait3A_552 = arith.constant 0 : i32
        %dma_wait3A_553 = tpu.memref_slice %arg3[%dma_wait3A_552] : memref<327680xi32, #tpu.memory_space<hbm>> -> memref<64xi32, #tpu.memory_space<hbm>>
        %dma_wait3A_554 = arith.constant 0 : i32
        %dma_wait3A_555 = tpu.memref_slice %arg3[%dma_wait3A_554] : memref<327680xi32, #tpu.memory_space<hbm>> -> memref<64xi32, #tpu.memory_space<hbm>>
        tpu.wait_dma2 semaphore(%arg35 : memref<!tpu.dma_semaphore, #tpu.memory_space<semaphore_mem>>) src(%dma_wait3A_555 : memref<64xi32, #tpu.memory_space<hbm>>) dst(%arg16 : memref<64xi32, #tpu.memory_space<vmem>>)
        %dma_wait3A_556 = arith.constant 0 : i32
        %dma_wait3A_557 = tpu.memref_slice %arg5[%dma_wait3A_556] : memref<327680xf32, #tpu.memory_space<hbm>> -> memref<64xf32, #tpu.memory_space<hbm>>
        %dma_wait3A_558 = arith.constant 0 : i32
        %dma_wait3A_559 = tpu.memref_slice %arg5[%dma_wait3A_558] : memref<327680xf32, #tpu.memory_space<hbm>> -> memref<64xf32, #tpu.memory_space<hbm>>
        tpu.wait_dma2 semaphore(%arg35 : memref<!tpu.dma_semaphore, #tpu.memory_space<semaphore_mem>>) src(%dma_wait3A_559 : memref<64xf32, #tpu.memory_space<hbm>>) dst(%arg24 : memref<64xf32, #tpu.memory_space<vmem>>)
        %dma_start3A_560 = arith.constant 1 : i32
        %dma_start3A_561 = arith.constant 0 : i32
        %dma_start3A_562 = arith.constant 0 : i32
        %dma_start3A_563 = tpu.memref_slice %arg31[%dma_start3A_560, %dma_start3A_561, %dma_start3A_562] : memref<8x64x64xi32, #tpu.memory_space<vmem>> -> memref<1x64x64xi32, #tpu.memory_space<vmem>>
        %dma_start3A_564 = tpu.memref_squeeze %dma_start3A_563 : memref<1x64x64xi32, #tpu.memory_space<vmem>> -> memref<64x64xi32, #tpu.memory_space<vmem>>
        %dma_start3A_565 = arith.constant 0 : i32
        %dma_start3A_566 = arith.constant 0 : i32
        %dma_start3A_567 = tpu.memref_slice %arg2[%dma_start3A_565, %dma_start3A_566] : memref<10000x64xi32, #tpu.memory_space<hbm>> -> memref<10000x64xi32, #tpu.memory_space<hbm>>
        tpu.enqueue_indirect_dma source(%dma_start3A_567 : memref<10000x64xi32, #tpu.memory_space<hbm>>) target(%dma_start3A_564 : memref<64x64xi32, #tpu.memory_space<vmem>>) offsets(%arg8 : memref<64xi32, #tpu.memory_space<vmem>>) semaphore(%arg43 : memref<!tpu.dma_semaphore, #tpu.memory_space<semaphore_mem>>)
      } else {
      }
      %dma_wait3A_424 = arith.constant 5 : i32
      %dma_wait3A_425 = arith.constant 0 : i32
      %dma_wait3A_426 = arith.constant 0 : i32
      %dma_wait3A_427 = tpu.memref_slice %arg31[%dma_wait3A_424, %dma_wait3A_425, %dma_wait3A_426] : memref<8x64x64xi32, #tpu.memory_space<vmem>> -> memref<1x64x64xi32, #tpu.memory_space<vmem>>
      %dma_wait3A_428 = tpu.memref_squeeze %dma_wait3A_427 : memref<1x64x64xi32, #tpu.memory_space<vmem>> -> memref<64x64xi32, #tpu.memory_space<vmem>>
      %dma_wait3A_429 = arith.constant 0 : i32
      %dma_wait3A_430 = arith.constant 0 : i32
      %dma_wait3A_431 = tpu.memref_slice %arg2[%dma_wait3A_429, %dma_wait3A_430] : memref<10000x64xi32, #tpu.memory_space<hbm>> -> memref<10000x64xi32, #tpu.memory_space<hbm>>
      tpu.wait_indirect_dma semaphore(%arg47 : memref<!tpu.dma_semaphore, #tpu.memory_space<semaphore_mem>>) src(%dma_wait3A_431 : memref<10000x64xi32, #tpu.memory_space<hbm>>) dst(%dma_wait3A_428 : memref<64x64xi32, #tpu.memory_space<vmem>>)
      %ge3A_432 = arith.constant 2 : i32
      %ge3A_433 = arith.cmpi sge, %add3A_416, %ge3A_432 : i32
      %convert_element_type3A_434 = arith.extui %ge3A_433 : i1 to i32
      %cond3A_435 = arith.constant 0 : i32
      %cond3A_436 = arith.cmpi ne, %convert_element_type3A_434, %cond3A_435 : i32
      scf.if %cond3A_436 {
        %dma_wait3A_548 = arith.constant 1 : i32
        %dma_wait3A_549 = arith.constant 0 : i32
        %dma_wait3A_550 = arith.constant 0 : i32
        %dma_wait3A_551 = tpu.memref_slice %arg32[%dma_wait3A_548, %dma_wait3A_549, %dma_wait3A_550] : memref<2x64x128xf32, #tpu.memory_space<vmem>> -> memref<1x64x128xf32, #tpu.memory_space<vmem>>
        %dma_wait3A_552 = tpu.memref_squeeze %dma_wait3A_551 : memref<1x64x128xf32, #tpu.memory_space<vmem>> -> memref<64x128xf32, #tpu.memory_space<vmem>>
        %dma_wait3A_553 = arith.constant 0 : i32
        %dma_wait3A_554 = arith.constant 0 : i32
        %dma_wait3A_555 = tpu.memref_slice %arg33[%dma_wait3A_553, %dma_wait3A_554] : memref<10048x128xf32, #tpu.memory_space<vmem_shared>> -> memref<10048x128xf32, #tpu.memory_space<vmem_shared>>
        tpu.wait_indirect_dma semaphore(%arg51 : memref<!tpu.dma_semaphore, #tpu.memory_space<semaphore_mem>>) src(%dma_wait3A_552 : memref<64x128xf32, #tpu.memory_space<vmem>>) dst(%dma_wait3A_555 : memref<10048x128xf32, #tpu.memory_space<vmem_shared>>)
      } else {
      }
      %scan3A_437 = arith.constant 0 : i32
      %scan3A_438 = arith.constant 0 : i32
      %scan3A_439 = arith.constant 64 : i32
      %scan3A_440 = arith.addi %scan3A_438, %scan3A_439 : i32
      %scan3A_441 = arith.constant 1 : i32
      scf.for %scan3A_548 = %scan3A_438 to %scan3A_440 step %scan3A_441  : i32 {
        %broadcast_in_dim3A = vector.broadcast %scan3A_548 : i32 to vector<16xi32>
        %gather3A = tpu.vector_load_idx %arg28[%broadcast_in_dim3A] : memref<64xf32, #tpu.memory_space<vmem>>[vector<16xi32>], vector<16xf32>,
        %get3A = arith.constant 5 : i32
        %get3A_549 = arith.index_cast %get3A : i32 to index
        %get3A_550 = arith.index_cast %scan3A_548 : i32 to index
        %get3A_551 = arith.constant 0 : index
        %get3A_552 = tpu.vector_load %arg31[%get3A_549, %get3A_550, %get3A_551] {strides = array<i32>} : memref<8x64x64xi32, #tpu.memory_space<vmem>>, vector<16xi32>,
        %shift_left3A = arith.constant 16 : i32
        %shift_left3A_553 = vector.broadcast %shift_left3A : i32 to vector<16xi32>
        %shift_left3A_554 = arith.shli %get3A_552, %shift_left3A_553 : vector<16xi32>
        %bitcast3A = vector.bitcast %shift_left3A_554 : vector<16xi32> to vector<16xf32>
        %and3A = arith.constant -65536 : i32
        %and3A_555 = vector.broadcast %and3A : i32 to vector<16xi32>
        %and3A_556 = arith.andi %get3A_552, %and3A_555 : vector<16xi32>
        %bitcast3A_557 = vector.bitcast %and3A_556 : vector<16xi32> to vector<16xf32>
        %mul3A_558 = arith.mulf %bitcast3A, %gather3A : vector<16xf32>
        %swap3A = arith.constant 1 : i32
        %swap3A_559 = arith.index_cast %swap3A : i32 to index
        %swap3A_560 = arith.index_cast %scan3A_548 : i32 to index
        %swap3A_561 = arith.constant 0 : index
        %swap3A_562 = tpu.vector_load %arg32[%swap3A_559, %swap3A_560, %swap3A_561] {strides = array<i32>} : memref<2x64x128xf32, #tpu.memory_space<vmem>>, vector<16xf32>,
        tpu.vector_store %arg32[%swap3A_559, %swap3A_560, %swap3A_561], %mul3A_558 {strides = array<i32>} : memref<2x64x128xf32, #tpu.memory_space<vmem>>, vector<16xf32>,
        %mul3A_563 = arith.mulf %bitcast3A_557, %gather3A : vector<16xf32>
        %swap3A_564 = arith.constant 1 : i32
        %swap3A_565 = arith.index_cast %swap3A_564 : i32 to index
        %swap3A_566 = arith.index_cast %scan3A_548 : i32 to index
        %swap3A_567 = arith.constant 16 : index
        %swap3A_568 = tpu.vector_load %arg32[%swap3A_565, %swap3A_566, %swap3A_567] {strides = array<i32>} : memref<2x64x128xf32, #tpu.memory_space<vmem>>, vector<16xf32>,
        tpu.vector_store %arg32[%swap3A_565, %swap3A_566, %swap3A_567], %mul3A_563 {strides = array<i32>} : memref<2x64x128xf32, #tpu.memory_space<vmem>>, vector<16xf32>,
        %get3A_569 = arith.constant 5 : i32
        %get3A_570 = arith.index_cast %get3A_569 : i32 to index
        %get3A_571 = arith.index_cast %scan3A_548 : i32 to index
        %get3A_572 = arith.constant 16 : index
        %get3A_573 = tpu.vector_load %arg31[%get3A_570, %get3A_571, %get3A_572] {strides = array<i32>} : memref<8x64x64xi32, #tpu.memory_space<vmem>>, vector<16xi32>,
        %shift_left3A_574 = arith.constant 16 : i32
        %shift_left3A_575 = vector.broadcast %shift_left3A_574 : i32 to vector<16xi32>
        %shift_left3A_576 = arith.shli %get3A_573, %shift_left3A_575 : vector<16xi32>
        %bitcast3A_577 = vector.bitcast %shift_left3A_576 : vector<16xi32> to vector<16xf32>
        %and3A_578 = arith.constant -65536 : i32
        %and3A_579 = vector.broadcast %and3A_578 : i32 to vector<16xi32>
        %and3A_580 = arith.andi %get3A_573, %and3A_579 : vector<16xi32>
        %bitcast3A_581 = vector.bitcast %and3A_580 : vector<16xi32> to vector<16xf32>
        %mul3A_582 = arith.mulf %bitcast3A_577, %gather3A : vector<16xf32>
        %swap3A_583 = arith.constant 1 : i32
        %swap3A_584 = arith.index_cast %swap3A_583 : i32 to index
        %swap3A_585 = arith.index_cast %scan3A_548 : i32 to index
        %swap3A_586 = arith.constant 32 : index
        %swap3A_587 = tpu.vector_load %arg32[%swap3A_584, %swap3A_585, %swap3A_586] {strides = array<i32>} : memref<2x64x128xf32, #tpu.memory_space<vmem>>, vector<16xf32>,
        tpu.vector_store %arg32[%swap3A_584, %swap3A_585, %swap3A_586], %mul3A_582 {strides = array<i32>} : memref<2x64x128xf32, #tpu.memory_space<vmem>>, vector<16xf32>,
        %mul3A_588 = arith.mulf %bitcast3A_581, %gather3A : vector<16xf32>
        %swap3A_589 = arith.constant 1 : i32
        %swap3A_590 = arith.index_cast %swap3A_589 : i32 to index
        %swap3A_591 = arith.index_cast %scan3A_548 : i32 to index
        %swap3A_592 = arith.constant 48 : index
        %swap3A_593 = tpu.vector_load %arg32[%swap3A_590, %swap3A_591, %swap3A_592] {strides = array<i32>} : memref<2x64x128xf32, #tpu.memory_space<vmem>>, vector<16xf32>,
        tpu.vector_store %arg32[%swap3A_590, %swap3A_591, %swap3A_592], %mul3A_588 {strides = array<i32>} : memref<2x64x128xf32, #tpu.memory_space<vmem>>, vector<16xf32>,
        %get3A_594 = arith.constant 5 : i32
        %get3A_595 = arith.index_cast %get3A_594 : i32 to index
        %get3A_596 = arith.index_cast %scan3A_548 : i32 to index
        %get3A_597 = arith.constant 32 : index
        %get3A_598 = tpu.vector_load %arg31[%get3A_595, %get3A_596, %get3A_597] {strides = array<i32>} : memref<8x64x64xi32, #tpu.memory_space<vmem>>, vector<16xi32>,
        %shift_left3A_599 = arith.constant 16 : i32
        %shift_left3A_600 = vector.broadcast %shift_left3A_599 : i32 to vector<16xi32>
        %shift_left3A_601 = arith.shli %get3A_598, %shift_left3A_600 : vector<16xi32>
        %bitcast3A_602 = vector.bitcast %shift_left3A_601 : vector<16xi32> to vector<16xf32>
        %and3A_603 = arith.constant -65536 : i32
        %and3A_604 = vector.broadcast %and3A_603 : i32 to vector<16xi32>
        %and3A_605 = arith.andi %get3A_598, %and3A_604 : vector<16xi32>
        %bitcast3A_606 = vector.bitcast %and3A_605 : vector<16xi32> to vector<16xf32>
        %mul3A_607 = arith.mulf %bitcast3A_602, %gather3A : vector<16xf32>
        %swap3A_608 = arith.constant 1 : i32
        %swap3A_609 = arith.index_cast %swap3A_608 : i32 to index
        %swap3A_610 = arith.index_cast %scan3A_548 : i32 to index
        %swap3A_611 = arith.constant 64 : index
        %swap3A_612 = tpu.vector_load %arg32[%swap3A_609, %swap3A_610, %swap3A_611] {strides = array<i32>} : memref<2x64x128xf32, #tpu.memory_space<vmem>>, vector<16xf32>,
        tpu.vector_store %arg32[%swap3A_609, %swap3A_610, %swap3A_611], %mul3A_607 {strides = array<i32>} : memref<2x64x128xf32, #tpu.memory_space<vmem>>, vector<16xf32>,
        %mul3A_613 = arith.mulf %bitcast3A_606, %gather3A : vector<16xf32>
        %swap3A_614 = arith.constant 1 : i32
        %swap3A_615 = arith.index_cast %swap3A_614 : i32 to index
        %swap3A_616 = arith.index_cast %scan3A_548 : i32 to index
        %swap3A_617 = arith.constant 80 : index
        %swap3A_618 = tpu.vector_load %arg32[%swap3A_615, %swap3A_616, %swap3A_617] {strides = array<i32>} : memref<2x64x128xf32, #tpu.memory_space<vmem>>, vector<16xf32>,
        tpu.vector_store %arg32[%swap3A_615, %swap3A_616, %swap3A_617], %mul3A_613 {strides = array<i32>} : memref<2x64x128xf32, #tpu.memory_space<vmem>>, vector<16xf32>,
        %get3A_619 = arith.constant 5 : i32
        %get3A_620 = arith.index_cast %get3A_619 : i32 to index
        %get3A_621 = arith.index_cast %scan3A_548 : i32 to index
        %get3A_622 = arith.constant 48 : index
        %get3A_623 = tpu.vector_load %arg31[%get3A_620, %get3A_621, %get3A_622] {strides = array<i32>} : memref<8x64x64xi32, #tpu.memory_space<vmem>>, vector<16xi32>,
        %shift_left3A_624 = arith.constant 16 : i32
        %shift_left3A_625 = vector.broadcast %shift_left3A_624 : i32 to vector<16xi32>
        %shift_left3A_626 = arith.shli %get3A_623, %shift_left3A_625 : vector<16xi32>
        %bitcast3A_627 = vector.bitcast %shift_left3A_626 : vector<16xi32> to vector<16xf32>
        %and3A_628 = arith.constant -65536 : i32
        %and3A_629 = vector.broadcast %and3A_628 : i32 to vector<16xi32>
        %and3A_630 = arith.andi %get3A_623, %and3A_629 : vector<16xi32>
        %bitcast3A_631 = vector.bitcast %and3A_630 : vector<16xi32> to vector<16xf32>
        %mul3A_632 = arith.mulf %bitcast3A_627, %gather3A : vector<16xf32>
        %swap3A_633 = arith.constant 1 : i32
        %swap3A_634 = arith.index_cast %swap3A_633 : i32 to index
        %swap3A_635 = arith.index_cast %scan3A_548 : i32 to index
        %swap3A_636 = arith.constant 96 : index
        %swap3A_637 = tpu.vector_load %arg32[%swap3A_634, %swap3A_635, %swap3A_636] {strides = array<i32>} : memref<2x64x128xf32, #tpu.memory_space<vmem>>, vector<16xf32>,
        tpu.vector_store %arg32[%swap3A_634, %swap3A_635, %swap3A_636], %mul3A_632 {strides = array<i32>} : memref<2x64x128xf32, #tpu.memory_space<vmem>>, vector<16xf32>,
        %mul3A_638 = arith.mulf %bitcast3A_631, %gather3A : vector<16xf32>
        %swap3A_639 = arith.constant 1 : i32
        %swap3A_640 = arith.index_cast %swap3A_639 : i32 to index
        %swap3A_641 = arith.index_cast %scan3A_548 : i32 to index
        %swap3A_642 = arith.constant 112 : index
        %swap3A_643 = tpu.vector_load %arg32[%swap3A_640, %swap3A_641, %swap3A_642] {strides = array<i32>} : memref<2x64x128xf32, #tpu.memory_space<vmem>>, vector<16xf32>,
        tpu.vector_store %arg32[%swap3A_640, %swap3A_641, %swap3A_642], %mul3A_638 {strides = array<i32>} : memref<2x64x128xf32, #tpu.memory_space<vmem>>, vector<16xf32>,
      }
      %scan3A_442 = arith.constant 64 : i32
      %dma_start3A_443 = arith.constant 1 : i32
      %dma_start3A_444 = arith.constant 0 : i32
      %dma_start3A_445 = arith.constant 0 : i32
      %dma_start3A_446 = tpu.memref_slice %arg32[%dma_start3A_443, %dma_start3A_444, %dma_start3A_445] : memref<2x64x128xf32, #tpu.memory_space<vmem>> -> memref<1x64x128xf32, #tpu.memory_space<vmem>>
      %dma_start3A_447 = tpu.memref_squeeze %dma_start3A_446 : memref<1x64x128xf32, #tpu.memory_space<vmem>> -> memref<64x128xf32, #tpu.memory_space<vmem>>
      %dma_start3A_448 = arith.constant 0 : i32
      %dma_start3A_449 = arith.constant 0 : i32
      %dma_start3A_450 = tpu.memref_slice %arg33[%dma_start3A_448, %dma_start3A_449] : memref<10048x128xf32, #tpu.memory_space<vmem_shared>> -> memref<10048x128xf32, #tpu.memory_space<vmem_shared>>
      tpu.enqueue_indirect_dma source(%dma_start3A_447 : memref<64x128xf32, #tpu.memory_space<vmem>>) target(%dma_start3A_450 : memref<10048x128xf32, #tpu.memory_space<vmem_shared>>) offsets(%arg20 : memref<64xi32, #tpu.memory_space<vmem>>) semaphore(%arg51 : memref<!tpu.dma_semaphore, #tpu.memory_space<semaphore_mem>>) {add = true}
      %add3A_451 = arith.constant 6 : i32
      %add3A_452 = arith.addi %add3A_416, %add3A_451 : i32
      %lt3A_453 = arith.constant 160 : i32
      %lt3A_454 = arith.cmpi slt, %add3A_452, %lt3A_453 : i32
      %convert_element_type3A_455 = arith.extui %lt3A_454 : i1 to i32
      %cond3A_456 = arith.constant 0 : i32
      %cond3A_457 = arith.cmpi ne, %convert_element_type3A_455, %cond3A_456 : i32
      scf.if %cond3A_457 {
        %add3A_548 = arith.constant 6 : i32
        %add3A_549 = arith.addi %add3A_416, %add3A_548 : i32
        %mul3A_550 = arith.constant 10240 : i32
        %mul3A_551 = arith.muli %add3A, %mul3A_550 : i32
        %mul3A_552 = arith.constant 64 : i32
        %mul3A_553 = arith.muli %add3A_549, %mul3A_552 : i32
        %add3A_554 = arith.addi %mul3A_551, %mul3A_553 : i32
        %dma_start3A_555 = tpu.memref_slice %arg4[%add3A_554] : memref<327680xi32, #tpu.memory_space<hbm>> -> memref<64xi32, #tpu.memory_space<hbm>>
        %dma_start3A_556 = tpu.memref_slice %arg4[%add3A_554] : memref<327680xi32, #tpu.memory_space<hbm>> -> memref<64xi32, #tpu.memory_space<hbm>>
        tpu.enqueue_dma source(%dma_start3A_556 : memref<64xi32, #tpu.memory_space<hbm>>) target(%arg10 : memref<64xi32, #tpu.memory_space<vmem>>) target_semaphore(%arg37 : memref<!tpu.dma_semaphore, #tpu.memory_space<semaphore_mem>>)
        %dma_start3A_557 = tpu.memref_slice %arg3[%add3A_554] : memref<327680xi32, #tpu.memory_space<hbm>> -> memref<64xi32, #tpu.memory_space<hbm>>
        %dma_start3A_558 = tpu.memref_slice %arg3[%add3A_554] : memref<327680xi32, #tpu.memory_space<hbm>> -> memref<64xi32, #tpu.memory_space<hbm>>
        tpu.enqueue_dma source(%dma_start3A_558 : memref<64xi32, #tpu.memory_space<hbm>>) target(%arg18 : memref<64xi32, #tpu.memory_space<vmem>>) target_semaphore(%arg37 : memref<!tpu.dma_semaphore, #tpu.memory_space<semaphore_mem>>)
        %dma_start3A_559 = tpu.memref_slice %arg5[%add3A_554] : memref<327680xf32, #tpu.memory_space<hbm>> -> memref<64xf32, #tpu.memory_space<hbm>>
        %dma_start3A_560 = tpu.memref_slice %arg5[%add3A_554] : memref<327680xf32, #tpu.memory_space<hbm>> -> memref<64xf32, #tpu.memory_space<hbm>>
        tpu.enqueue_dma source(%dma_start3A_560 : memref<64xf32, #tpu.memory_space<hbm>>) target(%arg26 : memref<64xf32, #tpu.memory_space<vmem>>) target_semaphore(%arg37 : memref<!tpu.dma_semaphore, #tpu.memory_space<semaphore_mem>>)
      } else {
      }
      %mul3A_458 = arith.constant 8 : i32
      %mul3A_459 = arith.muli %mul3A_458, %scan3A_191 : i32
      %add3A_460 = arith.constant 6 : i32
      %add3A_461 = arith.addi %mul3A_459, %add3A_460 : i32
      %add3A_462 = arith.constant 4 : i32
      %add3A_463 = arith.addi %add3A_461, %add3A_462 : i32
      %lt3A_464 = arith.constant 160 : i32
      %lt3A_465 = arith.cmpi slt, %add3A_463, %lt3A_464 : i32
      %convert_element_type3A_466 = arith.extui %lt3A_465 : i1 to i32
      %cond3A_467 = arith.constant 0 : i32
      %cond3A_468 = arith.cmpi ne, %convert_element_type3A_466, %cond3A_467 : i32
      scf.if %cond3A_468 {
        %dma_wait3A_548 = arith.constant 0 : i32
        %dma_wait3A_549 = tpu.memref_slice %arg4[%dma_wait3A_548] : memref<327680xi32, #tpu.memory_space<hbm>> -> memref<64xi32, #tpu.memory_space<hbm>>
        %dma_wait3A_550 = arith.constant 0 : i32
        %dma_wait3A_551 = tpu.memref_slice %arg4[%dma_wait3A_550] : memref<327680xi32, #tpu.memory_space<hbm>> -> memref<64xi32, #tpu.memory_space<hbm>>
        tpu.wait_dma2 semaphore(%arg36 : memref<!tpu.dma_semaphore, #tpu.memory_space<semaphore_mem>>) src(%dma_wait3A_551 : memref<64xi32, #tpu.memory_space<hbm>>) dst(%arg9 : memref<64xi32, #tpu.memory_space<vmem>>)
        %dma_wait3A_552 = arith.constant 0 : i32
        %dma_wait3A_553 = tpu.memref_slice %arg3[%dma_wait3A_552] : memref<327680xi32, #tpu.memory_space<hbm>> -> memref<64xi32, #tpu.memory_space<hbm>>
        %dma_wait3A_554 = arith.constant 0 : i32
        %dma_wait3A_555 = tpu.memref_slice %arg3[%dma_wait3A_554] : memref<327680xi32, #tpu.memory_space<hbm>> -> memref<64xi32, #tpu.memory_space<hbm>>
        tpu.wait_dma2 semaphore(%arg36 : memref<!tpu.dma_semaphore, #tpu.memory_space<semaphore_mem>>) src(%dma_wait3A_555 : memref<64xi32, #tpu.memory_space<hbm>>) dst(%arg17 : memref<64xi32, #tpu.memory_space<vmem>>)
        %dma_wait3A_556 = arith.constant 0 : i32
        %dma_wait3A_557 = tpu.memref_slice %arg5[%dma_wait3A_556] : memref<327680xf32, #tpu.memory_space<hbm>> -> memref<64xf32, #tpu.memory_space<hbm>>
        %dma_wait3A_558 = arith.constant 0 : i32
        %dma_wait3A_559 = tpu.memref_slice %arg5[%dma_wait3A_558] : memref<327680xf32, #tpu.memory_space<hbm>> -> memref<64xf32, #tpu.memory_space<hbm>>
        tpu.wait_dma2 semaphore(%arg36 : memref<!tpu.dma_semaphore, #tpu.memory_space<semaphore_mem>>) src(%dma_wait3A_559 : memref<64xf32, #tpu.memory_space<hbm>>) dst(%arg25 : memref<64xf32, #tpu.memory_space<vmem>>)
        %dma_start3A_560 = arith.constant 2 : i32
        %dma_start3A_561 = arith.constant 0 : i32
        %dma_start3A_562 = arith.constant 0 : i32
        %dma_start3A_563 = tpu.memref_slice %arg31[%dma_start3A_560, %dma_start3A_561, %dma_start3A_562] : memref<8x64x64xi32, #tpu.memory_space<vmem>> -> memref<1x64x64xi32, #tpu.memory_space<vmem>>
        %dma_start3A_564 = tpu.memref_squeeze %dma_start3A_563 : memref<1x64x64xi32, #tpu.memory_space<vmem>> -> memref<64x64xi32, #tpu.memory_space<vmem>>
        %dma_start3A_565 = arith.constant 0 : i32
        %dma_start3A_566 = arith.constant 0 : i32
        %dma_start3A_567 = tpu.memref_slice %arg2[%dma_start3A_565, %dma_start3A_566] : memref<10000x64xi32, #tpu.memory_space<hbm>> -> memref<10000x64xi32, #tpu.memory_space<hbm>>
        tpu.enqueue_indirect_dma source(%dma_start3A_567 : memref<10000x64xi32, #tpu.memory_space<hbm>>) target(%dma_start3A_564 : memref<64x64xi32, #tpu.memory_space<vmem>>) offsets(%arg9 : memref<64xi32, #tpu.memory_space<vmem>>) semaphore(%arg44 : memref<!tpu.dma_semaphore, #tpu.memory_space<semaphore_mem>>)
      } else {
      }
      %dma_wait3A_469 = arith.constant 6 : i32
      %dma_wait3A_470 = arith.constant 0 : i32
      %dma_wait3A_471 = arith.constant 0 : i32
      %dma_wait3A_472 = tpu.memref_slice %arg31[%dma_wait3A_469, %dma_wait3A_470, %dma_wait3A_471] : memref<8x64x64xi32, #tpu.memory_space<vmem>> -> memref<1x64x64xi32, #tpu.memory_space<vmem>>
      %dma_wait3A_473 = tpu.memref_squeeze %dma_wait3A_472 : memref<1x64x64xi32, #tpu.memory_space<vmem>> -> memref<64x64xi32, #tpu.memory_space<vmem>>
      %dma_wait3A_474 = arith.constant 0 : i32
      %dma_wait3A_475 = arith.constant 0 : i32
      %dma_wait3A_476 = tpu.memref_slice %arg2[%dma_wait3A_474, %dma_wait3A_475] : memref<10000x64xi32, #tpu.memory_space<hbm>> -> memref<10000x64xi32, #tpu.memory_space<hbm>>
      tpu.wait_indirect_dma semaphore(%arg48 : memref<!tpu.dma_semaphore, #tpu.memory_space<semaphore_mem>>) src(%dma_wait3A_476 : memref<10000x64xi32, #tpu.memory_space<hbm>>) dst(%dma_wait3A_473 : memref<64x64xi32, #tpu.memory_space<vmem>>)
      %ge3A_477 = arith.constant 2 : i32
      %ge3A_478 = arith.cmpi sge, %add3A_461, %ge3A_477 : i32
      %convert_element_type3A_479 = arith.extui %ge3A_478 : i1 to i32
      %cond3A_480 = arith.constant 0 : i32
      %cond3A_481 = arith.cmpi ne, %convert_element_type3A_479, %cond3A_480 : i32
      scf.if %cond3A_481 {
        %dma_wait3A_548 = arith.constant 0 : i32
        %dma_wait3A_549 = arith.constant 0 : i32
        %dma_wait3A_550 = arith.constant 0 : i32
        %dma_wait3A_551 = tpu.memref_slice %arg32[%dma_wait3A_548, %dma_wait3A_549, %dma_wait3A_550] : memref<2x64x128xf32, #tpu.memory_space<vmem>> -> memref<1x64x128xf32, #tpu.memory_space<vmem>>
        %dma_wait3A_552 = tpu.memref_squeeze %dma_wait3A_551 : memref<1x64x128xf32, #tpu.memory_space<vmem>> -> memref<64x128xf32, #tpu.memory_space<vmem>>
        %dma_wait3A_553 = arith.constant 0 : i32
        %dma_wait3A_554 = arith.constant 0 : i32
        %dma_wait3A_555 = tpu.memref_slice %arg33[%dma_wait3A_553, %dma_wait3A_554] : memref<10048x128xf32, #tpu.memory_space<vmem_shared>> -> memref<10048x128xf32, #tpu.memory_space<vmem_shared>>
        tpu.wait_indirect_dma semaphore(%arg50 : memref<!tpu.dma_semaphore, #tpu.memory_space<semaphore_mem>>) src(%dma_wait3A_552 : memref<64x128xf32, #tpu.memory_space<vmem>>) dst(%dma_wait3A_555 : memref<10048x128xf32, #tpu.memory_space<vmem_shared>>)
      } else {
      }
      %scan3A_482 = arith.constant 0 : i32
      %scan3A_483 = arith.constant 0 : i32
      %scan3A_484 = arith.constant 64 : i32
      %scan3A_485 = arith.addi %scan3A_483, %scan3A_484 : i32
      %scan3A_486 = arith.constant 1 : i32
      scf.for %scan3A_548 = %scan3A_483 to %scan3A_485 step %scan3A_486  : i32 {
        %broadcast_in_dim3A = vector.broadcast %scan3A_548 : i32 to vector<16xi32>
        %gather3A = tpu.vector_load_idx %arg29[%broadcast_in_dim3A] : memref<64xf32, #tpu.memory_space<vmem>>[vector<16xi32>], vector<16xf32>,
        %get3A = arith.constant 6 : i32
        %get3A_549 = arith.index_cast %get3A : i32 to index
        %get3A_550 = arith.index_cast %scan3A_548 : i32 to index
        %get3A_551 = arith.constant 0 : index
        %get3A_552 = tpu.vector_load %arg31[%get3A_549, %get3A_550, %get3A_551] {strides = array<i32>} : memref<8x64x64xi32, #tpu.memory_space<vmem>>, vector<16xi32>,
        %shift_left3A = arith.constant 16 : i32
        %shift_left3A_553 = vector.broadcast %shift_left3A : i32 to vector<16xi32>
        %shift_left3A_554 = arith.shli %get3A_552, %shift_left3A_553 : vector<16xi32>
        %bitcast3A = vector.bitcast %shift_left3A_554 : vector<16xi32> to vector<16xf32>
        %and3A = arith.constant -65536 : i32
        %and3A_555 = vector.broadcast %and3A : i32 to vector<16xi32>
        %and3A_556 = arith.andi %get3A_552, %and3A_555 : vector<16xi32>
        %bitcast3A_557 = vector.bitcast %and3A_556 : vector<16xi32> to vector<16xf32>
        %mul3A_558 = arith.mulf %bitcast3A, %gather3A : vector<16xf32>
        %swap3A = arith.constant 0 : i32
        %swap3A_559 = arith.index_cast %swap3A : i32 to index
        %swap3A_560 = arith.index_cast %scan3A_548 : i32 to index
        %swap3A_561 = arith.constant 0 : index
        %swap3A_562 = tpu.vector_load %arg32[%swap3A_559, %swap3A_560, %swap3A_561] {strides = array<i32>} : memref<2x64x128xf32, #tpu.memory_space<vmem>>, vector<16xf32>,
        tpu.vector_store %arg32[%swap3A_559, %swap3A_560, %swap3A_561], %mul3A_558 {strides = array<i32>} : memref<2x64x128xf32, #tpu.memory_space<vmem>>, vector<16xf32>,
        %mul3A_563 = arith.mulf %bitcast3A_557, %gather3A : vector<16xf32>
        %swap3A_564 = arith.constant 0 : i32
        %swap3A_565 = arith.index_cast %swap3A_564 : i32 to index
        %swap3A_566 = arith.index_cast %scan3A_548 : i32 to index
        %swap3A_567 = arith.constant 16 : index
        %swap3A_568 = tpu.vector_load %arg32[%swap3A_565, %swap3A_566, %swap3A_567] {strides = array<i32>} : memref<2x64x128xf32, #tpu.memory_space<vmem>>, vector<16xf32>,
        tpu.vector_store %arg32[%swap3A_565, %swap3A_566, %swap3A_567], %mul3A_563 {strides = array<i32>} : memref<2x64x128xf32, #tpu.memory_space<vmem>>, vector<16xf32>,
        %get3A_569 = arith.constant 6 : i32
        %get3A_570 = arith.index_cast %get3A_569 : i32 to index
        %get3A_571 = arith.index_cast %scan3A_548 : i32 to index
        %get3A_572 = arith.constant 16 : index
        %get3A_573 = tpu.vector_load %arg31[%get3A_570, %get3A_571, %get3A_572] {strides = array<i32>} : memref<8x64x64xi32, #tpu.memory_space<vmem>>, vector<16xi32>,
        %shift_left3A_574 = arith.constant 16 : i32
        %shift_left3A_575 = vector.broadcast %shift_left3A_574 : i32 to vector<16xi32>
        %shift_left3A_576 = arith.shli %get3A_573, %shift_left3A_575 : vector<16xi32>
        %bitcast3A_577 = vector.bitcast %shift_left3A_576 : vector<16xi32> to vector<16xf32>
        %and3A_578 = arith.constant -65536 : i32
        %and3A_579 = vector.broadcast %and3A_578 : i32 to vector<16xi32>
        %and3A_580 = arith.andi %get3A_573, %and3A_579 : vector<16xi32>
        %bitcast3A_581 = vector.bitcast %and3A_580 : vector<16xi32> to vector<16xf32>
        %mul3A_582 = arith.mulf %bitcast3A_577, %gather3A : vector<16xf32>
        %swap3A_583 = arith.constant 0 : i32
        %swap3A_584 = arith.index_cast %swap3A_583 : i32 to index
        %swap3A_585 = arith.index_cast %scan3A_548 : i32 to index
        %swap3A_586 = arith.constant 32 : index
        %swap3A_587 = tpu.vector_load %arg32[%swap3A_584, %swap3A_585, %swap3A_586] {strides = array<i32>} : memref<2x64x128xf32, #tpu.memory_space<vmem>>, vector<16xf32>,
        tpu.vector_store %arg32[%swap3A_584, %swap3A_585, %swap3A_586], %mul3A_582 {strides = array<i32>} : memref<2x64x128xf32, #tpu.memory_space<vmem>>, vector<16xf32>,
        %mul3A_588 = arith.mulf %bitcast3A_581, %gather3A : vector<16xf32>
        %swap3A_589 = arith.constant 0 : i32
        %swap3A_590 = arith.index_cast %swap3A_589 : i32 to index
        %swap3A_591 = arith.index_cast %scan3A_548 : i32 to index
        %swap3A_592 = arith.constant 48 : index
        %swap3A_593 = tpu.vector_load %arg32[%swap3A_590, %swap3A_591, %swap3A_592] {strides = array<i32>} : memref<2x64x128xf32, #tpu.memory_space<vmem>>, vector<16xf32>,
        tpu.vector_store %arg32[%swap3A_590, %swap3A_591, %swap3A_592], %mul3A_588 {strides = array<i32>} : memref<2x64x128xf32, #tpu.memory_space<vmem>>, vector<16xf32>,
        %get3A_594 = arith.constant 6 : i32
        %get3A_595 = arith.index_cast %get3A_594 : i32 to index
        %get3A_596 = arith.index_cast %scan3A_548 : i32 to index
        %get3A_597 = arith.constant 32 : index
        %get3A_598 = tpu.vector_load %arg31[%get3A_595, %get3A_596, %get3A_597] {strides = array<i32>} : memref<8x64x64xi32, #tpu.memory_space<vmem>>, vector<16xi32>,
        %shift_left3A_599 = arith.constant 16 : i32
        %shift_left3A_600 = vector.broadcast %shift_left3A_599 : i32 to vector<16xi32>
        %shift_left3A_601 = arith.shli %get3A_598, %shift_left3A_600 : vector<16xi32>
        %bitcast3A_602 = vector.bitcast %shift_left3A_601 : vector<16xi32> to vector<16xf32>
        %and3A_603 = arith.constant -65536 : i32
        %and3A_604 = vector.broadcast %and3A_603 : i32 to vector<16xi32>
        %and3A_605 = arith.andi %get3A_598, %and3A_604 : vector<16xi32>
        %bitcast3A_606 = vector.bitcast %and3A_605 : vector<16xi32> to vector<16xf32>
        %mul3A_607 = arith.mulf %bitcast3A_602, %gather3A : vector<16xf32>
        %swap3A_608 = arith.constant 0 : i32
        %swap3A_609 = arith.index_cast %swap3A_608 : i32 to index
        %swap3A_610 = arith.index_cast %scan3A_548 : i32 to index
        %swap3A_611 = arith.constant 64 : index
        %swap3A_612 = tpu.vector_load %arg32[%swap3A_609, %swap3A_610, %swap3A_611] {strides = array<i32>} : memref<2x64x128xf32, #tpu.memory_space<vmem>>, vector<16xf32>,
        tpu.vector_store %arg32[%swap3A_609, %swap3A_610, %swap3A_611], %mul3A_607 {strides = array<i32>} : memref<2x64x128xf32, #tpu.memory_space<vmem>>, vector<16xf32>,
        %mul3A_613 = arith.mulf %bitcast3A_606, %gather3A : vector<16xf32>
        %swap3A_614 = arith.constant 0 : i32
        %swap3A_615 = arith.index_cast %swap3A_614 : i32 to index
        %swap3A_616 = arith.index_cast %scan3A_548 : i32 to index
        %swap3A_617 = arith.constant 80 : index
        %swap3A_618 = tpu.vector_load %arg32[%swap3A_615, %swap3A_616, %swap3A_617] {strides = array<i32>} : memref<2x64x128xf32, #tpu.memory_space<vmem>>, vector<16xf32>,
        tpu.vector_store %arg32[%swap3A_615, %swap3A_616, %swap3A_617], %mul3A_613 {strides = array<i32>} : memref<2x64x128xf32, #tpu.memory_space<vmem>>, vector<16xf32>,
        %get3A_619 = arith.constant 6 : i32
        %get3A_620 = arith.index_cast %get3A_619 : i32 to index
        %get3A_621 = arith.index_cast %scan3A_548 : i32 to index
        %get3A_622 = arith.constant 48 : index
        %get3A_623 = tpu.vector_load %arg31[%get3A_620, %get3A_621, %get3A_622] {strides = array<i32>} : memref<8x64x64xi32, #tpu.memory_space<vmem>>, vector<16xi32>,
        %shift_left3A_624 = arith.constant 16 : i32
        %shift_left3A_625 = vector.broadcast %shift_left3A_624 : i32 to vector<16xi32>
        %shift_left3A_626 = arith.shli %get3A_623, %shift_left3A_625 : vector<16xi32>
        %bitcast3A_627 = vector.bitcast %shift_left3A_626 : vector<16xi32> to vector<16xf32>
        %and3A_628 = arith.constant -65536 : i32
        %and3A_629 = vector.broadcast %and3A_628 : i32 to vector<16xi32>
        %and3A_630 = arith.andi %get3A_623, %and3A_629 : vector<16xi32>
        %bitcast3A_631 = vector.bitcast %and3A_630 : vector<16xi32> to vector<16xf32>
        %mul3A_632 = arith.mulf %bitcast3A_627, %gather3A : vector<16xf32>
        %swap3A_633 = arith.constant 0 : i32
        %swap3A_634 = arith.index_cast %swap3A_633 : i32 to index
        %swap3A_635 = arith.index_cast %scan3A_548 : i32 to index
        %swap3A_636 = arith.constant 96 : index
        %swap3A_637 = tpu.vector_load %arg32[%swap3A_634, %swap3A_635, %swap3A_636] {strides = array<i32>} : memref<2x64x128xf32, #tpu.memory_space<vmem>>, vector<16xf32>,
        tpu.vector_store %arg32[%swap3A_634, %swap3A_635, %swap3A_636], %mul3A_632 {strides = array<i32>} : memref<2x64x128xf32, #tpu.memory_space<vmem>>, vector<16xf32>,
        %mul3A_638 = arith.mulf %bitcast3A_631, %gather3A : vector<16xf32>
        %swap3A_639 = arith.constant 0 : i32
        %swap3A_640 = arith.index_cast %swap3A_639 : i32 to index
        %swap3A_641 = arith.index_cast %scan3A_548 : i32 to index
        %swap3A_642 = arith.constant 112 : index
        %swap3A_643 = tpu.vector_load %arg32[%swap3A_640, %swap3A_641, %swap3A_642] {strides = array<i32>} : memref<2x64x128xf32, #tpu.memory_space<vmem>>, vector<16xf32>,
        tpu.vector_store %arg32[%swap3A_640, %swap3A_641, %swap3A_642], %mul3A_638 {strides = array<i32>} : memref<2x64x128xf32, #tpu.memory_space<vmem>>, vector<16xf32>,
      }
      %scan3A_487 = arith.constant 64 : i32
      %dma_start3A_488 = arith.constant 0 : i32
      %dma_start3A_489 = arith.constant 0 : i32
      %dma_start3A_490 = arith.constant 0 : i32
      %dma_start3A_491 = tpu.memref_slice %arg32[%dma_start3A_488, %dma_start3A_489, %dma_start3A_490] : memref<2x64x128xf32, #tpu.memory_space<vmem>> -> memref<1x64x128xf32, #tpu.memory_space<vmem>>
      %dma_start3A_492 = tpu.memref_squeeze %dma_start3A_491 : memref<1x64x128xf32, #tpu.memory_space<vmem>> -> memref<64x128xf32, #tpu.memory_space<vmem>>
      %dma_start3A_493 = arith.constant 0 : i32
      %dma_start3A_494 = arith.constant 0 : i32
      %dma_start3A_495 = tpu.memref_slice %arg33[%dma_start3A_493, %dma_start3A_494] : memref<10048x128xf32, #tpu.memory_space<vmem_shared>> -> memref<10048x128xf32, #tpu.memory_space<vmem_shared>>
      tpu.enqueue_indirect_dma source(%dma_start3A_492 : memref<64x128xf32, #tpu.memory_space<vmem>>) target(%dma_start3A_495 : memref<10048x128xf32, #tpu.memory_space<vmem_shared>>) offsets(%arg21 : memref<64xi32, #tpu.memory_space<vmem>>) semaphore(%arg50 : memref<!tpu.dma_semaphore, #tpu.memory_space<semaphore_mem>>) {add = true}
      %add3A_496 = arith.constant 6 : i32
      %add3A_497 = arith.addi %add3A_461, %add3A_496 : i32
      %lt3A_498 = arith.constant 160 : i32
      %lt3A_499 = arith.cmpi slt, %add3A_497, %lt3A_498 : i32
      %convert_element_type3A_500 = arith.extui %lt3A_499 : i1 to i32
      %cond3A_501 = arith.constant 0 : i32
      %cond3A_502 = arith.cmpi ne, %convert_element_type3A_500, %cond3A_501 : i32
      scf.if %cond3A_502 {
        %add3A_548 = arith.constant 6 : i32
        %add3A_549 = arith.addi %add3A_461, %add3A_548 : i32
        %mul3A_550 = arith.constant 10240 : i32
        %mul3A_551 = arith.muli %add3A, %mul3A_550 : i32
        %mul3A_552 = arith.constant 64 : i32
        %mul3A_553 = arith.muli %add3A_549, %mul3A_552 : i32
        %add3A_554 = arith.addi %mul3A_551, %mul3A_553 : i32
        %dma_start3A_555 = tpu.memref_slice %arg4[%add3A_554] : memref<327680xi32, #tpu.memory_space<hbm>> -> memref<64xi32, #tpu.memory_space<hbm>>
        %dma_start3A_556 = tpu.memref_slice %arg4[%add3A_554] : memref<327680xi32, #tpu.memory_space<hbm>> -> memref<64xi32, #tpu.memory_space<hbm>>
        tpu.enqueue_dma source(%dma_start3A_556 : memref<64xi32, #tpu.memory_space<hbm>>) target(%arg11 : memref<64xi32, #tpu.memory_space<vmem>>) target_semaphore(%arg38 : memref<!tpu.dma_semaphore, #tpu.memory_space<semaphore_mem>>)
        %dma_start3A_557 = tpu.memref_slice %arg3[%add3A_554] : memref<327680xi32, #tpu.memory_space<hbm>> -> memref<64xi32, #tpu.memory_space<hbm>>
        %dma_start3A_558 = tpu.memref_slice %arg3[%add3A_554] : memref<327680xi32, #tpu.memory_space<hbm>> -> memref<64xi32, #tpu.memory_space<hbm>>
        tpu.enqueue_dma source(%dma_start3A_558 : memref<64xi32, #tpu.memory_space<hbm>>) target(%arg19 : memref<64xi32, #tpu.memory_space<vmem>>) target_semaphore(%arg38 : memref<!tpu.dma_semaphore, #tpu.memory_space<semaphore_mem>>)
        %dma_start3A_559 = tpu.memref_slice %arg5[%add3A_554] : memref<327680xf32, #tpu.memory_space<hbm>> -> memref<64xf32, #tpu.memory_space<hbm>>
        %dma_start3A_560 = tpu.memref_slice %arg5[%add3A_554] : memref<327680xf32, #tpu.memory_space<hbm>> -> memref<64xf32, #tpu.memory_space<hbm>>
        tpu.enqueue_dma source(%dma_start3A_560 : memref<64xf32, #tpu.memory_space<hbm>>) target(%arg27 : memref<64xf32, #tpu.memory_space<vmem>>) target_semaphore(%arg38 : memref<!tpu.dma_semaphore, #tpu.memory_space<semaphore_mem>>)
      } else {
      }
      %mul3A_503 = arith.constant 8 : i32
      %mul3A_504 = arith.muli %mul3A_503, %scan3A_191 : i32
      %add3A_505 = arith.constant 7 : i32
      %add3A_506 = arith.addi %mul3A_504, %add3A_505 : i32
      %add3A_507 = arith.constant 4 : i32
      %add3A_508 = arith.addi %add3A_506, %add3A_507 : i32
      %lt3A_509 = arith.constant 160 : i32
      %lt3A_510 = arith.cmpi slt, %add3A_508, %lt3A_509 : i32
      %convert_element_type3A_511 = arith.extui %lt3A_510 : i1 to i32
      %cond3A_512 = arith.constant 0 : i32
      %cond3A_513 = arith.cmpi ne, %convert_element_type3A_511, %cond3A_512 : i32
      scf.if %cond3A_513 {
        %dma_wait3A_548 = arith.constant 0 : i32
        %dma_wait3A_549 = tpu.memref_slice %arg4[%dma_wait3A_548] : memref<327680xi32, #tpu.memory_space<hbm>> -> memref<64xi32, #tpu.memory_space<hbm>>
        %dma_wait3A_550 = arith.constant 0 : i32
        %dma_wait3A_551 = tpu.memref_slice %arg4[%dma_wait3A_550] : memref<327680xi32, #tpu.memory_space<hbm>> -> memref<64xi32, #tpu.memory_space<hbm>>
        tpu.wait_dma2 semaphore(%arg37 : memref<!tpu.dma_semaphore, #tpu.memory_space<semaphore_mem>>) src(%dma_wait3A_551 : memref<64xi32, #tpu.memory_space<hbm>>) dst(%arg10 : memref<64xi32, #tpu.memory_space<vmem>>)
        %dma_wait3A_552 = arith.constant 0 : i32
        %dma_wait3A_553 = tpu.memref_slice %arg3[%dma_wait3A_552] : memref<327680xi32, #tpu.memory_space<hbm>> -> memref<64xi32, #tpu.memory_space<hbm>>
        %dma_wait3A_554 = arith.constant 0 : i32
        %dma_wait3A_555 = tpu.memref_slice %arg3[%dma_wait3A_554] : memref<327680xi32, #tpu.memory_space<hbm>> -> memref<64xi32, #tpu.memory_space<hbm>>
        tpu.wait_dma2 semaphore(%arg37 : memref<!tpu.dma_semaphore, #tpu.memory_space<semaphore_mem>>) src(%dma_wait3A_555 : memref<64xi32, #tpu.memory_space<hbm>>) dst(%arg18 : memref<64xi32, #tpu.memory_space<vmem>>)
        %dma_wait3A_556 = arith.constant 0 : i32
        %dma_wait3A_557 = tpu.memref_slice %arg5[%dma_wait3A_556] : memref<327680xf32, #tpu.memory_space<hbm>> -> memref<64xf32, #tpu.memory_space<hbm>>
        %dma_wait3A_558 = arith.constant 0 : i32
        %dma_wait3A_559 = tpu.memref_slice %arg5[%dma_wait3A_558] : memref<327680xf32, #tpu.memory_space<hbm>> -> memref<64xf32, #tpu.memory_space<hbm>>
        tpu.wait_dma2 semaphore(%arg37 : memref<!tpu.dma_semaphore, #tpu.memory_space<semaphore_mem>>) src(%dma_wait3A_559 : memref<64xf32, #tpu.memory_space<hbm>>) dst(%arg26 : memref<64xf32, #tpu.memory_space<vmem>>)
        %dma_start3A_560 = arith.constant 3 : i32
        %dma_start3A_561 = arith.constant 0 : i32
        %dma_start3A_562 = arith.constant 0 : i32
        %dma_start3A_563 = tpu.memref_slice %arg31[%dma_start3A_560, %dma_start3A_561, %dma_start3A_562] : memref<8x64x64xi32, #tpu.memory_space<vmem>> -> memref<1x64x64xi32, #tpu.memory_space<vmem>>
        %dma_start3A_564 = tpu.memref_squeeze %dma_start3A_563 : memref<1x64x64xi32, #tpu.memory_space<vmem>> -> memref<64x64xi32, #tpu.memory_space<vmem>>
        %dma_start3A_565 = arith.constant 0 : i32
        %dma_start3A_566 = arith.constant 0 : i32
        %dma_start3A_567 = tpu.memref_slice %arg2[%dma_start3A_565, %dma_start3A_566] : memref<10000x64xi32, #tpu.memory_space<hbm>> -> memref<10000x64xi32, #tpu.memory_space<hbm>>
        tpu.enqueue_indirect_dma source(%dma_start3A_567 : memref<10000x64xi32, #tpu.memory_space<hbm>>) target(%dma_start3A_564 : memref<64x64xi32, #tpu.memory_space<vmem>>) offsets(%arg10 : memref<64xi32, #tpu.memory_space<vmem>>) semaphore(%arg45 : memref<!tpu.dma_semaphore, #tpu.memory_space<semaphore_mem>>)
      } else {
      }
      %dma_wait3A_514 = arith.constant 7 : i32
      %dma_wait3A_515 = arith.constant 0 : i32
      %dma_wait3A_516 = arith.constant 0 : i32
      %dma_wait3A_517 = tpu.memref_slice %arg31[%dma_wait3A_514, %dma_wait3A_515, %dma_wait3A_516] : memref<8x64x64xi32, #tpu.memory_space<vmem>> -> memref<1x64x64xi32, #tpu.memory_space<vmem>>
      %dma_wait3A_518 = tpu.memref_squeeze %dma_wait3A_517 : memref<1x64x64xi32, #tpu.memory_space<vmem>> -> memref<64x64xi32, #tpu.memory_space<vmem>>
      %dma_wait3A_519 = arith.constant 0 : i32
      %dma_wait3A_520 = arith.constant 0 : i32
      %dma_wait3A_521 = tpu.memref_slice %arg2[%dma_wait3A_519, %dma_wait3A_520] : memref<10000x64xi32, #tpu.memory_space<hbm>> -> memref<10000x64xi32, #tpu.memory_space<hbm>>
      tpu.wait_indirect_dma semaphore(%arg49 : memref<!tpu.dma_semaphore, #tpu.memory_space<semaphore_mem>>) src(%dma_wait3A_521 : memref<10000x64xi32, #tpu.memory_space<hbm>>) dst(%dma_wait3A_518 : memref<64x64xi32, #tpu.memory_space<vmem>>)
      %ge3A_522 = arith.constant 2 : i32
      %ge3A_523 = arith.cmpi sge, %add3A_506, %ge3A_522 : i32
      %convert_element_type3A_524 = arith.extui %ge3A_523 : i1 to i32
      %cond3A_525 = arith.constant 0 : i32
      %cond3A_526 = arith.cmpi ne, %convert_element_type3A_524, %cond3A_525 : i32
      scf.if %cond3A_526 {
        %dma_wait3A_548 = arith.constant 1 : i32
        %dma_wait3A_549 = arith.constant 0 : i32
        %dma_wait3A_550 = arith.constant 0 : i32
        %dma_wait3A_551 = tpu.memref_slice %arg32[%dma_wait3A_548, %dma_wait3A_549, %dma_wait3A_550] : memref<2x64x128xf32, #tpu.memory_space<vmem>> -> memref<1x64x128xf32, #tpu.memory_space<vmem>>
        %dma_wait3A_552 = tpu.memref_squeeze %dma_wait3A_551 : memref<1x64x128xf32, #tpu.memory_space<vmem>> -> memref<64x128xf32, #tpu.memory_space<vmem>>
        %dma_wait3A_553 = arith.constant 0 : i32
        %dma_wait3A_554 = arith.constant 0 : i32
        %dma_wait3A_555 = tpu.memref_slice %arg33[%dma_wait3A_553, %dma_wait3A_554] : memref<10048x128xf32, #tpu.memory_space<vmem_shared>> -> memref<10048x128xf32, #tpu.memory_space<vmem_shared>>
        tpu.wait_indirect_dma semaphore(%arg51 : memref<!tpu.dma_semaphore, #tpu.memory_space<semaphore_mem>>) src(%dma_wait3A_552 : memref<64x128xf32, #tpu.memory_space<vmem>>) dst(%dma_wait3A_555 : memref<10048x128xf32, #tpu.memory_space<vmem_shared>>)
      } else {
      }
      %scan3A_527 = arith.constant 0 : i32
      %scan3A_528 = arith.constant 0 : i32
      %scan3A_529 = arith.constant 64 : i32
      %scan3A_530 = arith.addi %scan3A_528, %scan3A_529 : i32
      %scan3A_531 = arith.constant 1 : i32
      scf.for %scan3A_548 = %scan3A_528 to %scan3A_530 step %scan3A_531  : i32 {
        %broadcast_in_dim3A = vector.broadcast %scan3A_548 : i32 to vector<16xi32>
        %gather3A = tpu.vector_load_idx %arg30[%broadcast_in_dim3A] : memref<64xf32, #tpu.memory_space<vmem>>[vector<16xi32>], vector<16xf32>,
        %get3A = arith.constant 7 : i32
        %get3A_549 = arith.index_cast %get3A : i32 to index
        %get3A_550 = arith.index_cast %scan3A_548 : i32 to index
        %get3A_551 = arith.constant 0 : index
        %get3A_552 = tpu.vector_load %arg31[%get3A_549, %get3A_550, %get3A_551] {strides = array<i32>} : memref<8x64x64xi32, #tpu.memory_space<vmem>>, vector<16xi32>,
        %shift_left3A = arith.constant 16 : i32
        %shift_left3A_553 = vector.broadcast %shift_left3A : i32 to vector<16xi32>
        %shift_left3A_554 = arith.shli %get3A_552, %shift_left3A_553 : vector<16xi32>
        %bitcast3A = vector.bitcast %shift_left3A_554 : vector<16xi32> to vector<16xf32>
        %and3A = arith.constant -65536 : i32
        %and3A_555 = vector.broadcast %and3A : i32 to vector<16xi32>
        %and3A_556 = arith.andi %get3A_552, %and3A_555 : vector<16xi32>
        %bitcast3A_557 = vector.bitcast %and3A_556 : vector<16xi32> to vector<16xf32>
        %mul3A_558 = arith.mulf %bitcast3A, %gather3A : vector<16xf32>
        %swap3A = arith.constant 1 : i32
        %swap3A_559 = arith.index_cast %swap3A : i32 to index
        %swap3A_560 = arith.index_cast %scan3A_548 : i32 to index
        %swap3A_561 = arith.constant 0 : index
        %swap3A_562 = tpu.vector_load %arg32[%swap3A_559, %swap3A_560, %swap3A_561] {strides = array<i32>} : memref<2x64x128xf32, #tpu.memory_space<vmem>>, vector<16xf32>,
        tpu.vector_store %arg32[%swap3A_559, %swap3A_560, %swap3A_561], %mul3A_558 {strides = array<i32>} : memref<2x64x128xf32, #tpu.memory_space<vmem>>, vector<16xf32>,
        %mul3A_563 = arith.mulf %bitcast3A_557, %gather3A : vector<16xf32>
        %swap3A_564 = arith.constant 1 : i32
        %swap3A_565 = arith.index_cast %swap3A_564 : i32 to index
        %swap3A_566 = arith.index_cast %scan3A_548 : i32 to index
        %swap3A_567 = arith.constant 16 : index
        %swap3A_568 = tpu.vector_load %arg32[%swap3A_565, %swap3A_566, %swap3A_567] {strides = array<i32>} : memref<2x64x128xf32, #tpu.memory_space<vmem>>, vector<16xf32>,
        tpu.vector_store %arg32[%swap3A_565, %swap3A_566, %swap3A_567], %mul3A_563 {strides = array<i32>} : memref<2x64x128xf32, #tpu.memory_space<vmem>>, vector<16xf32>,
        %get3A_569 = arith.constant 7 : i32
        %get3A_570 = arith.index_cast %get3A_569 : i32 to index
        %get3A_571 = arith.index_cast %scan3A_548 : i32 to index
        %get3A_572 = arith.constant 16 : index
        %get3A_573 = tpu.vector_load %arg31[%get3A_570, %get3A_571, %get3A_572] {strides = array<i32>} : memref<8x64x64xi32, #tpu.memory_space<vmem>>, vector<16xi32>,
        %shift_left3A_574 = arith.constant 16 : i32
        %shift_left3A_575 = vector.broadcast %shift_left3A_574 : i32 to vector<16xi32>
        %shift_left3A_576 = arith.shli %get3A_573, %shift_left3A_575 : vector<16xi32>
        %bitcast3A_577 = vector.bitcast %shift_left3A_576 : vector<16xi32> to vector<16xf32>
        %and3A_578 = arith.constant -65536 : i32
        %and3A_579 = vector.broadcast %and3A_578 : i32 to vector<16xi32>
        %and3A_580 = arith.andi %get3A_573, %and3A_579 : vector<16xi32>
        %bitcast3A_581 = vector.bitcast %and3A_580 : vector<16xi32> to vector<16xf32>
        %mul3A_582 = arith.mulf %bitcast3A_577, %gather3A : vector<16xf32>
        %swap3A_583 = arith.constant 1 : i32
        %swap3A_584 = arith.index_cast %swap3A_583 : i32 to index
        %swap3A_585 = arith.index_cast %scan3A_548 : i32 to index
        %swap3A_586 = arith.constant 32 : index
        %swap3A_587 = tpu.vector_load %arg32[%swap3A_584, %swap3A_585, %swap3A_586] {strides = array<i32>} : memref<2x64x128xf32, #tpu.memory_space<vmem>>, vector<16xf32>,
        tpu.vector_store %arg32[%swap3A_584, %swap3A_585, %swap3A_586], %mul3A_582 {strides = array<i32>} : memref<2x64x128xf32, #tpu.memory_space<vmem>>, vector<16xf32>,
        %mul3A_588 = arith.mulf %bitcast3A_581, %gather3A : vector<16xf32>
        %swap3A_589 = arith.constant 1 : i32
        %swap3A_590 = arith.index_cast %swap3A_589 : i32 to index
        %swap3A_591 = arith.index_cast %scan3A_548 : i32 to index
        %swap3A_592 = arith.constant 48 : index
        %swap3A_593 = tpu.vector_load %arg32[%swap3A_590, %swap3A_591, %swap3A_592] {strides = array<i32>} : memref<2x64x128xf32, #tpu.memory_space<vmem>>, vector<16xf32>,
        tpu.vector_store %arg32[%swap3A_590, %swap3A_591, %swap3A_592], %mul3A_588 {strides = array<i32>} : memref<2x64x128xf32, #tpu.memory_space<vmem>>, vector<16xf32>,
        %get3A_594 = arith.constant 7 : i32
        %get3A_595 = arith.index_cast %get3A_594 : i32 to index
        %get3A_596 = arith.index_cast %scan3A_548 : i32 to index
        %get3A_597 = arith.constant 32 : index
        %get3A_598 = tpu.vector_load %arg31[%get3A_595, %get3A_596, %get3A_597] {strides = array<i32>} : memref<8x64x64xi32, #tpu.memory_space<vmem>>, vector<16xi32>,
        %shift_left3A_599 = arith.constant 16 : i32
        %shift_left3A_600 = vector.broadcast %shift_left3A_599 : i32 to vector<16xi32>
        %shift_left3A_601 = arith.shli %get3A_598, %shift_left3A_600 : vector<16xi32>
        %bitcast3A_602 = vector.bitcast %shift_left3A_601 : vector<16xi32> to vector<16xf32>
        %and3A_603 = arith.constant -65536 : i32
        %and3A_604 = vector.broadcast %and3A_603 : i32 to vector<16xi32>
        %and3A_605 = arith.andi %get3A_598, %and3A_604 : vector<16xi32>
        %bitcast3A_606 = vector.bitcast %and3A_605 : vector<16xi32> to vector<16xf32>
        %mul3A_607 = arith.mulf %bitcast3A_602, %gather3A : vector<16xf32>
        %swap3A_608 = arith.constant 1 : i32
        %swap3A_609 = arith.index_cast %swap3A_608 : i32 to index
        %swap3A_610 = arith.index_cast %scan3A_548 : i32 to index
        %swap3A_611 = arith.constant 64 : index
        %swap3A_612 = tpu.vector_load %arg32[%swap3A_609, %swap3A_610, %swap3A_611] {strides = array<i32>} : memref<2x64x128xf32, #tpu.memory_space<vmem>>, vector<16xf32>,
        tpu.vector_store %arg32[%swap3A_609, %swap3A_610, %swap3A_611], %mul3A_607 {strides = array<i32>} : memref<2x64x128xf32, #tpu.memory_space<vmem>>, vector<16xf32>,
        %mul3A_613 = arith.mulf %bitcast3A_606, %gather3A : vector<16xf32>
        %swap3A_614 = arith.constant 1 : i32
        %swap3A_615 = arith.index_cast %swap3A_614 : i32 to index
        %swap3A_616 = arith.index_cast %scan3A_548 : i32 to index
        %swap3A_617 = arith.constant 80 : index
        %swap3A_618 = tpu.vector_load %arg32[%swap3A_615, %swap3A_616, %swap3A_617] {strides = array<i32>} : memref<2x64x128xf32, #tpu.memory_space<vmem>>, vector<16xf32>,
        tpu.vector_store %arg32[%swap3A_615, %swap3A_616, %swap3A_617], %mul3A_613 {strides = array<i32>} : memref<2x64x128xf32, #tpu.memory_space<vmem>>, vector<16xf32>,
        %get3A_619 = arith.constant 7 : i32
        %get3A_620 = arith.index_cast %get3A_619 : i32 to index
        %get3A_621 = arith.index_cast %scan3A_548 : i32 to index
        %get3A_622 = arith.constant 48 : index
        %get3A_623 = tpu.vector_load %arg31[%get3A_620, %get3A_621, %get3A_622] {strides = array<i32>} : memref<8x64x64xi32, #tpu.memory_space<vmem>>, vector<16xi32>,
        %shift_left3A_624 = arith.constant 16 : i32
        %shift_left3A_625 = vector.broadcast %shift_left3A_624 : i32 to vector<16xi32>
        %shift_left3A_626 = arith.shli %get3A_623, %shift_left3A_625 : vector<16xi32>
        %bitcast3A_627 = vector.bitcast %shift_left3A_626 : vector<16xi32> to vector<16xf32>
        %and3A_628 = arith.constant -65536 : i32
        %and3A_629 = vector.broadcast %and3A_628 : i32 to vector<16xi32>
        %and3A_630 = arith.andi %get3A_623, %and3A_629 : vector<16xi32>
        %bitcast3A_631 = vector.bitcast %and3A_630 : vector<16xi32> to vector<16xf32>
        %mul3A_632 = arith.mulf %bitcast3A_627, %gather3A : vector<16xf32>
        %swap3A_633 = arith.constant 1 : i32
        %swap3A_634 = arith.index_cast %swap3A_633 : i32 to index
        %swap3A_635 = arith.index_cast %scan3A_548 : i32 to index
        %swap3A_636 = arith.constant 96 : index
        %swap3A_637 = tpu.vector_load %arg32[%swap3A_634, %swap3A_635, %swap3A_636] {strides = array<i32>} : memref<2x64x128xf32, #tpu.memory_space<vmem>>, vector<16xf32>,
        tpu.vector_store %arg32[%swap3A_634, %swap3A_635, %swap3A_636], %mul3A_632 {strides = array<i32>} : memref<2x64x128xf32, #tpu.memory_space<vmem>>, vector<16xf32>,
        %mul3A_638 = arith.mulf %bitcast3A_631, %gather3A : vector<16xf32>
        %swap3A_639 = arith.constant 1 : i32
        %swap3A_640 = arith.index_cast %swap3A_639 : i32 to index
        %swap3A_641 = arith.index_cast %scan3A_548 : i32 to index
        %swap3A_642 = arith.constant 112 : index
        %swap3A_643 = tpu.vector_load %arg32[%swap3A_640, %swap3A_641, %swap3A_642] {strides = array<i32>} : memref<2x64x128xf32, #tpu.memory_space<vmem>>, vector<16xf32>,
        tpu.vector_store %arg32[%swap3A_640, %swap3A_641, %swap3A_642], %mul3A_638 {strides = array<i32>} : memref<2x64x128xf32, #tpu.memory_space<vmem>>, vector<16xf32>,
      }
      %scan3A_532 = arith.constant 64 : i32
      %dma_start3A_533 = arith.constant 1 : i32
      %dma_start3A_534 = arith.constant 0 : i32
      %dma_start3A_535 = arith.constant 0 : i32
      %dma_start3A_536 = tpu.memref_slice %arg32[%dma_start3A_533, %dma_start3A_534, %dma_start3A_535] : memref<2x64x128xf32, #tpu.memory_space<vmem>> -> memref<1x64x128xf32, #tpu.memory_space<vmem>>
      %dma_start3A_537 = tpu.memref_squeeze %dma_start3A_536 : memref<1x64x128xf32, #tpu.memory_space<vmem>> -> memref<64x128xf32, #tpu.memory_space<vmem>>
      %dma_start3A_538 = arith.constant 0 : i32
      %dma_start3A_539 = arith.constant 0 : i32
      %dma_start3A_540 = tpu.memref_slice %arg33[%dma_start3A_538, %dma_start3A_539] : memref<10048x128xf32, #tpu.memory_space<vmem_shared>> -> memref<10048x128xf32, #tpu.memory_space<vmem_shared>>
      tpu.enqueue_indirect_dma source(%dma_start3A_537 : memref<64x128xf32, #tpu.memory_space<vmem>>) target(%dma_start3A_540 : memref<10048x128xf32, #tpu.memory_space<vmem_shared>>) offsets(%arg22 : memref<64xi32, #tpu.memory_space<vmem>>) semaphore(%arg51 : memref<!tpu.dma_semaphore, #tpu.memory_space<semaphore_mem>>) {add = true}
      %add3A_541 = arith.constant 6 : i32
      %add3A_542 = arith.addi %add3A_506, %add3A_541 : i32
      %lt3A_543 = arith.constant 160 : i32
      %lt3A_544 = arith.cmpi slt, %add3A_542, %lt3A_543 : i32
      %convert_element_type3A_545 = arith.extui %lt3A_544 : i1 to i32
      %cond3A_546 = arith.constant 0 : i32
      %cond3A_547 = arith.cmpi ne, %convert_element_type3A_545, %cond3A_546 : i32
      scf.if %cond3A_547 {
        %add3A_548 = arith.constant 6 : i32
        %add3A_549 = arith.addi %add3A_506, %add3A_548 : i32
        %mul3A_550 = arith.constant 10240 : i32
        %mul3A_551 = arith.muli %add3A, %mul3A_550 : i32
        %mul3A_552 = arith.constant 64 : i32
        %mul3A_553 = arith.muli %add3A_549, %mul3A_552 : i32
        %add3A_554 = arith.addi %mul3A_551, %mul3A_553 : i32
        %dma_start3A_555 = tpu.memref_slice %arg4[%add3A_554] : memref<327680xi32, #tpu.memory_space<hbm>> -> memref<64xi32, #tpu.memory_space<hbm>>
        %dma_start3A_556 = tpu.memref_slice %arg4[%add3A_554] : memref<327680xi32, #tpu.memory_space<hbm>> -> memref<64xi32, #tpu.memory_space<hbm>>
        tpu.enqueue_dma source(%dma_start3A_556 : memref<64xi32, #tpu.memory_space<hbm>>) target(%arg12 : memref<64xi32, #tpu.memory_space<vmem>>) target_semaphore(%arg39 : memref<!tpu.dma_semaphore, #tpu.memory_space<semaphore_mem>>)
        %dma_start3A_557 = tpu.memref_slice %arg3[%add3A_554] : memref<327680xi32, #tpu.memory_space<hbm>> -> memref<64xi32, #tpu.memory_space<hbm>>
        %dma_start3A_558 = tpu.memref_slice %arg3[%add3A_554] : memref<327680xi32, #tpu.memory_space<hbm>> -> memref<64xi32, #tpu.memory_space<hbm>>
        tpu.enqueue_dma source(%dma_start3A_558 : memref<64xi32, #tpu.memory_space<hbm>>) target(%arg20 : memref<64xi32, #tpu.memory_space<vmem>>) target_semaphore(%arg39 : memref<!tpu.dma_semaphore, #tpu.memory_space<semaphore_mem>>)
        %dma_start3A_559 = tpu.memref_slice %arg5[%add3A_554] : memref<327680xf32, #tpu.memory_space<hbm>> -> memref<64xf32, #tpu.memory_space<hbm>>
        %dma_start3A_560 = tpu.memref_slice %arg5[%add3A_554] : memref<327680xf32, #tpu.memory_space<hbm>> -> memref<64xf32, #tpu.memory_space<hbm>>
        tpu.enqueue_dma source(%dma_start3A_560 : memref<64xf32, #tpu.memory_space<hbm>>) target(%arg28 : memref<64xf32, #tpu.memory_space<vmem>>) target_semaphore(%arg39 : memref<!tpu.dma_semaphore, #tpu.memory_space<semaphore_mem>>)
      } else {
      }
    }
    %scan3A_161 = arith.constant 20 : i32
    %dma_wait3A_162 = arith.constant 0 : i32
    %dma_wait3A_163 = arith.constant 0 : i32
    %dma_wait3A_164 = arith.constant 0 : i32
    %dma_wait3A_165 = tpu.memref_slice %arg32[%dma_wait3A_162, %dma_wait3A_163, %dma_wait3A_164] : memref<2x64x128xf32, #tpu.memory_space<vmem>> -> memref<1x64x128xf32, #tpu.memory_space<vmem>>
    %dma_wait3A_166 = tpu.memref_squeeze %dma_wait3A_165 : memref<1x64x128xf32, #tpu.memory_space<vmem>> -> memref<64x128xf32, #tpu.memory_space<vmem>>
    %dma_wait3A_167 = arith.constant 0 : i32
    %dma_wait3A_168 = arith.constant 0 : i32
    %dma_wait3A_169 = tpu.memref_slice %arg33[%dma_wait3A_167, %dma_wait3A_168] : memref<10048x128xf32, #tpu.memory_space<vmem_shared>> -> memref<10048x128xf32, #tpu.memory_space<vmem_shared>>
    tpu.wait_indirect_dma semaphore(%arg50 : memref<!tpu.dma_semaphore, #tpu.memory_space<semaphore_mem>>) src(%dma_wait3A_166 : memref<64x128xf32, #tpu.memory_space<vmem>>) dst(%dma_wait3A_169 : memref<10048x128xf32, #tpu.memory_space<vmem_shared>>)
    %dma_wait3A_170 = arith.constant 1 : i32
    %dma_wait3A_171 = arith.constant 0 : i32
    %dma_wait3A_172 = arith.constant 0 : i32
    %dma_wait3A_173 = tpu.memref_slice %arg32[%dma_wait3A_170, %dma_wait3A_171, %dma_wait3A_172] : memref<2x64x128xf32, #tpu.memory_space<vmem>> -> memref<1x64x128xf32, #tpu.memory_space<vmem>>
    %dma_wait3A_174 = tpu.memref_squeeze %dma_wait3A_173 : memref<1x64x128xf32, #tpu.memory_space<vmem>> -> memref<64x128xf32, #tpu.memory_space<vmem>>
    %dma_wait3A_175 = arith.constant 0 : i32
    %dma_wait3A_176 = arith.constant 0 : i32
    %dma_wait3A_177 = tpu.memref_slice %arg33[%dma_wait3A_175, %dma_wait3A_176] : memref<10048x128xf32, #tpu.memory_space<vmem_shared>> -> memref<10048x128xf32, #tpu.memory_space<vmem_shared>>
    tpu.wait_indirect_dma semaphore(%arg51 : memref<!tpu.dma_semaphore, #tpu.memory_space<semaphore_mem>>) src(%dma_wait3A_174 : memref<64x128xf32, #tpu.memory_space<vmem>>) dst(%dma_wait3A_177 : memref<10048x128xf32, #tpu.memory_space<vmem_shared>>)
    %barrier3A_178 = arith.constant 0 : index
    tpu.barrier barrier_id(%barrier3A_178)
    %scan3A_179 = arith.constant 0 : i32
    %scan3A_180 = arith.constant 0 : i32
    %scan3A_181 = arith.constant 10 : i32
    %scan3A_182 = arith.addi %scan3A_180, %scan3A_181 : i32
    %scan3A_183 = arith.constant 1 : i32
    scf.for %scan3A_191 = %scan3A_180 to %scan3A_182 step %scan3A_183  : i32 {
      %mul3A_192 = arith.constant 16 : i32
      %mul3A_193 = arith.muli %scan3A_191, %mul3A_192 : i32
      %add3A_194 = arith.addi %arg1, %mul3A_193 : i32
      %lt3A = arith.constant 157 : i32
      %lt3A_195 = arith.cmpi slt, %add3A_194, %lt3A : i32
      %convert_element_type3A = arith.extui %lt3A_195 : i1 to i32
      %cond3A = arith.constant 0 : i32
      %cond3A_196 = arith.cmpi ne, %convert_element_type3A, %cond3A : i32
      scf.if %cond3A_196 {
        %mul3A_197 = arith.constant 64 : i32
        %mul3A_198 = arith.muli %add3A_194, %mul3A_197 : i32
        %mul3A_199 = arith.constant 64 : i32
        %mul3A_200 = arith.muli %add3A_194, %mul3A_199 : i32
        %dma_start3A_201 = arith.constant 0 : i32
        %dma_start3A_202 = tpu.memref_slice %arg6[%arg0, %mul3A_200, %dma_start3A_201] : memref<2x10048x128xf32, #tpu.memory_space<hbm>> -> memref<1x64x128xf32, #tpu.memory_space<hbm>>
        %dma_start3A_203 = tpu.memref_squeeze %dma_start3A_202 : memref<1x64x128xf32, #tpu.memory_space<hbm>> -> memref<64x128xf32, #tpu.memory_space<hbm>>
        %dma_start3A_204 = arith.constant 0 : i32
        %dma_start3A_205 = tpu.memref_slice %arg33[%mul3A_198, %dma_start3A_204] : memref<10048x128xf32, #tpu.memory_space<vmem_shared>> -> memref<64x128xf32, #tpu.memory_space<vmem_shared>>
        tpu.enqueue_dma source(%dma_start3A_205 : memref<64x128xf32, #tpu.memory_space<vmem_shared>>) target(%dma_start3A_203 : memref<64x128xf32, #tpu.memory_space<hbm>>) target_semaphore(%arg51 : memref<!tpu.dma_semaphore, #tpu.memory_space<semaphore_mem>>)
      } else {
      }
    }
    %scan3A_184 = arith.constant 10 : i32
    %scan3A_185 = arith.constant 0 : i32
    %scan3A_186 = arith.constant 0 : i32
    %scan3A_187 = arith.constant 10 : i32
    %scan3A_188 = arith.addi %scan3A_186, %scan3A_187 : i32
    %scan3A_189 = arith.constant 1 : i32
    scf.for %scan3A_191 = %scan3A_186 to %scan3A_188 step %scan3A_189  : i32 {
      %mul3A_192 = arith.constant 16 : i32
      %mul3A_193 = arith.muli %scan3A_191, %mul3A_192 : i32
      %add3A_194 = arith.addi %arg1, %mul3A_193 : i32
      %lt3A = arith.constant 157 : i32
      %lt3A_195 = arith.cmpi slt, %add3A_194, %lt3A : i32
      %convert_element_type3A = arith.extui %lt3A_195 : i1 to i32
      %cond3A = arith.constant 0 : i32
      %cond3A_196 = arith.cmpi ne, %convert_element_type3A, %cond3A : i32
      scf.if %cond3A_196 {
        %mul3A_197 = arith.constant 64 : i32
        %mul3A_198 = arith.muli %add3A_194, %mul3A_197 : i32
        %mul3A_199 = arith.constant 64 : i32
        %mul3A_200 = arith.muli %add3A_194, %mul3A_199 : i32
        %dma_wait3A_201 = arith.constant 0 : i32
        %dma_wait3A_202 = tpu.memref_slice %arg6[%arg0, %mul3A_200, %dma_wait3A_201] : memref<2x10048x128xf32, #tpu.memory_space<hbm>> -> memref<1x64x128xf32, #tpu.memory_space<hbm>>
        %dma_wait3A_203 = tpu.memref_squeeze %dma_wait3A_202 : memref<1x64x128xf32, #tpu.memory_space<hbm>> -> memref<64x128xf32, #tpu.memory_space<hbm>>
        %dma_wait3A_204 = arith.constant 0 : i32
        %dma_wait3A_205 = tpu.memref_slice %arg33[%mul3A_198, %dma_wait3A_204] : memref<10048x128xf32, #tpu.memory_space<vmem_shared>> -> memref<64x128xf32, #tpu.memory_space<vmem_shared>>
        tpu.wait_dma2 semaphore(%arg51 : memref<!tpu.dma_semaphore, #tpu.memory_space<semaphore_mem>>) src(%dma_wait3A_205 : memref<64x128xf32, #tpu.memory_space<vmem_shared>>) dst(%dma_wait3A_203 : memref<64x128xf32, #tpu.memory_space<hbm>>)
      } else {
      }
    }
    %scan3A_190 = arith.constant 10 : i32
    return
  }
}

module attributes {stable_mosaic.version = 14 : i64} {
  func.func @body(%arg0: i32, %arg1: memref<2x400x128xf32, #tpu.memory_space<vmem>>, %arg2: memref<128x128xf32, #tpu.memory_space<vmem>>, %arg3: memref<400x128xf32, #tpu.memory_space<vmem>>) attributes {dimension_semantics = [#tpu.dimension_semantics<arbitrary>], iteration_bounds = array<i64: 25>, scalar_prefetch = 0 : i64, scratch_operands = 0 : i64, tpu.core_type = #tpu.core_type<tc>, window_params = [{transform_indices = @transform_0, window_bounds = array<i64: 2, 400, 128>}, {pipeline_mode = #tpu.pipeline_mode<synchronous>, transform_indices = @transform_1, window_bounds = array<i64: 128, 128>}, {transform_indices = @transform_2, window_bounds = array<i64: 400, 128>}]} {
    %get3A = arith.constant 0 : index
    %get3A_0 = arith.constant 0 : index
    %get3A_1 = arith.constant 0 : index
    %get3A_2 = vector.load %arg1[%get3A, %get3A_0, %get3A_1] : memref<2x400x128xf32, #tpu.memory_space<vmem>>, vector<1x400x128xf32>
    %get3A_3 = vector.shape_cast %get3A_2 : vector<1x400x128xf32> to vector<400x128xf32>
    %get3A_4 = arith.constant 1 : index
    %get3A_5 = arith.constant 0 : index
    %get3A_6 = arith.constant 0 : index
    %get3A_7 = vector.load %arg1[%get3A_4, %get3A_5, %get3A_6] : memref<2x400x128xf32, #tpu.memory_space<vmem>>, vector<1x400x128xf32>
    %get3A_8 = vector.shape_cast %get3A_7 : vector<1x400x128xf32> to vector<400x128xf32>
    %add3A = arith.addf %get3A_3, %get3A_8 : vector<400x128xf32>
    %get3A_9 = arith.constant 0 : index
    %get3A_10 = arith.constant 0 : index
    %get3A_11 = vector.load %arg2[%get3A_9, %get3A_10] : memref<128x128xf32, #tpu.memory_space<vmem>>, vector<128x128xf32>
    %dot_general3A = arith.constant dense<0.000000e+00> : vector<400x128xf32>
    %dot_general3A_12 = tpu.matmul %add3A, %get3A_11, %dot_general3A {dimension_numbers = #tpu.dot_dimension_numbers<[1], [0], [0], [1], [0, 0, 1, 1], [], []>, transpose_lhs_hint = false} : vector<400x128xf32>, vector<128x128xf32>, vector<400x128xf32> -> vector<400x128xf32>
    %swap3A = arith.constant 0 : index
    %swap3A_13 = arith.constant 0 : index
    %swap3A_14 = vector.load %arg3[%swap3A, %swap3A_13] : memref<400x128xf32, #tpu.memory_space<vmem>>, vector<400x128xf32>
    tpu.vector_store %arg3[%swap3A, %swap3A_13], %dot_general3A_12 {strides = array<i32>} : memref<400x128xf32, #tpu.memory_space<vmem>>, vector<400x128xf32>,
    return
  }
  func.func @transform_0(%arg0: i32) -> (i32, i32, i32) {
    %c0_i32 = arith.constant 0 : i32
    %c0_i32_0 = arith.constant 0 : i32
    %c0_i32_1 = arith.constant 0 : i32
    return %c0_i32, %arg0, %c0_i32_0 : i32, i32, i32
  }
  func.func @transform_1(%arg0: i32) -> (i32, i32) {
    %c0_i32 = arith.constant 0 : i32
    %c0_i32_0 = arith.constant 0 : i32
    %c0_i32_1 = arith.constant 0 : i32
    return %c0_i32, %c0_i32_0 : i32, i32
  }
  func.func @transform_2(%arg0: i32) -> (i32, i32) {
    %c0_i32 = arith.constant 0 : i32
    %c0_i32_0 = arith.constant 0 : i32
    return %arg0, %c0_i32 : i32, i32
  }
}

</mosaic_0001>

<sc_bundles>
// kernel: kernel.4.cloned.1.call-start
scs
__scs_entry_jumppad:
0x0: {  	(pc) =	sbr.rel $0x88, $3  }
0x1: {  	(tag) =	ssettag $0x0;
	lr =	simm.s32 $0x1  }
0x2: {  	[smem:$0x3F9D] =	sst lr;
	_ =	strace $0xD0000000  }
0x3: {  	_ = 	snop  }
0x4: {  	_ = 	snop  }
0x5: {  	_ = 	snop  }
0x6: {  	_ = 	snop  }
0x7: {  	_ = 	snop  }
__scs_overlays_trampoline_lowered:
0x8: {  	[smem:$0x3FAC] =	sst s0  }
0x9: {  	[smem:$0x3FAD] =	sst s1  }
0xa: {  	[smem:$0x3FAE] =	sst s2  }
0xb: {  	[smem:$0x3FAF] =	sst s3  }
0xc: {  	[smem:$0x3FB0] =	sst s4  }
0xd: {  	[smem:$0x3FB1] =	sst s5  }
0xe: {  	[smem:$0x3FB2] =	sst s6  }
0xf: {  	[smem:$0x3FB3] =	sst s7  }
0x10: {  	[smem:$0x3FB4] =	sst s8  }
0x11: {  	[smem:$0x3FB5] =	sst s9;
	s0 =	simm.s32 @!p0 $0x0  }
0x12: {  	s1 =	sld [smem:$0x3F9B];
	s0 =	simm.s32 @p0 $0x1  }
0x13: {  	[smem:$0x3FB6] =	sst s0;
	s0 =	simm.s32 @!p1 $0x0  }
0x14: {  	s2 =	sld [smem:$0x3F9A];
	s0 =	simm.s32 @p1 $0x1  }
0x15: {  	[smem:$0x3FB7] =	sst s0;
	s0 =	simm.s32 @!p2 $0x0  }
0x16: {  	s3 =	sld [smem:$0x3FDB];
	s0 =	simm.s32 @p2 $0x1  }
0x17: {  	s4 =	simm.s32 $0x1BF5;
	[smem:$0x3FB9] =	sst s0  }
0x18: {  	s0 =	sld [smem:$0x3F9C];
	_ =	swait.ge [sflag:s4], $0x0  }
0x19: {  	s7 =	sld [smem:$0x3F9D]  }
0x1a: {  	s8 =	sadd.s32 $0xFFFFE003, lr  }
0x1b: {  	s9 =	sadd.s32 $0xFFFFFEF7, lr;
	s5 =	simm.s32 $0xFFFFFFFF;
	p2 =	slt.u32 s8, $0xFFFFF086  }
0x1c: {  	p1 =	slt.u32 s9, $0xF7A;
	s5 =	simm.s32 @!p2 $0x0  }
0x1d: {  	s5 =	simm.s32 @p1 $0x1;
	p0 =	seq.s32 s7, s2  }
0x1e: {  	s7 =	smul.u32 @!p0 $0xF7A, s2;
	p2 =	seq.s32 @!p0 s5, $0x0  }
0x1f: {  	s9 =	smul.u32 $0xF7A, s1;
	s8 =	simm.s32 @!p0 $0x1BF5;
	p2 =	por !p2, p0  }
0x20: {  	[sflag:s8] =	ssyncset.s32 @!p0 $0xFFFFF086;
	s6 =	sadd.s32 @!p0 s3, s7;
	s7 =	simm.s32 @!p0 $0x108  }
0x21: {  	s3 =	sadd.s32 s3, s9;
	s6 =	sadd.s32 @!p0 $0x88, s6;
	s7 =	simm.s32 @p2 $0x1082  }
0x22: {  	[simem:s7], [sflag:s8] =	dma.local @!p0 [hbm:s6], $0xF7A  }
0x23: {  	s9 =	sor.u32 $0xD0000000, s2;
	s6 =	simm.s32 $0x108;
	_ =	swait.ge @!p0 [sflag:s8], $0x0  }
0x24: {  	s3 =	sadd.s32 $0x88, s3;
	s6 =	simm.s32 @!p1 $0x1082;
	[sflag:s4] =	ssyncset.s32 $0xFFFFF086  }
0x25: {  	[simem:s6], [sflag:s4] =	dma.local [hbm:s3], $0xF7A  }
0x26: {  	[smem:$0x3F9D] =	sst s1;
	(tag) =	ssettag s2;
	_ =	strace s9  }
0x27: {  	s1 =	sld [smem:$0x3FAD]  }
0x28: {  	s2 =	sld [smem:$0x3FAE]  }
0x29: {  	s4 =	sld [smem:$0x3FB0]  }
0x2a: {  	p0 =	seq.s32 s5, $0x0;
	s5 =	sld [smem:$0x3FB1]  }
0x2b: {  	s6 =	sld [smem:$0x3FB2]  }
0x2c: {  	s7 =	sld [smem:$0x3FB3]  }
0x2d: {  	s3 =	simm.s32 $0x108;
	s8 =	sld [smem:$0x3FB4]  }
0x2e: {  	s3 =	simm.s32 @!p0 $0x1082;
	s9 =	sld [smem:$0x3FB5]  }
0x2f: {  	lr =	sadd.s32 s0, s3;
	s0 =	sld [smem:$0x3FAC]  }
0x30: {  	s3 =	sld [smem:$0x3FAF]  }
0x31: {  	[smem:$0x3FB8] =	sst s10  }
0x32: {  	s10 =	sld [smem:$0x3FB6];
	_ =	sdelay $0x3  }
0x33: {  	p0 =	seq.s32 s10, $0x1;
	s10 =	sld [smem:$0x3FB8];
	_ =	sdelay $0x3  }
0x34: {  	[smem:$0x3FB8] =	sst s10  }
0x35: {  	s10 =	sld [smem:$0x3FB7];
	_ =	sdelay $0x3  }
0x36: {  	p1 =	seq.s32 s10, $0x1;
	s10 =	sld [smem:$0x3FB8];
	_ =	sdelay $0x3  }
0x37: {  	[smem:$0x3FB8] =	sst s10  }
0x38: {  	s10 =	sld [smem:$0x3FB9]  }
0x39: {  	_ = 	snop;
	(pc) =	sbr.ind lr, $3  }
0x3a: {  	_ = 	snop  }
0x3b: {  	_ = 	snop  }
0x3c: {  	p2 =	seq.s32 s10, $0x1;
	s10 =	sld [smem:$0x3FB8]  }
0x3d: {  	_ =	shalt  }
0x3e: {  	_ =	shalt  }
0x3f: {  	_ =	shalt  }
0x40: {  	_ =	shalt  }
0x41: {  	_ =	shalt  }
0x42: {  	_ =	shalt  }
0x43: {  	_ =	shalt  }
0x44: {  	_ =	shalt  }
0x45: {  	_ =	shalt  }
0x46: {  	_ =	shalt  }
0x47: {  	_ =	shalt  }
0x48: {  	_ =	shalt  }
0x49: {  	_ =	shalt  }
0x4a: {  	_ =	shalt  }
0x4b: {  	_ =	shalt  }
0x4c: {  	_ =	shalt  }
0x4d: {  	_ =	shalt  }
0x4e: {  	_ =	shalt  }
0x4f: {  	_ =	shalt  }
0x50: {  	_ =	shalt  }
0x51: {  	_ =	shalt  }
0x52: {  	_ =	shalt  }
0x53: {  	_ =	shalt  }
0x54: {  	_ =	shalt  }
0x55: {  	_ =	shalt  }
0x56: {  	_ =	shalt  }
0x57: {  	_ =	shalt  }
0x58: {  	_ =	shalt  }
0x59: {  	_ =	shalt  }
0x5a: {  	_ =	shalt  }
0x5b: {  	_ =	shalt  }
0x5c: {  	_ =	shalt  }
0x5d: {  	_ =	shalt  }
0x5e: {  	_ =	shalt  }
0x5f: {  	_ =	shalt  }
0x60: {  	_ =	shalt  }
0x61: {  	_ =	shalt  }
0x62: {  	_ =	shalt  }
0x63: {  	_ =	shalt  }
0x64: {  	_ =	shalt  }
0x65: {  	_ =	shalt  }
0x66: {  	_ =	shalt  }
0x67: {  	_ =	shalt  }
0x68: {  	_ =	shalt  }
0x69: {  	_ =	shalt  }
0x6a: {  	_ =	shalt  }
0x6b: {  	_ =	shalt  }
0x6c: {  	_ =	shalt  }
0x6d: {  	_ =	shalt  }
0x6e: {  	_ =	shalt  }
0x6f: {  	_ =	shalt  }
0x70: {  	_ =	shalt  }
0x71: {  	_ =	shalt  }
0x72: {  	_ =	shalt  }
0x73: {  	_ =	shalt  }
0x74: {  	_ =	shalt  }
0x75: {  	_ =	shalt  }
0x76: {  	_ =	shalt  }
0x77: {  	_ =	shalt  }
0x78: {  	_ =	shalt  }
0x79: {  	_ =	shalt  }
0x7a: {  	_ =	shalt  }
0x7b: {  	_ =	shalt  }
0x7c: {  	_ =	shalt  }
0x7d: {  	_ =	shalt  }
0x7e: {  	_ =	shalt  }
0x7f: {  	_ =	shalt  }
0x80: {  	_ =	shalt  }
0x81: {  	_ =	shalt  }
0x82: {  	_ =	shalt  }
0x83: {  	_ =	shalt  }
0x84: {  	_ =	shalt  }
0x85: {  	_ =	shalt  }
0x86: {  	_ =	shalt  }
0x87: {  	_ =	shalt  }
.Lfunc_end0:
.L_simem_size_0:
called_computation_lowered:
.L_overlay_start_0:
0x88: {  	s2 =	sld [smem:$0x3FD9]  }
0x89: {  	s3 =	sld [smem:$0x3FFE];
	_ =	sdelay $0x1  }
0x8a: {  	s1 =	srdreg.scid  }
0x8b: {  	s0 =	sand.u32 $0x1, s1  }
0x8c: {  	s17 =	sshll.u32 s0, $0xA;
	s2 =	sadd.s32 s3, s2  }
0x8d: {  	s2 =	sadd.s32 s2, s17  }
0x8e: {  	[smem:$0x3FC4] =	sst s2  }
0x8f: {  	_ = 	snop  }
0x90: {  	s2 =	sld [smem:$0x3FD0];
	(tm) =	ssettm $0x1  }
0x91: {  	s18 =	sld [smem:$0x3FFB];
	_ =	sdelay $0x3  }
0x92: {  	_ =	strace s18  }
0x93: {  	s3 =	sld [smem:$0x3FFC];
	_ =	sdelay $0x3  }
0x94: {  	_ =	strace s3  }
0x95: {  	s3 =	sld [smem:$0x3FFD];
	_ =	sdelay $0x3  }
0x96: {  	_ =	strace s3  }
0x97: {  	_ =	strace $0x8FFFFFFF  }
0x98: {  	s19 =	sld [smem:$0x3FDB];
	_ =	sdelay $0x1  }
0x99: {  	s4 =	simm.s32 $_scs_section_size  }
0x9a: {  	s5 =	simm.s32 $_size__tile_overlayer_lowered;
	s6 =	simm.s32 $_tile_overlayer_lowered  }
0x9b: {  	s22 =	simm.s32 $0x1BFF;
	s21 =	sshll.u32 s6, $0x1;
	s3 =	sadd.s32 s4, s19  }
0x9c: {  	s7 =	simm.s32 $0x0;
	s20 =	sshll.u32 s5, $0x1;
	s5 =	sadd.s32 s21, s3  }
0x9d: {  	[timem:s7], [sflag:s22] =	dma.local [hbm:s5], s20  }
0x9e: {  	_ =	swait.ge [sflag:s22], s20  }
0x9f: {  	s4 =	ssub.s32 $0x0, s20;
	[sflag:s22] =	ssyncset.done $0x0  }
0xa0: {  	[sflag:s22] =	ssyncadd.s32 s4;
	_ =	sdelay $0x1  }
0xa1: {  	s23 =	simm.s32 $0x1B8B  }
0xa2: {  	_ =	swait.ge [sflag:s23], $0x1  }
0xa3: {  	[sflag:s23] =	ssyncset.done $0x0  }
0xa4: {  	s25 =	simm.s32 $0x1B8E;
	s24 =	sld [smem:$0x3FFE];
	[sflag:s23] =	ssyncadd.s32 $0xFFFFFFFF  }
0xa5: {  	s26 =	simm.s32 $execute0_lowered;
	[smem:$0x3FD2] =	sst s25  }
0xa6: {  	s5 =	sshll.u32 s26, $0x1;
	_ =	strace $0x80000046;
	[dreg:$0x1] =	wrdreg $0xFFFFFFFF  }
0xa7: {  	s28 =	simm.s32 $_size_execute0_lowered;
	s3 =	sadd.s32 s3, s5;
	[dreg:$0x0] =	wrdreg $0x0  }
0xa8: {  	s5 =	sshll.u32 s28, $0x1;
	[dreg:$0x2] =	wrdreg s3  }
0xa9: {  	[dreg:$0x3] =	wrdreg s5  }
0xaa: {  	[dreg:$0x4] =	wrdreg $0xC0  }
0xab: {  	_ =	task [dreg:s7], $0x5FFFF  }
0xac: {  	[dreg:$0x1] =	wrdreg $0xFFFFFFFF  }
0xad: {  	[dreg:$0x0] =	wrdreg $0x60  }
0xae: {  	[dreg:$0x2] =	wrdreg s2  }
0xaf: {  	[dreg:$0x3] =	wrdreg s24  }
0xb0: {  	[dreg:$0x4] =	wrdreg $0xC6000  }
0xb1: {  	[dreg:$0x5] =	wrdreg $0x9  }
0xb2: {  	_ =	task.clear_ibuf [dreg:s7], $0x6FFFF;
	_ =	strace $0x90000046  }
0xb3: {  	s29 =	simm.s32 $0x9;
	_ =	strace $0x80000048  }
0xb4: {  	_ =	swait.ge [sflag:s29], $0x1  }
0xb5: {  	[sflag:s29] =	ssyncadd.s32 $0xFFFFFFFF  }
0xb6: {  	_ =	strace $0x90000048  }
0xb7: {  	_ =	sfence  }
0xb8: {  	s30 =	sld [smem:$0x0];
	_ =	sdelay $0x2  }
0xb9: {  	s31 =	sshll.u32 s1, $0xD;
	s1 =	sshrl.u32 s1, $0x2  }
0xba: {  	s3 =	sand.u32 $0x4000, s31;
	s1 =	sadd.s32 s1, s30  }
0xbb: {  	s0 =	sor.u32 s3, s0;
	s1 =	sshll.u32 s1, $0x11  }
0xbc: {  	s0 =	sor.u32 s1, s0  }
0xbd: {  	s0 =	sadd.s32 $0x8F2B, s0  }
0xbe: {  	[sflag:s0] =	ssyncadd.remote.s32 $0x1  }
0xbf: {  	_ =	sfence.sel $0xFFFF  }
0xc0: {  	[dreg:$0x0] =	wrdreg $0xFFFFFFFF;
	(pc) =	sbr.abs _section_cstart, $3  }
0xc1: {  	[dreg:$0x1] =	wrdreg $0xFFFFFFFF  }
0xc2: {  	_ =	task.clear_ibuf [dreg:s7], $0x2FFFF;
	_ =	strace $0x9FFFFFFF  }
0xc3: {  	(tm) =	ssettm $0x7FFFFFFF  }
tec
execute0_lowered:
.L_overlay_start_1:
0x0: {  	(tag) =	ssettag $0x1  }
0x1: {  	s1 =	rddreg [dreg:$0x1];
	s0 =	srdreg.scid;
	s2 =	simm.s32 $0x0  }
0x2: {  	s21 =	stileid.u32;
	s5 =	sand.u32 $0x1, s0;
	[smem:$0x7FF] =	sst s2  }
0x3: {  	s3 =	sshll.u32 s21, $0x1;
	s16 =	sadd.s32 $0x1E000, s1;
	s0 =	ssub.s32 $0x2, s5  }
0x4: {  	s17 =	sor.u32 $0x90, s21;
	s3 =	sor.u32 s5, s3;
	s4 =	sshrl.u32 s0, $0x1  }
0x5: {  	s0 =	ssub.s32 s0, s4;
	s4 =	smul.u32 $0x2800, s3;
	s3 =	sshll.u32 s21, $0xD  }
0x6: {  	s12 =	smul.u32 $0x13A000, s5;
	s15 =	sshll.u32 s17, $0xD;
	s5 =	sor.u32 $0x20000, s3  }
0x7: {  	s6 =	sor.u32 $0x40000, s3;
	s7 =	sor.u32 $0x60000, s3;
	s8 =	sor.u32 $0x80000, s3  }
0x8: {  	s9 =	sor.u32 $0xA0000, s3;
	s10 =	sor.u32 $0xC0000, s3;
	s11 =	sor.u32 $0xE0000, s3  }
0x9: {  	s13 =	sor.u32 $0x100000, s3;
	s14 =	sadd.s32 s12, s3;
	s18 =	sadd.s32 s12, s5  }
0xa: {  	s14 =	sshrl.u32 s14, $0x3;
	s25 =	sadd.s32 s12, s6;
	s26 =	sadd.s32 s12, s7  }
0xb: {  	s19 =	sadd.s32 s12, s8;
	s18 =	sshrl.u32 s18, $0x3;
	s14 =	sadd.s32 s16, s14  }
0xc: {  	s20 =	sshrl.u32 s26, $0x3;
	s22 =	sshrl.u32 s19, $0x3;
	s26 =	sadd.s32 s12, s11  }
0xd: {  	[dreg:$0x4] =	wrdreg s14;
	s24 =	sadd.s32 s16, s18;
	s14 =	sshrl.u32 s25, $0x3  }
0xe: {  	s23 =	sadd.s32 s16, s22;
	s25 =	sadd.s32 s12, s10;
	[dreg:$0x5] =	wrdreg s24  }
0xf: {  	s22 =	sshrl.u32 s26, $0x3;
	s14 =	sadd.s32 s16, s14;
	[dreg:$0x8] =	wrdreg s23  }
0x10: {  	s24 =	sadd.s32 s12, s9;
	[dreg:$0x6] =	wrdreg s14;
	s14 =	sadd.s32 s16, s20  }
0x11: {  	s23 =	sadd.s32 s16, s22;
	[dreg:$0x7] =	wrdreg s14;
	s14 =	sshrl.u32 s24, $0x3  }
0x12: {  	s20 =	sshrl.u32 s25, $0x3;
	[dreg:$0xb] =	wrdreg s23;
	s14 =	sadd.s32 s16, s14  }
0x13: {  	s24 =	sadd.s32 s12, s13;
	[dreg:$0x9] =	wrdreg s14;
	s14 =	sadd.s32 s16, s20  }
0x14: {  	p0 =	sgt.u32 s17, $0x9C;
	[dreg:$0xa] =	wrdreg s14;
	s14 =	sshrl.u32 s24, $0x3  }
0x15: {  	s25 =	sadd.s32 s12, s15;
	s12 =	rddreg [dreg:$0x0];
	s14 =	sadd.s32 s16, s14  }
0x16: {  	s0 =	smax.u32 s0, $0x1;
	s18 =	sshrl.u32 s25, $0x3;
	[dreg:$0xc] =	wrdreg s14  }
0x17: {  	s16 =	sadd.s32 s16, s18;
	s18 =	sshrl.u32 s4, $0x3;
	s14 =	rddreg [dreg:$0x2]  }
0x18: {  	[dreg:$0xd] =	wrdreg s16;
	s26 =	sor.u32 $0x8, s18;
	s16 =	sadd.s32 $0xA000, s1  }
0x19: {  	_ =	strace $0x80000047;
	s20 =	sadd.s32 s1, s26;
	[smem:$0x7F3] =	sst s0  }
0x1a: {  	s17 =	sadd.s32 $0x14000, s1;
	s22 =	sadd.s32 s16, s26;
	[dreg:$0xe] =	wrdreg s20  }
0x1b: {  	s23 =	sor.u32 $0x10, s18;
	s19 =	sadd.s32 s17, s26;
	[dreg:$0xf] =	wrdreg s22  }
0x1c: {  	s24 =	sadd.s32 s1, s23;
	[dreg:$0x10] =	wrdreg s19  }
0x1d: {  	s25 =	sadd.s32 s16, s23;
	[dreg:$0x11] =	wrdreg s24  }
0x1e: {  	s7 =	sadd.s32 s7, s14;
	[dreg:$0x12] =	wrdreg s25  }
0x1f: {  	s13 =	sadd.s32 s13, s14;
	[smem:$0x7F4] =	sst s7  }
0x20: {  	s26 =	sor.u32 $0x18, s18;
	s19 =	sadd.s32 s17, s23;
	[smem:$0x7FD] =	sst s13  }
0x21: {  	s23 =	sadd.s32 s1, s26;
	[dreg:$0x13] =	wrdreg s19  }
0x22: {  	s22 =	sadd.s32 s16, s26;
	[dreg:$0x14] =	wrdreg s23  }
0x23: {  	s24 =	sor.u32 $0x20, s18;
	s20 =	sadd.s32 s17, s26;
	[dreg:$0x15] =	wrdreg s22  }
0x24: {  	[dreg:$0x16] =	wrdreg s20;
	s25 =	sadd.s32 s1, s24  }
0x25: {  	s26 =	sadd.s32 s16, s24;
	[dreg:$0x17] =	wrdreg s25  }
0x26: {  	s19 =	sadd.s32 s17, s24;
	[dreg:$0x18] =	wrdreg s26  }
0x27: {  	s22 =	sadd.s32 s1, s18;
	[dreg:$0x19] =	wrdreg s19  }
0x28: {  	s23 =	sadd.s32 s16, s18;
	[dreg:$0x1a] =	wrdreg s22  }
0x29: {  	s24 =	sadd.s32 s17, s18;
	[dreg:$0x1b] =	wrdreg s23  }
0x2a: {  	s18 =	sor.u32 $0x28, s18;
	s20 =	sor.u32 $0x1C0, s4;
	[dreg:$0x1c] =	wrdreg s24  }
0x2b: {  	s25 =	sadd.s32 s1, s18;
	[smem:$0x7EC] =	sst s20  }
0x2c: {  	s26 =	sadd.s32 s16, s18;
	[dreg:$0x1d] =	wrdreg s25  }
0x2d: {  	s28 =	simm.s32 $0x540;
	s18 =	sadd.s32 s17, s18;
	[dreg:$0x1e] =	wrdreg s26  }
0x2e: {  	s29 =	simm.s32 $0x8600;
	s19 =	sor.u32 $0x180, s4;
	[dreg:$0x1f] =	wrdreg s18  }
0x2f: {  	s30 =	simm.s32 $0x11;
	s22 =	sor.u32 $0x200, s4;
	[smem:$0x7EB] =	sst s19  }
0x30: {  	s31 =	simm.s32 $0x5;
	s23 =	sor.u32 $0x240, s4;
	[smem:$0x7ED] =	sst s22  }
0x31: {  	p1 =	sgt.u32 s21, $0xC;
	s24 =	sor.u32 $0x280, s4;
	[smem:$0x7EE] =	sst s23  }
0x32: {  	s21 =	simm.s32 $0x4C0;
	s20 =	sadd.s32 s5, s14;
	[smem:$0x7EF] =	sst s24  }
0x33: {  	s0 =	simm.s32 $0x40;
	s25 =	sor.u32 $0x2C0, s4;
	[smem:$0x7FB] =	sst s20  }
0x34: {  	s7 =	simm.s32 $0x0;
	s26 =	sor.u32 $0x300, s4;
	[smem:$0x7F0] =	sst s25  }
0x35: {  	s4 =	sor.u32 $0x340, s4;
	s18 =	sadd.s32 s3, s14;
	[smem:$0x7F1] =	sst s26  }
0x36: {  	s19 =	sadd.s32 s8, s14;
	s22 =	sadd.s32 s9, s14;
	[smem:$0x7F2] =	sst s4  }
0x37: {  	s23 =	sadd.s32 s10, s14;
	s24 =	sadd.s32 s11, s14;
	[smem:$0x7F5] =	sst s19  }
0x38: {  	s11 =	simm.s32 $0x400;
	s9 =	simm.s32 $0x5C0;
	[smem:$0x7F6] =	sst s22  }
0x39: {  	s10 =	simm.s32 $0x7;
	s8 =	simm.s32 $0x10;
	[smem:$0x7F7] =	sst s23  }
.Ltmp0:
0x3a: {  	s25 =	sadd.s32 s6, s14;
	[smem:$0x7F8] =	sst s24;
	(pc) =	sbr.rel .LBB2_1-.Ltmp0, $4  }
0x3b: {  	s26 =	sadd.s32 s15, s14;
	s4 =	simm.s32 $0x440;
	s19 =	simm.s32 $0x480  }
0x3c: {  	s24 =	simm.s32 $0x500;
	s22 =	simm.s32 $0x580;
	[smem:$0x7FA] =	sst s18  }
0x3d: {  	s23 =	simm.s32 $0x6;
	s6 =	simm.s32 $0xA600;
	[smem:$0x7F9] =	sst s26  }
0x3e: {  	v0 =	vimm.f32 $0.0e+00;
	s15 =	simm.s32 $0x8;
	s26 =	simm.s32 $0x12;
	[smem:$0x7FC] =	sst s25  }
.LBB2_22:
0x3f: {  	_ =	swait.ge [sflag:s30], $0x2000  }
0x40: {  	[sflag:s30] =	ssyncset.done $0x0  }
0x41: {  	[sflag:s30] =	ssyncadd.s32 $0xFFFFE000  }
0x42: {  	_ =	swait.ge [sflag:s26], $0x2000  }
0x43: {  	[sflag:s26] =	ssyncset.done $0x0  }
0x44: {  	[sflag:s26] =	ssyncadd.s32 $0xFFFFE000  }
0x45: {  	[bflag:$0x0] =	sbarrier.arrive $0xFFFF  }
0x46: {  	s18 =	sld [smem:$0x7FA]  }
0x47: {  	s3 =	stileid.u32  }
0x48: {  	s3 =	sshll.u32 s3, $0x6  }
0x49: {  	s3 =	sor.u32 $0x1C12, s3;
	s7 =	rddreg [dreg:$0x4];
	s5 =	sshrl.u32 s18, $0x3  }
0x4a: {  	[hbm:s7], [sflag:s3] =	dma.local [spmem:s5], $0x400  }
0x4b: {  	s20 =	sld [smem:$0x7FB];
	_ =	sdelay $0x2  }
0x4c: {  	s7 =	rddreg [dreg:$0x5];
	s25 =	sshrl.u32 s20, $0x3  }
0x4d: {  	[hbm:s7], [sflag:s3] =	dma.local [spmem:s25], $0x400  }
0x4e: {  	s25 =	sld [smem:$0x7FC];
	_ =	sdelay $0x2  }
0x4f: {  	s7 =	rddreg [dreg:$0x6];
	s13 =	sshrl.u32 s25, $0x3  }
0x50: {  	[hbm:s7], [sflag:s3] =	dma.local [spmem:s13], $0x400  }
0x51: {  	s5 =	sld [smem:$0x7F4];
	_ =	sdelay $0x2  }
0x52: {  	s7 =	rddreg [dreg:$0x7];
	s5 =	sshrl.u32 s5, $0x3  }
0x53: {  	[hbm:s7], [sflag:s3] =	dma.local [spmem:s5], $0x400  }
0x54: {  	s5 =	sld [smem:$0x7F5];
	_ =	sdelay $0x2  }
0x55: {  	s7 =	rddreg [dreg:$0x8];
	s5 =	sshrl.u32 s5, $0x3  }
0x56: {  	[hbm:s7], [sflag:s3] =	dma.local [spmem:s5], $0x400  }
0x57: {  	s5 =	sld [smem:$0x7F6];
	_ =	sdelay $0x2  }
0x58: {  	s7 =	rddreg [dreg:$0x9];
	s5 =	sshrl.u32 s5, $0x3  }
0x59: {  	[hbm:s7], [sflag:s3] =	dma.local [spmem:s5], $0x400  }
0x5a: {  	s5 =	sld [smem:$0x7F7];
	_ =	sdelay $0x2  }
0x5b: {  	s7 =	rddreg [dreg:$0xa];
	s5 =	sshrl.u32 s5, $0x3  }
0x5c: {  	[hbm:s7], [sflag:s3] =	dma.local [spmem:s5], $0x400  }
0x5d: {  	s5 =	sld [smem:$0x7F8];
	_ =	sdelay $0x2  }
0x5e: {  	s7 =	rddreg [dreg:$0xb];
	s5 =	sshrl.u32 s5, $0x3  }
0x5f: {  	[hbm:s7], [sflag:s3] =	dma.local [spmem:s5], $0x400  }
0x60: {  	s13 =	sld [smem:$0x7FD];
	_ =	sdelay $0x2  }
0x61: {  	s7 =	rddreg [dreg:$0xc];
	s5 =	sshrl.u32 s13, $0x3  }
0x62: {  	[hbm:s7], [sflag:s3] =	dma.local [spmem:s5], $0x400  }
0x63: {  	s5 =	sld [smem:$0x7F9];
	_ =	sdelay $0x2  }
0x64: {  	s7 =	rddreg [dreg:$0xd];
	s5 =	sshrl.u32 @!p0 s5, $0x3  }
0x65: {  	[hbm:s7], [sflag:s3] =	dma.local @!p0 [spmem:s5], $0x400  }
0x66: {  	_ =	swait.ge [sflag:s26], $0x400  }
0x67: {  	[sflag:s26] =	ssyncset.done $0x0  }
0x68: {  	[sflag:s26] =	ssyncadd.s32 $0xFFFFFC00  }
0x69: {  	_ =	swait.ge [sflag:s26], $0x400  }
0x6a: {  	[sflag:s26] =	ssyncset.done $0x0  }
0x6b: {  	[sflag:s26] =	ssyncadd.s32 $0xFFFFFC00  }
0x6c: {  	_ =	swait.ge [sflag:s26], $0x400  }
0x6d: {  	[sflag:s26] =	ssyncset.done $0x0  }
0x6e: {  	[sflag:s26] =	ssyncadd.s32 $0xFFFFFC00  }
0x6f: {  	_ =	swait.ge [sflag:s26], $0x400  }
0x70: {  	[sflag:s26] =	ssyncset.done $0x0  }
0x71: {  	[sflag:s26] =	ssyncadd.s32 $0xFFFFFC00  }
0x72: {  	_ =	swait.ge [sflag:s26], $0x400  }
0x73: {  	[sflag:s26] =	ssyncset.done $0x0  }
0x74: {  	[sflag:s26] =	ssyncadd.s32 $0xFFFFFC00  }
0x75: {  	_ =	swait.ge [sflag:s26], $0x400  }
0x76: {  	[sflag:s26] =	ssyncset.done $0x0  }
0x77: {  	[sflag:s26] =	ssyncadd.s32 $0xFFFFFC00  }
0x78: {  	_ =	swait.ge [sflag:s26], $0x400  }
0x79: {  	[sflag:s26] =	ssyncset.done $0x0  }
0x7a: {  	[sflag:s26] =	ssyncadd.s32 $0xFFFFFC00  }
0x7b: {  	_ =	swait.ge [sflag:s26], $0x400  }
0x7c: {  	[sflag:s26] =	ssyncset.done $0x0  }
0x7d: {  	[sflag:s26] =	ssyncadd.s32 $0xFFFFFC00  }
0x7e: {  	_ =	swait.ge [sflag:s26], $0x400  }
0x7f: {  	[sflag:s26] =	ssyncset.done $0x0  }
0x80: {  	s3 =	simm.s32 @!p1 $0x12;
	[sflag:s26] =	ssyncadd.s32 $0xFFFFFC00  }
0x81: {  	_ =	swait.ge @!p1 [sflag:s3], $0x400  }
0x82: {  	s5 =	sld [smem:$0x7EA];
	_ =	sdelay $0x2  }
0x83: {  	s7 =	sadd.s32 $0x1, s5;
	s5 =	sld [smem:$0x7F3];
	_ =	sdelay $0x2  }
0x84: {  	p2 =	sne.s32 s7, s5  }
.Ltmp1:
0x85: {  	_ = 	snop;
	(pc) =	sbr.rel @!p2 .LBB2_23-.Ltmp1, $3  }
0x86: {  	_ =	sdelay $0x1  }
0x87: {  	[sflag:s3] =	ssyncset.done @!p1 $0x0  }
0x88: {  	[sflag:s3] =	ssyncadd.s32 @!p1 $0xFFFFFC00  }
.LBB2_1:
0x89: {  	[smem:$0x7EA] =	sst s7  }
0x8a: {  	s3 =	rddreg [dreg:$0x1a]  }
0x8b: {  	[tilespmem:s2], [sflag:$0x1] =	stream.linear.gather [hbm4b:s3+s2], $0x40, $0x38;
	v63 =	vld [tilespmem:$0x0]  }
0x8c: {  	s7 =	rddreg [dreg:$0x1b];
	s5 =	simm.s32 $0x200  }
0x8d: {  	[tilespmem:s5], [sflag:$0x1] =	stream.linear.gather [hbm4b:s7+s2], $0x40, $0x38;
	v63 =	vld [tilespmem:$0x0]  }
0x8e: {  	s5 =	rddreg [dreg:$0x1c]  }
0x8f: {  	[tilespmem:s11], [sflag:$0x1] =	stream.linear.gather [hbm4b:s5+s2], $0x40, $0x38;
	v63 =	vld [tilespmem:$0x0]  }
0x90: {  	s7 =	rddreg [dreg:$0xe]  }
0x91: {  	[tilespmem:s0], [sflag:$0x2] =	stream.linear.gather [hbm4b:s7+s2], $0x40, $0x38;
	v63 =	vld [tilespmem:$0x0]  }
0x92: {  	s5 =	rddreg [dreg:$0xf];
	s7 =	simm.s32 $0x240  }
0x93: {  	[tilespmem:s7], [sflag:$0x2] =	stream.linear.gather [hbm4b:s5+s2], $0x40, $0x38;
	v63 =	vld [tilespmem:$0x0]  }
0x94: {  	s7 =	rddreg [dreg:$0x10]  }
0x95: {  	[tilespmem:s4], [sflag:$0x2] =	stream.linear.gather [hbm4b:s7+s2], $0x40, $0x38;
	v63 =	vld [tilespmem:$0x0]  }
0x96: {  	s5 =	rddreg [dreg:$0x11];
	s7 =	simm.s32 $0x80  }
0x97: {  	[tilespmem:s7], [sflag:$0x3] =	stream.linear.gather [hbm4b:s5+s2], $0x40, $0x38;
	v63 =	vld [tilespmem:$0x0]  }
0x98: {  	s5 =	rddreg [dreg:$0x12];
	s7 =	simm.s32 $0x280  }
0x99: {  	[tilespmem:s7], [sflag:$0x3] =	stream.linear.gather [hbm4b:s5+s2], $0x40, $0x38;
	v63 =	vld [tilespmem:$0x0]  }
0x9a: {  	s7 =	rddreg [dreg:$0x13]  }
0x9b: {  	[tilespmem:s19], [sflag:$0x3] =	stream.linear.gather [hbm4b:s7+s2], $0x40, $0x38;
	v63 =	vld [tilespmem:$0x0]  }
0x9c: {  	s5 =	rddreg [dreg:$0x14];
	s7 =	simm.s32 $0xC0  }
0x9d: {  	[tilespmem:s7], [sflag:$0x4] =	stream.linear.gather [hbm4b:s5+s2], $0x40, $0x38;
	v63 =	vld [tilespmem:$0x0]  }
0x9e: {  	s5 =	rddreg [dreg:$0x15];
	s7 =	simm.s32 $0x2C0  }
0x9f: {  	[tilespmem:s7], [sflag:$0x4] =	stream.linear.gather [hbm4b:s5+s2], $0x40, $0x38;
	v63 =	vld [tilespmem:$0x0]  }
0xa0: {  	s7 =	rddreg [dreg:$0x16]  }
0xa1: {  	[tilespmem:s21], [sflag:$0x4] =	stream.linear.gather [hbm4b:s7+s2], $0x40, $0x38;
	v63 =	vld [tilespmem:$0x0]  }
0xa2: {  	s5 =	rddreg [dreg:$0x17];
	s7 =	simm.s32 $0x100  }
0xa3: {  	[tilespmem:s7], [sflag:$0x5] =	stream.linear.gather [hbm4b:s5+s2], $0x40, $0x38;
	v63 =	vld [tilespmem:$0x0]  }
0xa4: {  	s5 =	rddreg [dreg:$0x18];
	s7 =	simm.s32 $0x300  }
0xa5: {  	[tilespmem:s7], [sflag:$0x5] =	stream.linear.gather [hbm4b:s5+s2], $0x40, $0x38;
	v63 =	vld [tilespmem:$0x0]  }
0xa6: {  	s7 =	rddreg [dreg:$0x19]  }
0xa7: {  	[tilespmem:s24], [sflag:$0x5] =	stream.linear.gather [hbm4b:s7+s2], $0x40, $0x38;
	v63 =	vld [tilespmem:$0x0]  }
0xa8: {  	s5 =	rddreg [dreg:$0x1d];
	s7 =	simm.s32 $0x140  }
0xa9: {  	[tilespmem:s7], [sflag:$0x6] =	stream.linear.gather [hbm4b:s5+s2], $0x40, $0x38;
	v63 =	vld [tilespmem:$0x0]  }
0xaa: {  	s5 =	rddreg [dreg:$0x1e];
	s7 =	simm.s32 $0x340  }
0xab: {  	[tilespmem:s7], [sflag:$0x6] =	stream.linear.gather [hbm4b:s5+s2], $0x40, $0x38;
	v63 =	vld [tilespmem:$0x0]  }
0xac: {  	s3 =	simm.s32 $0x0;
	s7 =	rddreg [dreg:$0x1f];
	s5 =	simm.s32 $0x200  }
0xad: {  	[tilespmem:s28], [sflag:$0x6] =	stream.linear.gather [hbm4b:s7+s2], $0x40, $0x38;
	v63 =	vld [tilespmem:$0x0]  }
.LBB2_2:
0xae: {  	p2 =	sne.s32 s5, $0x7E00;
	[tilespmem:s3+$0x8670] =	vst v0  }
0xaf: {  	[tilespmem:s3+$0x8600] =	vst v0  }
0xb0: {  	[tilespmem:s3+$0x8610] =	vst v0  }
.Ltmp2:
0xb1: {  	[tilespmem:s3+$0x8620] =	vst v0;
	(pc) =	sbr.rel @p2 .LBB2_2-.Ltmp2, $4  }
0xb2: {  	[tilespmem:s3+$0x8630] =	vst v0  }
0xb3: {  	[tilespmem:s3+$0x8640] =	vst v0  }
0xb4: {  	[tilespmem:s3+$0x8650] =	vst v0  }
0xb5: {  	[tilespmem:s3+$0x8660] =	vst v0;
	s3 =	sshra.s32 s5, $0x2;
	s5 =	sadd.s32 $0x200, s5  }
0xb6: {  	[tilespmem:s3+$0x8670] =	vst v0  }
0xb7: {  	[tilespmem:s3+$0x8600] =	vst v0  }
0xb8: {  	[tilespmem:s3+$0x8610] =	vst v0  }
0xb9: {  	[tilespmem:s3+$0x8620] =	vst v0  }
0xba: {  	[tilespmem:s3+$0x8630] =	vst v0  }
0xbb: {  	[tilespmem:s3+$0x8640] =	vst v0  }
0xbc: {  	[tilespmem:s3+$0x8650] =	vst v0  }
0xbd: {  	[tilespmem:s3+$0x8660] =	vst v0  }
0xbe: {  	[spmem:s18] =	stream.linear.scatter [tilespmem:s29], [sflag:$0x11], $0x2000, $0x38;
	v63 =	vld [tilespmem:$0x0]  }
0xbf: {  	_ = 	snop  }
0xc0: {  	[spmem:s20] =	stream.linear.scatter [tilespmem:s29], [sflag:$0x11], $0x2000, $0x38;
	v63 =	vld [tilespmem:$0x0]  }
0xc1: {  	s7 =	sld [smem:$0x7F4]  }
0xc2: {  	[spmem:s25] =	stream.linear.scatter [tilespmem:s29], [sflag:$0x11], $0x2000, $0x38;
	v63 =	vld [tilespmem:$0x0]  }
0xc3: {  	s18 =	sld [smem:$0x7F5]  }
0xc4: {  	[spmem:s7] =	stream.linear.scatter [tilespmem:s29], [sflag:$0x11], $0x2000, $0x38;
	v63 =	vld [tilespmem:$0x0]  }
0xc5: {  	s20 =	sld [smem:$0x7F6]  }
0xc6: {  	[spmem:s18] =	stream.linear.scatter [tilespmem:s29], [sflag:$0x11], $0x2000, $0x38;
	v63 =	vld [tilespmem:$0x0]  }
0xc7: {  	s25 =	sld [smem:$0x7F7]  }
0xc8: {  	[spmem:s20] =	stream.linear.scatter [tilespmem:s29], [sflag:$0x11], $0x2000, $0x38;
	v63 =	vld [tilespmem:$0x0]  }
0xc9: {  	s5 =	sld [smem:$0x7F8]  }
0xca: {  	[spmem:s25] =	stream.linear.scatter [tilespmem:s29], [sflag:$0x11], $0x2000, $0x38;
	v63 =	vld [tilespmem:$0x0]  }
0xcb: {  	_ = 	snop  }
0xcc: {  	[spmem:s5] =	stream.linear.scatter [tilespmem:s29], [sflag:$0x11], $0x2000, $0x38;
	v63 =	vld [tilespmem:$0x0]  }
0xcd: {  	s5 =	sld [smem:$0x7F9]  }
0xce: {  	[spmem:s13] =	stream.linear.scatter [tilespmem:s29], [sflag:$0x11], $0x2000, $0x38;
	v63 =	vld [tilespmem:$0x0]  }
0xcf: {  	s3 =	simm.s32 @!p0 $0x8600  }
0xd0: {  	[spmem:s5] =	stream.linear.scatter @!p0 [tilespmem:s3], [sflag:$0x11], $0x2000, $0x38;
	v63 =	vld [tilespmem:$0x0]  }
0xd1: {  	_ =	swait.ge [sflag:s30], $0x2000  }
0xd2: {  	[sflag:s30] =	ssyncset.done $0x0  }
0xd3: {  	[sflag:s30] =	ssyncadd.s32 $0xFFFFE000  }
0xd4: {  	_ =	swait.ge [sflag:s30], $0x2000  }
0xd5: {  	[sflag:s30] =	ssyncset.done $0x0  }
0xd6: {  	[sflag:s30] =	ssyncadd.s32 $0xFFFFE000  }
0xd7: {  	_ =	swait.ge [sflag:s30], $0x2000  }
0xd8: {  	[sflag:s30] =	ssyncset.done $0x0  }
0xd9: {  	[sflag:s30] =	ssyncadd.s32 $0xFFFFE000  }
0xda: {  	_ =	swait.ge [sflag:s30], $0x2000  }
0xdb: {  	[sflag:s30] =	ssyncset.done $0x0  }
0xdc: {  	[sflag:s30] =	ssyncadd.s32 $0xFFFFE000  }
0xdd: {  	_ =	swait.ge [sflag:s30], $0x2000  }
0xde: {  	[sflag:s30] =	ssyncset.done $0x0  }
0xdf: {  	[sflag:s30] =	ssyncadd.s32 $0xFFFFE000  }
0xe0: {  	_ =	swait.ge [sflag:s30], $0x2000  }
0xe1: {  	[sflag:s30] =	ssyncset.done $0x0  }
0xe2: {  	[sflag:s30] =	ssyncadd.s32 $0xFFFFE000  }
0xe3: {  	_ =	swait.ge [sflag:s30], $0x2000  }
0xe4: {  	[sflag:s30] =	ssyncset.done $0x0  }
0xe5: {  	[sflag:s30] =	ssyncadd.s32 $0xFFFFE000  }
0xe6: {  	_ =	swait.ge [sflag:s30], $0x2000  }
0xe7: {  	[sflag:s30] =	ssyncset.done $0x0  }
0xe8: {  	[sflag:s30] =	ssyncadd.s32 $0xFFFFE000  }
0xe9: {  	_ =	swait.ge [sflag:s30], $0x2000  }
0xea: {  	[sflag:s30] =	ssyncset.done $0x0  }
0xeb: {  	s3 =	simm.s32 @!p1 $0x11;
	[sflag:s30] =	ssyncadd.s32 $0xFFFFE000  }
0xec: {  	_ =	swait.ge @!p1 [sflag:s3], $0x2000  }
0xed: {  	[sflag:s3] =	ssyncset.done @!p1 $0x0  }
0xee: {  	[sflag:s3] =	ssyncadd.s32 @!p1 $0xFFFFE000  }
0xef: {  	s7 =	simm.s32 $0x1;
	[bflag:$0x0] =	sbarrier.arrive $0xFFFF  }
0xf0: {  	_ =	swait.ge [sflag:s7], $0x40  }
0xf1: {  	[sflag:s7] =	ssyncset.done $0x0  }
0xf2: {  	[sflag:s7] =	ssyncadd.s32 $0xFFFFFFC0  }
0xf3: {  	_ =	swait.ge [sflag:s7], $0x40  }
0xf4: {  	[sflag:s7] =	ssyncset.done $0x0  }
0xf5: {  	[sflag:s7] =	ssyncadd.s32 $0xFFFFFFC0  }
0xf6: {  	_ =	swait.ge [sflag:s7], $0x40  }
0xf7: {  	s18 =	simm.s32 $0x600;
	[sflag:s7] =	ssyncset.done $0x0  }
0xf8: {  	s20 =	simm.s32 $0x2;
	s13 =	simm.s32 $0x0;
	[sflag:s7] =	ssyncadd.s32 $0xFFFFFFC0  }
0xf9: {  	[tilespmem:s18], [sflag:$0x9] =	stream.indirect.gather [hbm4b:s12+s0], $0x40, s13, s0, $0xb8;
	v63 =	vld [tilespmem:$0x0]  }
0xfa: {  	_ =	swait.ge [sflag:s20], $0x40  }
0xfb: {  	[sflag:s20] =	ssyncset.done $0x0  }
0xfc: {  	[sflag:s20] =	ssyncadd.s32 $0xFFFFFFC0  }
0xfd: {  	_ =	swait.ge [sflag:s20], $0x40  }
0xfe: {  	[sflag:s20] =	ssyncset.done $0x0  }
0xff: {  	[sflag:s20] =	ssyncadd.s32 $0xFFFFFFC0  }
0x100: {  	_ =	swait.ge [sflag:s20], $0x40  }
0x101: {  	[sflag:s20] =	ssyncset.done $0x0  }
0x102: {  	s25 =	simm.s32 $0x1600;
	s5 =	simm.s32 $0x3;
	[sflag:s20] =	ssyncadd.s32 $0xFFFFFFC0  }
0x103: {  	[tilespmem:s25], [sflag:$0xA] =	stream.indirect.gather [hbm4b:s12+s0], $0x40, s0, s0, $0xb8;
	v63 =	vld [tilespmem:$0x0]  }
0x104: {  	_ =	swait.ge [sflag:s5], $0x40  }
0x105: {  	[sflag:s5] =	ssyncset.done $0x0  }
0x106: {  	[sflag:s5] =	ssyncadd.s32 $0xFFFFFFC0  }
0x107: {  	_ =	swait.ge [sflag:s5], $0x40  }
0x108: {  	[sflag:s5] =	ssyncset.done $0x0  }
0x109: {  	[sflag:s5] =	ssyncadd.s32 $0xFFFFFFC0  }
0x10a: {  	_ =	swait.ge [sflag:s5], $0x40  }
0x10b: {  	s7 =	simm.s32 $0x80;
	[sflag:s5] =	ssyncset.done $0x0  }
0x10c: {  	s13 =	simm.s32 $0x2600;
	s18 =	simm.s32 $0x4;
	[sflag:s5] =	ssyncadd.s32 $0xFFFFFFC0  }
0x10d: {  	[tilespmem:s13], [sflag:$0xB] =	stream.indirect.gather [hbm4b:s12+s0], $0x40, s7, s0, $0xb8;
	v63 =	vld [tilespmem:$0x0]  }
0x10e: {  	_ =	swait.ge [sflag:s18], $0x40  }
0x10f: {  	[sflag:s18] =	ssyncset.done $0x0  }
0x110: {  	[sflag:s18] =	ssyncadd.s32 $0xFFFFFFC0  }
0x111: {  	_ =	swait.ge [sflag:s18], $0x40  }
0x112: {  	[sflag:s18] =	ssyncset.done $0x0  }
0x113: {  	[sflag:s18] =	ssyncadd.s32 $0xFFFFFFC0  }
0x114: {  	_ =	swait.ge [sflag:s18], $0x40  }
0x115: {  	s3 =	simm.s32 $0x0;
	[sflag:s18] =	ssyncset.done $0x0  }
0x116: {  	s20 =	simm.s32 $0xC0;
	s25 =	simm.s32 $0x3600;
	[sflag:s18] =	ssyncadd.s32 $0xFFFFFFC0  }
0x117: {  	[tilespmem:s25], [sflag:$0xC] =	stream.indirect.gather [hbm4b:s12+s0], $0x40, s20, s0, $0xb8;
	v63 =	vld [tilespmem:$0x0]  }
.LBB2_4:
0x118: {  	_ =	swait.ge [sflag:s31], $0x40  }
0x119: {  	[sflag:s31] =	ssyncset.done $0x0  }
0x11a: {  	[sflag:s31] =	ssyncadd.s32 $0xFFFFFFC0  }
0x11b: {  	_ =	swait.ge [sflag:s31], $0x40  }
0x11c: {  	[sflag:s31] =	ssyncset.done $0x0  }
0x11d: {  	[sflag:s31] =	ssyncadd.s32 $0xFFFFFFC0  }
0x11e: {  	_ =	swait.ge [sflag:s31], $0x40  }
0x11f: {  	s5 =	simm.s32 $0x100;
	[sflag:s31] =	ssyncset.done $0x0  }
0x120: {  	s7 =	simm.s32 $0x4600;
	s20 =	simm.s32 $0x9;
	[sflag:s31] =	ssyncadd.s32 $0xFFFFFFC0  }
0x121: {  	[tilespmem:s7], [sflag:$0xD] =	stream.indirect.gather [hbm4b:s12+s0], $0x40, s5, s0, $0xb8;
	v63 =	vld [tilespmem:$0x0]  }
0x122: {  	_ =	swait.ge [sflag:s20], $0x1000  }
0x123: {  	p2 =	seq.s32 s3, $0x0;
	s25 =	simm.s32 $0x0;
	[sflag:s20] =	ssyncset.done $0x0  }
0x124: {  	v1 =	vmov s25;
	s5 =	simm.s32 @!p2 $0x11;
	[sflag:s20] =	ssyncadd.s32 $0xFFFFF000  }
0x125: {  	_ =	swait.ge @!p2 [sflag:s5], $0x2000  }
0x126: {  	[sflag:s5] =	ssyncset.done @!p2 $0x0  }
0x127: {  	s13 =	simm.s32 $0x620;
	[sflag:s5] =	ssyncadd.s32 @!p2 $0xFFFFE000  }
0x128: {  	v2 =	vld [tilespmem:s13+$0xFFFFFFE0]  }
0x129: {  	v1 =	vld.idx.msk [tilespmem:v1+s11+$0x0], $0xffff;
	_ =	sdelay $0x3  }
0x12a: {  	v3 =	vshll.u32 v2, $0x10  }
0x12b: {  	v2 =	vand.u32 $0xFFFF0000, v2;
	v3 =	vmul.f32 v3, v1  }
0x12c: {  	s25 =	simm.s32 $0x8640;
	v2 =	vmul.f32 v2, v1  }
0x12d: {  	[tilespmem:s25+$0xFFFFFFC0] =	vst v3  }
0x12e: {  	[tilespmem:s25+$0xFFFFFFD0] =	vst v2  }
0x12f: {  	v2 =	vld [tilespmem:s13+$0xFFFFFFF0];
	_ =	sdelay $0x4  }
0x130: {  	v3 =	vshll.u32 v2, $0x10  }
0x131: {  	v2 =	vand.u32 $0xFFFF0000, v2;
	v3 =	vmul.f32 v3, v1  }
0x132: {  	v2 =	vmul.f32 v2, v1  }
0x133: {  	[tilespmem:s25+$0xFFFFFFE0] =	vst v3  }
0x134: {  	[tilespmem:s25+$0xFFFFFFF0] =	vst v2  }
0x135: {  	v2 =	vld [tilespmem:s13+$0x0];
	_ =	sdelay $0x4  }
0x136: {  	v3 =	vshll.u32 v2, $0x10  }
0x137: {  	v2 =	vand.u32 $0xFFFF0000, v2;
	v3 =	vmul.f32 v3, v1  }
0x138: {  	v2 =	vmul.f32 v2, v1  }
0x139: {  	[tilespmem:s25+$0x0] =	vst v3  }
0x13a: {  	[tilespmem:s25+$0x10] =	vst v2  }
0x13b: {  	s18 =	sshll.u32 s3, $0x9;
	s20 =	simm.s32 $0x1;
	s5 =	simm.s32 $0x8640;
	v2 =	vld [tilespmem:s13+$0x10]  }
.LBB2_5:
0x13c: {  	_ =	sdelay $0x3  }
0x13d: {  	p3 =	sne.s32 s20, $0x3F;
	s25 =	sadd.s32 $0x80, s25;
	s13 =	sadd.s32 $0x40, s13;
	v3 =	vshll.u32 v2, $0x10;
	v2 =	vand.u32 $0xFFFF0000, v2  }
0x13e: {  	v4 =	vmov s20;
	s20 =	sadd.s32 $0x1, s20;
	v3 =	vmul.f32 v3, v1;
	v1 =	vmul.f32 v2, v1;
	_ =	sdelay $0x1  }
0x13f: {  	[tilespmem:s5+$0x20] =	vst v3  }
0x140: {  	[tilespmem:s5+$0x30] =	vst v1;
	s5 =	smov.u32 s25  }
0x141: {  	v2 =	vld [tilespmem:s13+$0xFFFFFFE0]  }
0x142: {  	v1 =	vld.idx.msk [tilespmem:v4+s11+$0x0], $0xffff;
	_ =	sdelay $0x4  }
0x143: {  	v3 =	vshll.u32 v2, $0x10;
	v2 =	vand.u32 $0xFFFF0000, v2  }
0x144: {  	v3 =	vmul.f32 v3, v1;
	v2 =	vmul.f32 v2, v1;
	_ =	sdelay $0x1  }
0x145: {  	[tilespmem:s25+$0xFFFFFFC0] =	vst v3  }
0x146: {  	[tilespmem:s25+$0xFFFFFFD0] =	vst v2  }
0x147: {  	v2 =	vld [tilespmem:s13+$0xFFFFFFF0];
	_ =	sdelay $0x4  }
0x148: {  	v3 =	vshll.u32 v2, $0x10;
	v2 =	vand.u32 $0xFFFF0000, v2  }
0x149: {  	v3 =	vmul.f32 v3, v1;
	v2 =	vmul.f32 v2, v1;
	_ =	sdelay $0x1  }
0x14a: {  	[tilespmem:s25+$0xFFFFFFE0] =	vst v3  }
0x14b: {  	[tilespmem:s25+$0xFFFFFFF0] =	vst v2  }
0x14c: {  	v2 =	vld [tilespmem:s13+$0x0];
	_ =	sdelay $0x4  }
0x14d: {  	v3 =	vshll.u32 v2, $0x10;
	v2 =	vand.u32 $0xFFFF0000, v2  }
.Ltmp3:
0x14e: {  	v3 =	vmul.f32 v3, v1;
	v2 =	vmul.f32 v2, v1;
	(pc) =	sbr.rel @p3 .LBB2_5-.Ltmp3, $4  }
0x14f: {  	_ = 	snop  }
0x150: {  	[tilespmem:s25+$0x0] =	vst v3  }
0x151: {  	[tilespmem:s25+$0x10] =	vst v2  }
0x152: {  	v2 =	vld [tilespmem:s13+$0x10]  }
0x153: {  	_ =	sdelay $0x3  }
0x154: {  	v3 =	vshll.u32 v2, $0x10  }
0x155: {  	s13 =	sld [smem:$0x7EB];
	v2 =	vand.u32 $0xFFFF0000, v2;
	v3 =	vmul.f32 v3, v1  }
0x156: {  	v1 =	vmul.f32 v2, v1  }
0x157: {  	[tilespmem:s5+$0x20] =	vst v3  }
0x158: {  	s7 =	simm.s32 $0x200;
	[tilespmem:s5+$0x30] =	vst v1;
	s5 =	sadd.s32 s18, s13  }
0x159: {  	[spmem:s14] =	stream.indirect.scatter.add.f32 [tilespmem:s29], [sflag:$0x11], $0x80, s7, s0, $0xb8;
	v63 =	vld [tilespmem:$0x0]  }
0x15a: {  	s5 =	sshrl.u32 s5, $0x3  }
0x15b: {  	s7 =	simm.s32 $0x180;
	s13 =	sadd.s32 s1, s5  }
0x15c: {  	[tilespmem:s7], [sflag:$0x7] =	stream.linear.gather [hbm4b:s13+s2], $0x40, $0x38;
	v63 =	vld [tilespmem:$0x0]  }
0x15d: {  	s25 =	simm.s32 $0x380;
	s20 =	sadd.s32 s16, s5  }
0x15e: {  	[tilespmem:s25], [sflag:$0x7] =	stream.linear.gather [hbm4b:s20+s2], $0x40, $0x38;
	v63 =	vld [tilespmem:$0x0]  }
0x15f: {  	s5 =	sadd.s32 s17, s5  }
0x160: {  	[tilespmem:s22], [sflag:$0x7] =	stream.linear.gather [hbm4b:s5+s2], $0x40, $0x38;
	v63 =	vld [tilespmem:$0x0]  }
0x161: {  	_ =	swait.ge [sflag:s23], $0x40  }
0x162: {  	[sflag:s23] =	ssyncset.done $0x0  }
0x163: {  	[sflag:s23] =	ssyncadd.s32 $0xFFFFFFC0  }
0x164: {  	_ =	swait.ge [sflag:s23], $0x40  }
0x165: {  	[sflag:s23] =	ssyncset.done $0x0  }
0x166: {  	[sflag:s23] =	ssyncadd.s32 $0xFFFFFFC0  }
0x167: {  	_ =	swait.ge [sflag:s23], $0x40  }
0x168: {  	s7 =	simm.s32 $0x140;
	[sflag:s23] =	ssyncset.done $0x0  }
0x169: {  	s13 =	simm.s32 $0x5600;
	s20 =	simm.s32 $0xA;
	[sflag:s23] =	ssyncadd.s32 $0xFFFFFFC0  }
0x16a: {  	[tilespmem:s13], [sflag:$0xE] =	stream.indirect.gather [hbm4b:s12+s0], $0x40, s7, s0, $0xb8;
	v63 =	vld [tilespmem:$0x0]  }
0x16b: {  	_ =	swait.ge [sflag:s20], $0x1000  }
0x16c: {  	s25 =	simm.s32 $0x0;
	[sflag:s20] =	ssyncset.done $0x0  }
0x16d: {  	v1 =	vmov s25;
	s13 =	simm.s32 @!p2 $0x12;
	[sflag:s20] =	ssyncadd.s32 $0xFFFFF000  }
0x16e: {  	_ =	swait.ge @!p2 [sflag:s13], $0x2000  }
0x16f: {  	[sflag:s13] =	ssyncset.done @!p2 $0x0  }
0x170: {  	[sflag:s13] =	ssyncadd.s32 @!p2 $0xFFFFE000;
	s13 =	simm.s32 $0x1630  }
0x171: {  	v2 =	vld [tilespmem:s13+$0xFFFFFFD0]  }
0x172: {  	v1 =	vld.idx.msk [tilespmem:v1+s4+$0x0], $0xffff;
	_ =	sdelay $0x3  }
0x173: {  	v3 =	vshll.u32 v2, $0x10  }
0x174: {  	v2 =	vand.u32 $0xFFFF0000, v2;
	v3 =	vmul.f32 v3, v1  }
0x175: {  	s25 =	simm.s32 $0xA670;
	v2 =	vmul.f32 v2, v1  }
0x176: {  	[tilespmem:s25+$0xFFFFFF90] =	vst v3  }
0x177: {  	[tilespmem:s25+$0xFFFFFFA0] =	vst v2  }
0x178: {  	v2 =	vld [tilespmem:s13+$0xFFFFFFE0];
	_ =	sdelay $0x4  }
0x179: {  	v3 =	vshll.u32 v2, $0x10  }
0x17a: {  	v2 =	vand.u32 $0xFFFF0000, v2;
	v3 =	vmul.f32 v3, v1  }
0x17b: {  	v2 =	vmul.f32 v2, v1  }
0x17c: {  	[tilespmem:s25+$0xFFFFFFB0] =	vst v3  }
0x17d: {  	[tilespmem:s25+$0xFFFFFFC0] =	vst v2  }
0x17e: {  	v2 =	vld [tilespmem:s13+$0xFFFFFFF0];
	_ =	sdelay $0x4  }
0x17f: {  	v3 =	vshll.u32 v2, $0x10  }
0x180: {  	v2 =	vand.u32 $0xFFFF0000, v2;
	v3 =	vmul.f32 v3, v1  }
0x181: {  	v2 =	vmul.f32 v2, v1  }
0x182: {  	[tilespmem:s25+$0xFFFFFFD0] =	vst v3  }
0x183: {  	[tilespmem:s25+$0xFFFFFFE0] =	vst v2  }
0x184: {  	s5 =	simm.s32 $0xA670;
	s20 =	simm.s32 $0x1;
	v2 =	vld [tilespmem:s13+$0x0]  }
.LBB2_7:
0x185: {  	_ =	sdelay $0x3  }
0x186: {  	p2 =	sne.s32 s20, $0x3F;
	s25 =	sadd.s32 $0x80, s25;
	s13 =	sadd.s32 $0x40, s13;
	v3 =	vshll.u32 v2, $0x10;
	v2 =	vand.u32 $0xFFFF0000, v2  }
0x187: {  	v4 =	vmov s20;
	s20 =	sadd.s32 $0x1, s20;
	v3 =	vmul.f32 v3, v1;
	v1 =	vmul.f32 v2, v1;
	_ =	sdelay $0x1  }
0x188: {  	[tilespmem:s5+$0xFFFFFFF0] =	vst v3  }
0x189: {  	[tilespmem:s5+$0x0] =	vst v1;
	s5 =	smov.u32 s25  }
0x18a: {  	v2 =	vld [tilespmem:s13+$0xFFFFFFD0]  }
0x18b: {  	v1 =	vld.idx.msk [tilespmem:v4+s4+$0x0], $0xffff;
	_ =	sdelay $0x4  }
0x18c: {  	v3 =	vshll.u32 v2, $0x10;
	v2 =	vand.u32 $0xFFFF0000, v2  }
0x18d: {  	v3 =	vmul.f32 v3, v1;
	v2 =	vmul.f32 v2, v1;
	_ =	sdelay $0x1  }
0x18e: {  	[tilespmem:s25+$0xFFFFFF90] =	vst v3  }
0x18f: {  	[tilespmem:s25+$0xFFFFFFA0] =	vst v2  }
0x190: {  	v2 =	vld [tilespmem:s13+$0xFFFFFFE0];
	_ =	sdelay $0x4  }
0x191: {  	v3 =	vshll.u32 v2, $0x10;
	v2 =	vand.u32 $0xFFFF0000, v2  }
0x192: {  	v3 =	vmul.f32 v3, v1;
	v2 =	vmul.f32 v2, v1;
	_ =	sdelay $0x1  }
0x193: {  	[tilespmem:s25+$0xFFFFFFB0] =	vst v3  }
0x194: {  	[tilespmem:s25+$0xFFFFFFC0] =	vst v2  }
0x195: {  	v2 =	vld [tilespmem:s13+$0xFFFFFFF0];
	_ =	sdelay $0x4  }
0x196: {  	v3 =	vshll.u32 v2, $0x10;
	v2 =	vand.u32 $0xFFFF0000, v2  }
.Ltmp4:
0x197: {  	v3 =	vmul.f32 v3, v1;
	v2 =	vmul.f32 v2, v1;
	(pc) =	sbr.rel @p2 .LBB2_7-.Ltmp4, $4  }
0x198: {  	_ = 	snop  }
0x199: {  	[tilespmem:s25+$0xFFFFFFD0] =	vst v3  }
0x19a: {  	[tilespmem:s25+$0xFFFFFFE0] =	vst v2  }
0x19b: {  	v2 =	vld [tilespmem:s13+$0x0]  }
0x19c: {  	_ =	sdelay $0x3  }
0x19d: {  	v3 =	vshll.u32 v2, $0x10  }
0x19e: {  	s25 =	sld [smem:$0x7EC];
	v2 =	vand.u32 $0xFFFF0000, v2;
	v3 =	vmul.f32 v3, v1  }
0x19f: {  	v1 =	vmul.f32 v2, v1  }
0x1a0: {  	[tilespmem:s5+$0xFFFFFFF0] =	vst v3  }
0x1a1: {  	s20 =	simm.s32 $0x240;
	[tilespmem:s5+$0x0] =	vst v1;
	s5 =	sadd.s32 s18, s25  }
0x1a2: {  	[spmem:s14] =	stream.indirect.scatter.add.f32 [tilespmem:s6], [sflag:$0x12], $0x80, s20, s0, $0xb8;
	v63 =	vld [tilespmem:$0x0]  }
0x1a3: {  	s5 =	sshrl.u32 s5, $0x3  }
0x1a4: {  	s7 =	simm.s32 $0x1C0;
	s20 =	simm.s32 $0x0;
	s13 =	sadd.s32 s1, s5  }
0x1a5: {  	[tilespmem:s7], [sflag:$0x8] =	stream.linear.gather [hbm4b:s13+s20], $0x40, $0x38;
	v63 =	vld [tilespmem:$0x0]  }
0x1a6: {  	s25 =	simm.s32 $0x3C0;
	s7 =	sadd.s32 s16, s5  }
0x1a7: {  	[tilespmem:s25], [sflag:$0x8] =	stream.linear.gather [hbm4b:s7+s20], $0x40, $0x38;
	v63 =	vld [tilespmem:$0x0]  }
0x1a8: {  	s5 =	sadd.s32 s17, s5  }
0x1a9: {  	[tilespmem:s9], [sflag:$0x8] =	stream.linear.gather [hbm4b:s5+s20], $0x40, $0x38;
	v63 =	vld [tilespmem:$0x0]  }
0x1aa: {  	_ =	swait.ge [sflag:s10], $0x40  }
0x1ab: {  	[sflag:s10] =	ssyncset.done $0x0  }
0x1ac: {  	[sflag:s10] =	ssyncadd.s32 $0xFFFFFFC0  }
0x1ad: {  	_ =	swait.ge [sflag:s10], $0x40  }
0x1ae: {  	[sflag:s10] =	ssyncset.done $0x0  }
0x1af: {  	[sflag:s10] =	ssyncadd.s32 $0xFFFFFFC0  }
0x1b0: {  	_ =	swait.ge [sflag:s10], $0x40  }
0x1b1: {  	s13 =	simm.s32 $0x6600;
	[sflag:s10] =	ssyncset.done $0x0  }
0x1b2: {  	s7 =	simm.s32 $0x180;
	s25 =	simm.s32 $0xB;
	[sflag:s10] =	ssyncadd.s32 $0xFFFFFFC0  }
0x1b3: {  	[tilespmem:s13], [sflag:$0xF] =	stream.indirect.gather [hbm4b:s12+s0], $0x40, s7, s0, $0xb8;
	v63 =	vld [tilespmem:$0x0]  }
0x1b4: {  	_ =	swait.ge [sflag:s25], $0x1000  }
0x1b5: {  	[sflag:s25] =	ssyncset.done $0x0  }
0x1b6: {  	v1 =	vmov s20;
	[sflag:s25] =	ssyncadd.s32 $0xFFFFF000  }
0x1b7: {  	_ =	swait.ge [sflag:s30], $0x2000  }
0x1b8: {  	[sflag:s30] =	ssyncset.done $0x0  }
0x1b9: {  	s13 =	simm.s32 $0x2630;
	[sflag:s30] =	ssyncadd.s32 $0xFFFFE000  }
0x1ba: {  	v2 =	vld [tilespmem:s13+$0xFFFFFFD0]  }
0x1bb: {  	v1 =	vld.idx.msk [tilespmem:v1+s19+$0x0], $0xffff;
	_ =	sdelay $0x3  }
0x1bc: {  	v3 =	vshll.u32 v2, $0x10  }
0x1bd: {  	v2 =	vand.u32 $0xFFFF0000, v2;
	v3 =	vmul.f32 v3, v1  }
0x1be: {  	s25 =	simm.s32 $0x8640;
	v2 =	vmul.f32 v2, v1  }
0x1bf: {  	[tilespmem:s25+$0xFFFFFFC0] =	vst v3  }
0x1c0: {  	[tilespmem:s25+$0xFFFFFFD0] =	vst v2  }
0x1c1: {  	v2 =	vld [tilespmem:s13+$0xFFFFFFE0];
	_ =	sdelay $0x4  }
0x1c2: {  	v3 =	vshll.u32 v2, $0x10  }
0x1c3: {  	v2 =	vand.u32 $0xFFFF0000, v2;
	v3 =	vmul.f32 v3, v1  }
0x1c4: {  	v2 =	vmul.f32 v2, v1  }
0x1c5: {  	[tilespmem:s25+$0xFFFFFFE0] =	vst v3  }
0x1c6: {  	[tilespmem:s25+$0xFFFFFFF0] =	vst v2  }
0x1c7: {  	v2 =	vld [tilespmem:s13+$0xFFFFFFF0];
	_ =	sdelay $0x4  }
0x1c8: {  	v3 =	vshll.u32 v2, $0x10  }
0x1c9: {  	v2 =	vand.u32 $0xFFFF0000, v2;
	v3 =	vmul.f32 v3, v1  }
0x1ca: {  	v2 =	vmul.f32 v2, v1  }
0x1cb: {  	[tilespmem:s25+$0x0] =	vst v3  }
0x1cc: {  	[tilespmem:s25+$0x10] =	vst v2  }
0x1cd: {  	s20 =	simm.s32 $0x1;
	s5 =	simm.s32 $0x8640;
	v2 =	vld [tilespmem:s13+$0x0]  }
.LBB2_9:
0x1ce: {  	_ =	sdelay $0x3  }
0x1cf: {  	p2 =	sne.s32 s20, $0x3F;
	s25 =	sadd.s32 $0x80, s25;
	s13 =	sadd.s32 $0x40, s13;
	v3 =	vshll.u32 v2, $0x10;
	v2 =	vand.u32 $0xFFFF0000, v2  }
0x1d0: {  	v4 =	vmov s20;
	s20 =	sadd.s32 $0x1, s20;
	v3 =	vmul.f32 v3, v1;
	v1 =	vmul.f32 v2, v1;
	_ =	sdelay $0x1  }
0x1d1: {  	[tilespmem:s5+$0x20] =	vst v3  }
0x1d2: {  	[tilespmem:s5+$0x30] =	vst v1;
	s5 =	smov.u32 s25  }
0x1d3: {  	v2 =	vld [tilespmem:s13+$0xFFFFFFD0]  }
0x1d4: {  	v1 =	vld.idx.msk [tilespmem:v4+s19+$0x0], $0xffff;
	_ =	sdelay $0x4  }
0x1d5: {  	v3 =	vshll.u32 v2, $0x10;
	v2 =	vand.u32 $0xFFFF0000, v2  }
0x1d6: {  	v3 =	vmul.f32 v3, v1;
	v2 =	vmul.f32 v2, v1;
	_ =	sdelay $0x1  }
0x1d7: {  	[tilespmem:s25+$0xFFFFFFC0] =	vst v3  }
0x1d8: {  	[tilespmem:s25+$0xFFFFFFD0] =	vst v2  }
0x1d9: {  	v2 =	vld [tilespmem:s13+$0xFFFFFFE0];
	_ =	sdelay $0x4  }
0x1da: {  	v3 =	vshll.u32 v2, $0x10;
	v2 =	vand.u32 $0xFFFF0000, v2  }
0x1db: {  	v3 =	vmul.f32 v3, v1;
	v2 =	vmul.f32 v2, v1;
	_ =	sdelay $0x1  }
0x1dc: {  	[tilespmem:s25+$0xFFFFFFE0] =	vst v3  }
0x1dd: {  	[tilespmem:s25+$0xFFFFFFF0] =	vst v2  }
0x1de: {  	v2 =	vld [tilespmem:s13+$0xFFFFFFF0];
	_ =	sdelay $0x4  }
0x1df: {  	v3 =	vshll.u32 v2, $0x10;
	v2 =	vand.u32 $0xFFFF0000, v2  }
.Ltmp5:
0x1e0: {  	v3 =	vmul.f32 v3, v1;
	v2 =	vmul.f32 v2, v1;
	(pc) =	sbr.rel @p2 .LBB2_9-.Ltmp5, $4  }
0x1e1: {  	_ = 	snop  }
0x1e2: {  	[tilespmem:s25+$0x0] =	vst v3  }
0x1e3: {  	[tilespmem:s25+$0x10] =	vst v2  }
0x1e4: {  	v2 =	vld [tilespmem:s13+$0x0]  }
0x1e5: {  	_ =	sdelay $0x3  }
0x1e6: {  	v3 =	vshll.u32 v2, $0x10  }
0x1e7: {  	v2 =	vand.u32 $0xFFFF0000, v2;
	v3 =	vmul.f32 v3, v1  }
0x1e8: {  	v1 =	vmul.f32 v2, v1  }
0x1e9: {  	[tilespmem:s5+$0x20] =	vst v3  }
0x1ea: {  	[tilespmem:s5+$0x30] =	vst v1;
	s5 =	sld [smem:$0x7ED]  }
0x1eb: {  	s7 =	simm.s32 $0x280;
	p2 =	seq.s32 s3, $0x13  }
0x1ec: {  	[spmem:s14] =	stream.indirect.scatter.add.f32 [tilespmem:s29], [sflag:$0x11], $0x80, s7, s0, $0xb8;
	v63 =	vld [tilespmem:$0x0]  }
0x1ed: {  	s5 =	sadd.s32 @!p2 s18, s5  }
0x1ee: {  	s5 =	sshrl.u32 @!p2 s5, $0x3  }
0x1ef: {  	s20 =	simm.s32 @!p2 $0x0;
	s13 =	sadd.s32 @!p2 s1, s5  }
0x1f0: {  	[tilespmem:s20], [sflag:$0x1] =	stream.linear.gather @!p2 [hbm4b:s13+s20], $0x40, $0x38;
	v63 =	vld [tilespmem:$0x0]  }
0x1f1: {  	s25 =	simm.s32 @!p2 $0x200;
	s13 =	sadd.s32 @!p2 s16, s5  }
0x1f2: {  	[tilespmem:s25], [sflag:$0x1] =	stream.linear.gather @!p2 [hbm4b:s13+s20], $0x40, $0x38;
	v63 =	vld [tilespmem:$0x0]  }
0x1f3: {  	s5 =	sadd.s32 @!p2 s17, s5;
	s13 =	simm.s32 @!p2 $0x400  }
0x1f4: {  	[tilespmem:s13], [sflag:$0x1] =	stream.linear.gather @!p2 [hbm4b:s5+s20], $0x40, $0x38;
	v63 =	vld [tilespmem:$0x0]  }
0x1f5: {  	_ =	swait.ge [sflag:s15], $0x40  }
0x1f6: {  	[sflag:s15] =	ssyncset.done $0x0  }
0x1f7: {  	[sflag:s15] =	ssyncadd.s32 $0xFFFFFFC0  }
0x1f8: {  	_ =	swait.ge [sflag:s15], $0x40  }
0x1f9: {  	[sflag:s15] =	ssyncset.done $0x0  }
0x1fa: {  	[sflag:s15] =	ssyncadd.s32 $0xFFFFFFC0  }
0x1fb: {  	_ =	swait.ge [sflag:s15], $0x40  }
0x1fc: {  	s7 =	simm.s32 $0x7600;
	[sflag:s15] =	ssyncset.done $0x0  }
0x1fd: {  	s13 =	simm.s32 $0x1C0;
	s20 =	simm.s32 $0xC;
	[sflag:s15] =	ssyncadd.s32 $0xFFFFFFC0  }
0x1fe: {  	[tilespmem:s7], [sflag:$0x10] =	stream.indirect.gather [hbm4b:s12+s0], $0x40, s13, s0, $0xb8;
	v63 =	vld [tilespmem:$0x0]  }
0x1ff: {  	_ =	swait.ge [sflag:s20], $0x1000  }
0x200: {  	s25 =	simm.s32 $0x0;
	[sflag:s20] =	ssyncset.done $0x0  }
0x201: {  	v1 =	vmov s25;
	[sflag:s20] =	ssyncadd.s32 $0xFFFFF000  }
0x202: {  	_ =	swait.ge [sflag:s26], $0x2000  }
0x203: {  	[sflag:s26] =	ssyncset.done $0x0  }
0x204: {  	s13 =	simm.s32 $0x3630;
	[sflag:s26] =	ssyncadd.s32 $0xFFFFE000  }
0x205: {  	v2 =	vld [tilespmem:s13+$0xFFFFFFD0]  }
0x206: {  	v1 =	vld.idx.msk [tilespmem:v1+s21+$0x0], $0xffff;
	_ =	sdelay $0x3  }
0x207: {  	v3 =	vshll.u32 v2, $0x10  }
0x208: {  	v2 =	vand.u32 $0xFFFF0000, v2;
	v3 =	vmul.f32 v3, v1  }
0x209: {  	s25 =	simm.s32 $0xA670;
	v2 =	vmul.f32 v2, v1  }
0x20a: {  	[tilespmem:s25+$0xFFFFFF90] =	vst v3  }
0x20b: {  	[tilespmem:s25+$0xFFFFFFA0] =	vst v2  }
0x20c: {  	v2 =	vld [tilespmem:s13+$0xFFFFFFE0];
	_ =	sdelay $0x4  }
0x20d: {  	v3 =	vshll.u32 v2, $0x10  }
0x20e: {  	v2 =	vand.u32 $0xFFFF0000, v2;
	v3 =	vmul.f32 v3, v1  }
0x20f: {  	v2 =	vmul.f32 v2, v1  }
0x210: {  	[tilespmem:s25+$0xFFFFFFB0] =	vst v3  }
0x211: {  	[tilespmem:s25+$0xFFFFFFC0] =	vst v2  }
0x212: {  	v2 =	vld [tilespmem:s13+$0xFFFFFFF0];
	_ =	sdelay $0x4  }
0x213: {  	v3 =	vshll.u32 v2, $0x10  }
0x214: {  	v2 =	vand.u32 $0xFFFF0000, v2;
	v3 =	vmul.f32 v3, v1  }
0x215: {  	v2 =	vmul.f32 v2, v1  }
0x216: {  	[tilespmem:s25+$0xFFFFFFD0] =	vst v3  }
0x217: {  	[tilespmem:s25+$0xFFFFFFE0] =	vst v2  }
0x218: {  	s5 =	simm.s32 $0xA670;
	s20 =	simm.s32 $0x1;
	v2 =	vld [tilespmem:s13+$0x0]  }
.LBB2_11:
0x219: {  	_ =	sdelay $0x3  }
0x21a: {  	p3 =	sne.s32 s20, $0x3F;
	s25 =	sadd.s32 $0x80, s25;
	s13 =	sadd.s32 $0x40, s13;
	v3 =	vshll.u32 v2, $0x10;
	v2 =	vand.u32 $0xFFFF0000, v2  }
0x21b: {  	v4 =	vmov s20;
	s20 =	sadd.s32 $0x1, s20;
	v3 =	vmul.f32 v3, v1;
	v1 =	vmul.f32 v2, v1;
	_ =	sdelay $0x1  }
0x21c: {  	[tilespmem:s5+$0xFFFFFFF0] =	vst v3  }
0x21d: {  	[tilespmem:s5+$0x0] =	vst v1;
	s5 =	smov.u32 s25  }
0x21e: {  	v2 =	vld [tilespmem:s13+$0xFFFFFFD0]  }
0x21f: {  	v1 =	vld.idx.msk [tilespmem:v4+s21+$0x0], $0xffff;
	_ =	sdelay $0x4  }
0x220: {  	v3 =	vshll.u32 v2, $0x10;
	v2 =	vand.u32 $0xFFFF0000, v2  }
0x221: {  	v3 =	vmul.f32 v3, v1;
	v2 =	vmul.f32 v2, v1;
	_ =	sdelay $0x1  }
0x222: {  	[tilespmem:s25+$0xFFFFFF90] =	vst v3  }
0x223: {  	[tilespmem:s25+$0xFFFFFFA0] =	vst v2  }
0x224: {  	v2 =	vld [tilespmem:s13+$0xFFFFFFE0];
	_ =	sdelay $0x4  }
0x225: {  	v3 =	vshll.u32 v2, $0x10;
	v2 =	vand.u32 $0xFFFF0000, v2  }
0x226: {  	v3 =	vmul.f32 v3, v1;
	v2 =	vmul.f32 v2, v1;
	_ =	sdelay $0x1  }
0x227: {  	[tilespmem:s25+$0xFFFFFFB0] =	vst v3  }
0x228: {  	[tilespmem:s25+$0xFFFFFFC0] =	vst v2  }
0x229: {  	v2 =	vld [tilespmem:s13+$0xFFFFFFF0];
	_ =	sdelay $0x4  }
0x22a: {  	v3 =	vshll.u32 v2, $0x10;
	v2 =	vand.u32 $0xFFFF0000, v2  }
.Ltmp6:
0x22b: {  	v3 =	vmul.f32 v3, v1;
	v2 =	vmul.f32 v2, v1;
	(pc) =	sbr.rel @p3 .LBB2_11-.Ltmp6, $4  }
0x22c: {  	_ = 	snop  }
0x22d: {  	[tilespmem:s25+$0xFFFFFFD0] =	vst v3  }
0x22e: {  	[tilespmem:s25+$0xFFFFFFE0] =	vst v2  }
0x22f: {  	v2 =	vld [tilespmem:s13+$0x0]  }
0x230: {  	_ =	sdelay $0x3  }
0x231: {  	v3 =	vshll.u32 v2, $0x10  }
0x232: {  	v2 =	vand.u32 $0xFFFF0000, v2;
	v3 =	vmul.f32 v3, v1  }
0x233: {  	v1 =	vmul.f32 v2, v1  }
0x234: {  	[tilespmem:s5+$0xFFFFFFF0] =	vst v3  }
0x235: {  	[tilespmem:s5+$0x0] =	vst v1;
	s5 =	sld [smem:$0x7EE]  }
0x236: {  	s20 =	simm.s32 $0x2C0  }
0x237: {  	[spmem:s14] =	stream.indirect.scatter.add.f32 [tilespmem:s6], [sflag:$0x12], $0x80, s20, s0, $0xb8;
	v63 =	vld [tilespmem:$0x0]  }
0x238: {  	s5 =	sadd.s32 @!p2 s18, s5  }
0x239: {  	s5 =	sshrl.u32 @!p2 s5, $0x3  }
0x23a: {  	s25 =	simm.s32 @!p2 $0x40;
	s20 =	simm.s32 @!p2 $0x0;
	s13 =	sadd.s32 @!p2 s1, s5  }
0x23b: {  	[tilespmem:s25], [sflag:$0x2] =	stream.linear.gather @!p2 [hbm4b:s13+s20], $0x40, $0x38;
	v63 =	vld [tilespmem:$0x0]  }
0x23c: {  	s7 =	simm.s32 @!p2 $0x240;
	s13 =	sadd.s32 @!p2 s16, s5  }
0x23d: {  	[tilespmem:s7], [sflag:$0x2] =	stream.linear.gather @!p2 [hbm4b:s13+s20], $0x40, $0x38;
	v63 =	vld [tilespmem:$0x0]  }
0x23e: {  	s5 =	sadd.s32 @!p2 s17, s5;
	s7 =	simm.s32 @!p2 $0x440  }
0x23f: {  	[tilespmem:s7], [sflag:$0x2] =	stream.linear.gather @!p2 [hbm4b:s5+s20], $0x40, $0x38;
	v63 =	vld [tilespmem:$0x0]  }
0x240: {  	s5 =	simm.s32 @!p2 $0x1  }
0x241: {  	_ =	swait.ge @!p2 [sflag:s5], $0x40  }
0x242: {  	[sflag:s5] =	ssyncset.done @!p2 $0x0  }
0x243: {  	[sflag:s5] =	ssyncadd.s32 @!p2 $0xFFFFFFC0  }
0x244: {  	_ =	swait.ge @!p2 [sflag:s5], $0x40  }
0x245: {  	[sflag:s5] =	ssyncset.done @!p2 $0x0  }
0x246: {  	[sflag:s5] =	ssyncadd.s32 @!p2 $0xFFFFFFC0  }
0x247: {  	_ =	swait.ge @!p2 [sflag:s5], $0x40  }
0x248: {  	[sflag:s5] =	ssyncset.done @!p2 $0x0  }
0x249: {  	[sflag:s5] =	ssyncadd.s32 @!p2 $0xFFFFFFC0;
	s5 =	simm.s32 @!p2 $0x600  }
0x24a: {  	[tilespmem:s5], [sflag:$0x9] =	stream.indirect.gather @!p2 [hbm4b:s12+s25], $0x40, s20, s25, $0xb8;
	v63 =	vld [tilespmem:$0x0]  }
0x24b: {  	s25 =	simm.s32 $0xD  }
0x24c: {  	_ =	swait.ge [sflag:s25], $0x1000  }
0x24d: {  	s13 =	simm.s32 $0x0;
	[sflag:s25] =	ssyncset.done $0x0  }
0x24e: {  	v1 =	vmov s13;
	[sflag:s25] =	ssyncadd.s32 $0xFFFFF000  }
0x24f: {  	_ =	swait.ge [sflag:s30], $0x2000  }
0x250: {  	[sflag:s30] =	ssyncset.done $0x0  }
0x251: {  	s7 =	simm.s32 $0x0;
	[sflag:s30] =	ssyncadd.s32 $0xFFFFE000  }
0x252: {  	v2 =	vld [tilespmem:s7+$0x4600]  }
0x253: {  	v1 =	vld.idx.msk [tilespmem:v1+s24+$0x0], $0xffff;
	_ =	sdelay $0x3  }
0x254: {  	v3 =	vshll.u32 v2, $0x10  }
0x255: {  	v2 =	vand.u32 $0xFFFF0000, v2;
	v3 =	vmul.f32 v3, v1  }
0x256: {  	s25 =	simm.s32 $0x8640;
	v2 =	vmul.f32 v2, v1  }
0x257: {  	[tilespmem:s25+$0xFFFFFFC0] =	vst v3  }
0x258: {  	[tilespmem:s25+$0xFFFFFFD0] =	vst v2  }
0x259: {  	v2 =	vld [tilespmem:s7+$0x4610];
	_ =	sdelay $0x4  }
0x25a: {  	v3 =	vshll.u32 v2, $0x10  }
0x25b: {  	v2 =	vand.u32 $0xFFFF0000, v2;
	v3 =	vmul.f32 v3, v1  }
0x25c: {  	v2 =	vmul.f32 v2, v1  }
0x25d: {  	[tilespmem:s25+$0xFFFFFFE0] =	vst v3  }
0x25e: {  	[tilespmem:s25+$0xFFFFFFF0] =	vst v2  }
0x25f: {  	v2 =	vld [tilespmem:s7+$0x4620];
	_ =	sdelay $0x4  }
0x260: {  	v3 =	vshll.u32 v2, $0x10  }
0x261: {  	v2 =	vand.u32 $0xFFFF0000, v2;
	v3 =	vmul.f32 v3, v1  }
0x262: {  	v2 =	vmul.f32 v2, v1  }
0x263: {  	[tilespmem:s25+$0x0] =	vst v3  }
0x264: {  	[tilespmem:s25+$0x10] =	vst v2  }
0x265: {  	s20 =	simm.s32 $0x100;
	s5 =	simm.s32 $0x8640;
	v2 =	vld [tilespmem:s7+$0x4630]  }
.LBB2_13:
0x266: {  	_ =	sdelay $0x3  }
0x267: {  	p3 =	sne.s32 s20, $0x3F00;
	s13 =	sadd.s32 $0x1, s13;
	s25 =	sadd.s32 $0x80, s25;
	v3 =	vshll.u32 v2, $0x10;
	v2 =	vand.u32 $0xFFFF0000, v2  }
0x268: {  	s7 =	smov.u32 s20;
	s20 =	sadd.s32 $0x100, s20;
	v4 =	vmov s13;
	v3 =	vmul.f32 v3, v1;
	v1 =	vmul.f32 v2, v1;
	_ =	sdelay $0x1  }
0x269: {  	[tilespmem:s5+$0x20] =	vst v3  }
0x26a: {  	s7 =	sshra.s32 s7, $0x2;
	[tilespmem:s5+$0x30] =	vst v1;
	s5 =	smov.u32 s25  }
0x26b: {  	v2 =	vld [tilespmem:s7+$0x4600]  }
0x26c: {  	v1 =	vld.idx.msk [tilespmem:v4+s24+$0x0], $0xffff;
	_ =	sdelay $0x4  }
0x26d: {  	v3 =	vshll.u32 v2, $0x10;
	v2 =	vand.u32 $0xFFFF0000, v2  }
0x26e: {  	v3 =	vmul.f32 v3, v1;
	v2 =	vmul.f32 v2, v1;
	_ =	sdelay $0x1  }
0x26f: {  	[tilespmem:s25+$0xFFFFFFC0] =	vst v3  }
0x270: {  	[tilespmem:s25+$0xFFFFFFD0] =	vst v2  }
0x271: {  	v2 =	vld [tilespmem:s7+$0x4610];
	_ =	sdelay $0x4  }
0x272: {  	v3 =	vshll.u32 v2, $0x10;
	v2 =	vand.u32 $0xFFFF0000, v2  }
0x273: {  	v3 =	vmul.f32 v3, v1;
	v2 =	vmul.f32 v2, v1;
	_ =	sdelay $0x1  }
0x274: {  	[tilespmem:s25+$0xFFFFFFE0] =	vst v3  }
0x275: {  	[tilespmem:s25+$0xFFFFFFF0] =	vst v2  }
0x276: {  	v2 =	vld [tilespmem:s7+$0x4620];
	_ =	sdelay $0x4  }
0x277: {  	v3 =	vshll.u32 v2, $0x10;
	v2 =	vand.u32 $0xFFFF0000, v2  }
.Ltmp7:
0x278: {  	v3 =	vmul.f32 v3, v1;
	v2 =	vmul.f32 v2, v1;
	(pc) =	sbr.rel @p3 .LBB2_13-.Ltmp7, $4  }
0x279: {  	_ = 	snop  }
0x27a: {  	[tilespmem:s25+$0x0] =	vst v3  }
0x27b: {  	[tilespmem:s25+$0x10] =	vst v2  }
0x27c: {  	v2 =	vld [tilespmem:s7+$0x4630]  }
0x27d: {  	_ =	sdelay $0x3  }
0x27e: {  	v3 =	vshll.u32 v2, $0x10  }
0x27f: {  	v2 =	vand.u32 $0xFFFF0000, v2;
	v3 =	vmul.f32 v3, v1  }
0x280: {  	v1 =	vmul.f32 v2, v1  }
0x281: {  	[tilespmem:s5+$0x20] =	vst v3  }
0x282: {  	[tilespmem:s5+$0x30] =	vst v1;
	s5 =	sld [smem:$0x7EF]  }
0x283: {  	s20 =	simm.s32 $0x300  }
0x284: {  	[spmem:s14] =	stream.indirect.scatter.add.f32 [tilespmem:s29], [sflag:$0x11], $0x80, s20, s0, $0xb8;
	v63 =	vld [tilespmem:$0x0]  }
0x285: {  	s5 =	sadd.s32 @!p2 s18, s5  }
0x286: {  	s5 =	sshrl.u32 @!p2 s5, $0x3  }
0x287: {  	s13 =	simm.s32 @!p2 $0x0;
	s20 =	simm.s32 @!p2 $0x80;
	s7 =	sadd.s32 @!p2 s1, s5  }
0x288: {  	[tilespmem:s20], [sflag:$0x3] =	stream.linear.gather @!p2 [hbm4b:s7+s13], $0x40, $0x38;
	v63 =	vld [tilespmem:$0x0]  }
0x289: {  	s7 =	sadd.s32 @!p2 s16, s5;
	s20 =	simm.s32 @!p2 $0x280  }
0x28a: {  	[tilespmem:s20], [sflag:$0x3] =	stream.linear.gather @!p2 [hbm4b:s7+s13], $0x40, $0x38;
	v63 =	vld [tilespmem:$0x0]  }
0x28b: {  	s5 =	sadd.s32 @!p2 s17, s5;
	s7 =	simm.s32 @!p2 $0x480  }
0x28c: {  	[tilespmem:s7], [sflag:$0x3] =	stream.linear.gather @!p2 [hbm4b:s5+s13], $0x40, $0x38;
	v63 =	vld [tilespmem:$0x0]  }
0x28d: {  	s5 =	simm.s32 @!p2 $0x2  }
0x28e: {  	_ =	swait.ge @!p2 [sflag:s5], $0x40  }
0x28f: {  	[sflag:s5] =	ssyncset.done @!p2 $0x0  }
0x290: {  	[sflag:s5] =	ssyncadd.s32 @!p2 $0xFFFFFFC0  }
0x291: {  	_ =	swait.ge @!p2 [sflag:s5], $0x40  }
0x292: {  	[sflag:s5] =	ssyncset.done @!p2 $0x0  }
0x293: {  	[sflag:s5] =	ssyncadd.s32 @!p2 $0xFFFFFFC0  }
0x294: {  	_ =	swait.ge @!p2 [sflag:s5], $0x40  }
0x295: {  	s25 =	simm.s32 $0xE;
	[sflag:s5] =	ssyncset.done @!p2 $0x0  }
0x296: {  	s7 =	simm.s32 @!p2 $0x1600;
	[sflag:s5] =	ssyncadd.s32 @!p2 $0xFFFFFFC0;
	s5 =	simm.s32 @!p2 $0x40  }
0x297: {  	[tilespmem:s7], [sflag:$0xA] =	stream.indirect.gather @!p2 [hbm4b:s12+s5], $0x40, s5, s5, $0xb8;
	v63 =	vld [tilespmem:$0x0]  }
0x298: {  	_ =	swait.ge [sflag:s25], $0x1000  }
0x299: {  	s13 =	simm.s32 $0x0;
	[sflag:s25] =	ssyncset.done $0x0  }
0x29a: {  	v1 =	vmov s13;
	[sflag:s25] =	ssyncadd.s32 $0xFFFFF000  }
0x29b: {  	_ =	swait.ge [sflag:s26], $0x2000  }
0x29c: {  	[sflag:s26] =	ssyncset.done $0x0  }
0x29d: {  	s7 =	simm.s32 $0x0;
	[sflag:s26] =	ssyncadd.s32 $0xFFFFE000  }
0x29e: {  	v2 =	vld [tilespmem:s7+$0x5600]  }
0x29f: {  	v1 =	vld.idx.msk [tilespmem:v1+s28+$0x0], $0xffff;
	_ =	sdelay $0x3  }
0x2a0: {  	v3 =	vshll.u32 v2, $0x10  }
0x2a1: {  	v2 =	vand.u32 $0xFFFF0000, v2;
	v3 =	vmul.f32 v3, v1  }
0x2a2: {  	s25 =	simm.s32 $0xA670;
	v2 =	vmul.f32 v2, v1  }
0x2a3: {  	[tilespmem:s25+$0xFFFFFF90] =	vst v3  }
0x2a4: {  	[tilespmem:s25+$0xFFFFFFA0] =	vst v2  }
0x2a5: {  	v2 =	vld [tilespmem:s7+$0x5610];
	_ =	sdelay $0x4  }
0x2a6: {  	v3 =	vshll.u32 v2, $0x10  }
0x2a7: {  	v2 =	vand.u32 $0xFFFF0000, v2;
	v3 =	vmul.f32 v3, v1  }
0x2a8: {  	v2 =	vmul.f32 v2, v1  }
0x2a9: {  	[tilespmem:s25+$0xFFFFFFB0] =	vst v3  }
0x2aa: {  	[tilespmem:s25+$0xFFFFFFC0] =	vst v2  }
0x2ab: {  	v2 =	vld [tilespmem:s7+$0x5620];
	_ =	sdelay $0x4  }
0x2ac: {  	v3 =	vshll.u32 v2, $0x10  }
0x2ad: {  	v2 =	vand.u32 $0xFFFF0000, v2;
	v3 =	vmul.f32 v3, v1  }
0x2ae: {  	v2 =	vmul.f32 v2, v1  }
0x2af: {  	[tilespmem:s25+$0xFFFFFFD0] =	vst v3  }
0x2b0: {  	[tilespmem:s25+$0xFFFFFFE0] =	vst v2  }
0x2b1: {  	s20 =	simm.s32 $0x100;
	s5 =	simm.s32 $0xA670;
	v2 =	vld [tilespmem:s7+$0x5630]  }
.LBB2_15:
0x2b2: {  	_ =	sdelay $0x3  }
0x2b3: {  	p3 =	sne.s32 s20, $0x3F00;
	s13 =	sadd.s32 $0x1, s13;
	s25 =	sadd.s32 $0x80, s25;
	v3 =	vshll.u32 v2, $0x10;
	v2 =	vand.u32 $0xFFFF0000, v2  }
0x2b4: {  	s7 =	smov.u32 s20;
	s20 =	sadd.s32 $0x100, s20;
	v4 =	vmov s13;
	v3 =	vmul.f32 v3, v1;
	v1 =	vmul.f32 v2, v1;
	_ =	sdelay $0x1  }
0x2b5: {  	[tilespmem:s5+$0xFFFFFFF0] =	vst v3  }
0x2b6: {  	s7 =	sshra.s32 s7, $0x2;
	[tilespmem:s5+$0x0] =	vst v1;
	s5 =	smov.u32 s25  }
0x2b7: {  	v2 =	vld [tilespmem:s7+$0x5600]  }
0x2b8: {  	v1 =	vld.idx.msk [tilespmem:v4+s28+$0x0], $0xffff;
	_ =	sdelay $0x4  }
0x2b9: {  	v3 =	vshll.u32 v2, $0x10;
	v2 =	vand.u32 $0xFFFF0000, v2  }
0x2ba: {  	v3 =	vmul.f32 v3, v1;
	v2 =	vmul.f32 v2, v1;
	_ =	sdelay $0x1  }
0x2bb: {  	[tilespmem:s25+$0xFFFFFF90] =	vst v3  }
0x2bc: {  	[tilespmem:s25+$0xFFFFFFA0] =	vst v2  }
0x2bd: {  	v2 =	vld [tilespmem:s7+$0x5610];
	_ =	sdelay $0x4  }
0x2be: {  	v3 =	vshll.u32 v2, $0x10;
	v2 =	vand.u32 $0xFFFF0000, v2  }
0x2bf: {  	v3 =	vmul.f32 v3, v1;
	v2 =	vmul.f32 v2, v1;
	_ =	sdelay $0x1  }
0x2c0: {  	[tilespmem:s25+$0xFFFFFFB0] =	vst v3  }
0x2c1: {  	[tilespmem:s25+$0xFFFFFFC0] =	vst v2  }
0x2c2: {  	v2 =	vld [tilespmem:s7+$0x5620];
	_ =	sdelay $0x4  }
0x2c3: {  	v3 =	vshll.u32 v2, $0x10;
	v2 =	vand.u32 $0xFFFF0000, v2  }
.Ltmp8:
0x2c4: {  	v3 =	vmul.f32 v3, v1;
	v2 =	vmul.f32 v2, v1;
	(pc) =	sbr.rel @p3 .LBB2_15-.Ltmp8, $4  }
0x2c5: {  	_ = 	snop  }
0x2c6: {  	[tilespmem:s25+$0xFFFFFFD0] =	vst v3  }
0x2c7: {  	[tilespmem:s25+$0xFFFFFFE0] =	vst v2  }
0x2c8: {  	v2 =	vld [tilespmem:s7+$0x5630]  }
0x2c9: {  	_ =	sdelay $0x3  }
0x2ca: {  	v3 =	vshll.u32 v2, $0x10  }
0x2cb: {  	v2 =	vand.u32 $0xFFFF0000, v2;
	v3 =	vmul.f32 v3, v1  }
0x2cc: {  	v1 =	vmul.f32 v2, v1  }
0x2cd: {  	[tilespmem:s5+$0xFFFFFFF0] =	vst v3  }
0x2ce: {  	[tilespmem:s5+$0x0] =	vst v1;
	s5 =	sld [smem:$0x7F0]  }
0x2cf: {  	s20 =	simm.s32 $0x340  }
0x2d0: {  	[spmem:s14] =	stream.indirect.scatter.add.f32 [tilespmem:s6], [sflag:$0x12], $0x80, s20, s0, $0xb8;
	v63 =	vld [tilespmem:$0x0]  }
0x2d1: {  	s5 =	sadd.s32 @!p2 s18, s5  }
0x2d2: {  	s5 =	sshrl.u32 @!p2 s5, $0x3  }
0x2d3: {  	s13 =	simm.s32 @!p2 $0x0;
	s20 =	simm.s32 @!p2 $0xC0;
	s7 =	sadd.s32 @!p2 s1, s5  }
0x2d4: {  	[tilespmem:s20], [sflag:$0x4] =	stream.linear.gather @!p2 [hbm4b:s7+s13], $0x40, $0x38;
	v63 =	vld [tilespmem:$0x0]  }
0x2d5: {  	s7 =	sadd.s32 @!p2 s16, s5;
	s20 =	simm.s32 @!p2 $0x2C0  }
0x2d6: {  	[tilespmem:s20], [sflag:$0x4] =	stream.linear.gather @!p2 [hbm4b:s7+s13], $0x40, $0x38;
	v63 =	vld [tilespmem:$0x0]  }
0x2d7: {  	s5 =	sadd.s32 @!p2 s17, s5;
	s7 =	simm.s32 @!p2 $0x4C0  }
0x2d8: {  	[tilespmem:s7], [sflag:$0x4] =	stream.linear.gather @!p2 [hbm4b:s5+s13], $0x40, $0x38;
	v63 =	vld [tilespmem:$0x0]  }
0x2d9: {  	s5 =	simm.s32 @!p2 $0x3  }
0x2da: {  	_ =	swait.ge @!p2 [sflag:s5], $0x40  }
0x2db: {  	[sflag:s5] =	ssyncset.done @!p2 $0x0  }
0x2dc: {  	[sflag:s5] =	ssyncadd.s32 @!p2 $0xFFFFFFC0  }
0x2dd: {  	_ =	swait.ge @!p2 [sflag:s5], $0x40  }
0x2de: {  	[sflag:s5] =	ssyncset.done @!p2 $0x0  }
0x2df: {  	[sflag:s5] =	ssyncadd.s32 @!p2 $0xFFFFFFC0  }
0x2e0: {  	_ =	swait.ge @!p2 [sflag:s5], $0x40  }
0x2e1: {  	s25 =	simm.s32 $0xF;
	s7 =	simm.s32 @!p2 $0x80;
	[sflag:s5] =	ssyncset.done @!p2 $0x0  }
0x2e2: {  	s13 =	simm.s32 @!p2 $0x2600;
	[sflag:s5] =	ssyncadd.s32 @!p2 $0xFFFFFFC0;
	s5 =	simm.s32 @!p2 $0x40  }
0x2e3: {  	[tilespmem:s13], [sflag:$0xB] =	stream.indirect.gather @!p2 [hbm4b:s12+s5], $0x40, s7, s5, $0xb8;
	v63 =	vld [tilespmem:$0x0]  }
0x2e4: {  	_ =	swait.ge [sflag:s25], $0x1000  }
0x2e5: {  	s13 =	simm.s32 $0x0;
	[sflag:s25] =	ssyncset.done $0x0  }
0x2e6: {  	v1 =	vmov s13;
	[sflag:s25] =	ssyncadd.s32 $0xFFFFF000  }
0x2e7: {  	_ =	swait.ge [sflag:s30], $0x2000  }
0x2e8: {  	[sflag:s30] =	ssyncset.done $0x0  }
0x2e9: {  	s7 =	simm.s32 $0x0;
	[sflag:s30] =	ssyncadd.s32 $0xFFFFE000  }
0x2ea: {  	v2 =	vld [tilespmem:s7+$0x6600]  }
0x2eb: {  	v1 =	vld.idx.msk [tilespmem:v1+s22+$0x0], $0xffff;
	_ =	sdelay $0x3  }
0x2ec: {  	v3 =	vshll.u32 v2, $0x10  }
0x2ed: {  	v2 =	vand.u32 $0xFFFF0000, v2;
	v3 =	vmul.f32 v3, v1  }
0x2ee: {  	s25 =	simm.s32 $0x8640;
	v2 =	vmul.f32 v2, v1  }
0x2ef: {  	[tilespmem:s25+$0xFFFFFFC0] =	vst v3  }
0x2f0: {  	[tilespmem:s25+$0xFFFFFFD0] =	vst v2  }
0x2f1: {  	v2 =	vld [tilespmem:s7+$0x6610];
	_ =	sdelay $0x4  }
0x2f2: {  	v3 =	vshll.u32 v2, $0x10  }
0x2f3: {  	v2 =	vand.u32 $0xFFFF0000, v2;
	v3 =	vmul.f32 v3, v1  }
0x2f4: {  	v2 =	vmul.f32 v2, v1  }
0x2f5: {  	[tilespmem:s25+$0xFFFFFFE0] =	vst v3  }
0x2f6: {  	[tilespmem:s25+$0xFFFFFFF0] =	vst v2  }
0x2f7: {  	v2 =	vld [tilespmem:s7+$0x6620];
	_ =	sdelay $0x4  }
0x2f8: {  	v3 =	vshll.u32 v2, $0x10  }
0x2f9: {  	v2 =	vand.u32 $0xFFFF0000, v2;
	v3 =	vmul.f32 v3, v1  }
0x2fa: {  	v2 =	vmul.f32 v2, v1  }
0x2fb: {  	[tilespmem:s25+$0x0] =	vst v3  }
0x2fc: {  	[tilespmem:s25+$0x10] =	vst v2  }
0x2fd: {  	s20 =	simm.s32 $0x100;
	s5 =	simm.s32 $0x8640;
	v2 =	vld [tilespmem:s7+$0x6630]  }
.LBB2_17:
0x2fe: {  	_ =	sdelay $0x3  }
0x2ff: {  	p3 =	sne.s32 s20, $0x3F00;
	s13 =	sadd.s32 $0x1, s13;
	s25 =	sadd.s32 $0x80, s25;
	v3 =	vshll.u32 v2, $0x10;
	v2 =	vand.u32 $0xFFFF0000, v2  }
0x300: {  	s7 =	smov.u32 s20;
	s20 =	sadd.s32 $0x100, s20;
	v4 =	vmov s13;
	v3 =	vmul.f32 v3, v1;
	v1 =	vmul.f32 v2, v1;
	_ =	sdelay $0x1  }
0x301: {  	[tilespmem:s5+$0x20] =	vst v3  }
0x302: {  	s7 =	sshra.s32 s7, $0x2;
	[tilespmem:s5+$0x30] =	vst v1;
	s5 =	smov.u32 s25  }
0x303: {  	v2 =	vld [tilespmem:s7+$0x6600]  }
0x304: {  	v1 =	vld.idx.msk [tilespmem:v4+s22+$0x0], $0xffff;
	_ =	sdelay $0x4  }
0x305: {  	v3 =	vshll.u32 v2, $0x10;
	v2 =	vand.u32 $0xFFFF0000, v2  }
0x306: {  	v3 =	vmul.f32 v3, v1;
	v2 =	vmul.f32 v2, v1;
	_ =	sdelay $0x1  }
0x307: {  	[tilespmem:s25+$0xFFFFFFC0] =	vst v3  }
0x308: {  	[tilespmem:s25+$0xFFFFFFD0] =	vst v2  }
0x309: {  	v2 =	vld [tilespmem:s7+$0x6610];
	_ =	sdelay $0x4  }
0x30a: {  	v3 =	vshll.u32 v2, $0x10;
	v2 =	vand.u32 $0xFFFF0000, v2  }
0x30b: {  	v3 =	vmul.f32 v3, v1;
	v2 =	vmul.f32 v2, v1;
	_ =	sdelay $0x1  }
0x30c: {  	[tilespmem:s25+$0xFFFFFFE0] =	vst v3  }
0x30d: {  	[tilespmem:s25+$0xFFFFFFF0] =	vst v2  }
0x30e: {  	v2 =	vld [tilespmem:s7+$0x6620];
	_ =	sdelay $0x4  }
0x30f: {  	v3 =	vshll.u32 v2, $0x10;
	v2 =	vand.u32 $0xFFFF0000, v2  }
.Ltmp9:
0x310: {  	v3 =	vmul.f32 v3, v1;
	v2 =	vmul.f32 v2, v1;
	(pc) =	sbr.rel @p3 .LBB2_17-.Ltmp9, $4  }
0x311: {  	_ = 	snop  }
0x312: {  	[tilespmem:s25+$0x0] =	vst v3  }
0x313: {  	[tilespmem:s25+$0x10] =	vst v2  }
0x314: {  	v2 =	vld [tilespmem:s7+$0x6630]  }
0x315: {  	_ =	sdelay $0x3  }
0x316: {  	v3 =	vshll.u32 v2, $0x10  }
0x317: {  	v2 =	vand.u32 $0xFFFF0000, v2;
	v3 =	vmul.f32 v3, v1  }
0x318: {  	v1 =	vmul.f32 v2, v1  }
0x319: {  	[tilespmem:s5+$0x20] =	vst v3  }
0x31a: {  	[tilespmem:s5+$0x30] =	vst v1;
	s5 =	sld [smem:$0x7F1]  }
0x31b: {  	s25 =	simm.s32 $0x380  }
0x31c: {  	[spmem:s14] =	stream.indirect.scatter.add.f32 [tilespmem:s29], [sflag:$0x11], $0x80, s25, s0, $0xb8;
	v63 =	vld [tilespmem:$0x0]  }
0x31d: {  	s5 =	sadd.s32 @!p2 s18, s5  }
0x31e: {  	s5 =	sshrl.u32 @!p2 s5, $0x3  }
0x31f: {  	s13 =	simm.s32 @!p2 $0x0;
	s20 =	simm.s32 @!p2 $0x100;
	s7 =	sadd.s32 @!p2 s1, s5  }
0x320: {  	[tilespmem:s20], [sflag:$0x5] =	stream.linear.gather @!p2 [hbm4b:s7+s13], $0x40, $0x38;
	v63 =	vld [tilespmem:$0x0]  }
0x321: {  	s7 =	sadd.s32 @!p2 s16, s5;
	s20 =	simm.s32 @!p2 $0x300  }
0x322: {  	[tilespmem:s20], [sflag:$0x5] =	stream.linear.gather @!p2 [hbm4b:s7+s13], $0x40, $0x38;
	v63 =	vld [tilespmem:$0x0]  }
0x323: {  	s5 =	sadd.s32 @!p2 s17, s5;
	s7 =	simm.s32 @!p2 $0x500  }
0x324: {  	[tilespmem:s7], [sflag:$0x5] =	stream.linear.gather @!p2 [hbm4b:s5+s13], $0x40, $0x38;
	v63 =	vld [tilespmem:$0x0]  }
0x325: {  	s5 =	simm.s32 @!p2 $0x4  }
0x326: {  	_ =	swait.ge @!p2 [sflag:s5], $0x40  }
0x327: {  	[sflag:s5] =	ssyncset.done @!p2 $0x0  }
0x328: {  	[sflag:s5] =	ssyncadd.s32 @!p2 $0xFFFFFFC0  }
0x329: {  	_ =	swait.ge @!p2 [sflag:s5], $0x40  }
0x32a: {  	[sflag:s5] =	ssyncset.done @!p2 $0x0  }
0x32b: {  	[sflag:s5] =	ssyncadd.s32 @!p2 $0xFFFFFFC0  }
0x32c: {  	_ =	swait.ge @!p2 [sflag:s5], $0x40  }
0x32d: {  	s7 =	simm.s32 @!p2 $0xC0;
	[sflag:s5] =	ssyncset.done @!p2 $0x0  }
0x32e: {  	s13 =	simm.s32 @!p2 $0x3600;
	[sflag:s5] =	ssyncadd.s32 @!p2 $0xFFFFFFC0;
	s5 =	simm.s32 @!p2 $0x40  }
0x32f: {  	[tilespmem:s13], [sflag:$0xC] =	stream.indirect.gather @!p2 [hbm4b:s12+s5], $0x40, s7, s5, $0xb8;
	v63 =	vld [tilespmem:$0x0]  }
0x330: {  	_ =	swait.ge [sflag:s8], $0x1000  }
0x331: {  	s13 =	simm.s32 $0x0;
	[sflag:s8] =	ssyncset.done $0x0  }
0x332: {  	v1 =	vmov s13;
	[sflag:s8] =	ssyncadd.s32 $0xFFFFF000  }
0x333: {  	_ =	swait.ge [sflag:s26], $0x2000  }
0x334: {  	[sflag:s26] =	ssyncset.done $0x0  }
0x335: {  	s7 =	simm.s32 $0x0;
	[sflag:s26] =	ssyncadd.s32 $0xFFFFE000  }
0x336: {  	v2 =	vld [tilespmem:s7+$0x7600]  }
0x337: {  	v1 =	vld.idx.msk [tilespmem:v1+s9+$0x0], $0xffff;
	_ =	sdelay $0x3  }
0x338: {  	v3 =	vshll.u32 v2, $0x10  }
0x339: {  	v2 =	vand.u32 $0xFFFF0000, v2;
	v3 =	vmul.f32 v3, v1  }
0x33a: {  	s25 =	simm.s32 $0xA670;
	v2 =	vmul.f32 v2, v1  }
0x33b: {  	[tilespmem:s25+$0xFFFFFF90] =	vst v3  }
0x33c: {  	[tilespmem:s25+$0xFFFFFFA0] =	vst v2  }
0x33d: {  	v2 =	vld [tilespmem:s7+$0x7610];
	_ =	sdelay $0x4  }
0x33e: {  	v3 =	vshll.u32 v2, $0x10  }
0x33f: {  	v2 =	vand.u32 $0xFFFF0000, v2;
	v3 =	vmul.f32 v3, v1  }
0x340: {  	v2 =	vmul.f32 v2, v1  }
0x341: {  	[tilespmem:s25+$0xFFFFFFB0] =	vst v3  }
0x342: {  	[tilespmem:s25+$0xFFFFFFC0] =	vst v2  }
0x343: {  	v2 =	vld [tilespmem:s7+$0x7620];
	_ =	sdelay $0x4  }
0x344: {  	v3 =	vshll.u32 v2, $0x10  }
0x345: {  	v2 =	vand.u32 $0xFFFF0000, v2;
	v3 =	vmul.f32 v3, v1  }
0x346: {  	v2 =	vmul.f32 v2, v1  }
0x347: {  	[tilespmem:s25+$0xFFFFFFD0] =	vst v3  }
0x348: {  	[tilespmem:s25+$0xFFFFFFE0] =	vst v2  }
0x349: {  	s20 =	simm.s32 $0x100;
	s5 =	simm.s32 $0xA670;
	v2 =	vld [tilespmem:s7+$0x7630]  }
.LBB2_19:
0x34a: {  	_ =	sdelay $0x3  }
0x34b: {  	p3 =	sne.s32 s20, $0x3F00;
	s13 =	sadd.s32 $0x1, s13;
	s25 =	sadd.s32 $0x80, s25;
	v3 =	vshll.u32 v2, $0x10;
	v2 =	vand.u32 $0xFFFF0000, v2  }
0x34c: {  	s7 =	smov.u32 s20;
	s20 =	sadd.s32 $0x100, s20;
	v4 =	vmov s13;
	v3 =	vmul.f32 v3, v1;
	v1 =	vmul.f32 v2, v1;
	_ =	sdelay $0x1  }
0x34d: {  	[tilespmem:s5+$0xFFFFFFF0] =	vst v3  }
0x34e: {  	s7 =	sshra.s32 s7, $0x2;
	[tilespmem:s5+$0x0] =	vst v1;
	s5 =	smov.u32 s25  }
0x34f: {  	v2 =	vld [tilespmem:s7+$0x7600]  }
0x350: {  	v1 =	vld.idx.msk [tilespmem:v4+s9+$0x0], $0xffff;
	_ =	sdelay $0x4  }
0x351: {  	v3 =	vshll.u32 v2, $0x10;
	v2 =	vand.u32 $0xFFFF0000, v2  }
0x352: {  	v3 =	vmul.f32 v3, v1;
	v2 =	vmul.f32 v2, v1;
	_ =	sdelay $0x1  }
0x353: {  	[tilespmem:s25+$0xFFFFFF90] =	vst v3  }
0x354: {  	[tilespmem:s25+$0xFFFFFFA0] =	vst v2  }
0x355: {  	v2 =	vld [tilespmem:s7+$0x7610];
	_ =	sdelay $0x4  }
0x356: {  	v3 =	vshll.u32 v2, $0x10;
	v2 =	vand.u32 $0xFFFF0000, v2  }
0x357: {  	v3 =	vmul.f32 v3, v1;
	v2 =	vmul.f32 v2, v1;
	_ =	sdelay $0x1  }
0x358: {  	[tilespmem:s25+$0xFFFFFFB0] =	vst v3  }
0x359: {  	[tilespmem:s25+$0xFFFFFFC0] =	vst v2  }
0x35a: {  	v2 =	vld [tilespmem:s7+$0x7620];
	_ =	sdelay $0x4  }
0x35b: {  	v3 =	vshll.u32 v2, $0x10;
	v2 =	vand.u32 $0xFFFF0000, v2  }
.Ltmp10:
0x35c: {  	v3 =	vmul.f32 v3, v1;
	v2 =	vmul.f32 v2, v1;
	(pc) =	sbr.rel @p3 .LBB2_19-.Ltmp10, $4  }
0x35d: {  	_ = 	snop  }
0x35e: {  	[tilespmem:s25+$0xFFFFFFD0] =	vst v3  }
0x35f: {  	[tilespmem:s25+$0xFFFFFFE0] =	vst v2  }
0x360: {  	v2 =	vld [tilespmem:s7+$0x7630]  }
0x361: {  	_ =	sdelay $0x3  }
0x362: {  	v3 =	vshll.u32 v2, $0x10  }
.Ltmp11:
0x363: {  	v2 =	vand.u32 $0xFFFF0000, v2;
	v3 =	vmul.f32 v3, v1;
	(pc) =	sbr.rel @p2 .LBB2_22-.Ltmp11, $4  }
0x364: {  	v1 =	vmul.f32 v2, v1  }
0x365: {  	[tilespmem:s5+$0xFFFFFFF0] =	vst v3  }
0x366: {  	s25 =	simm.s32 $0x3C0;
	[tilespmem:s5+$0x0] =	vst v1  }
0x367: {  	[spmem:s14] =	stream.indirect.scatter.add.f32 [tilespmem:s6], [sflag:$0x12], $0x80, s25, s0, $0xb8;
	v63 =	vld [tilespmem:$0x0]  }
0x368: {  	s5 =	sld [smem:$0x7F2];
	_ =	sdelay $0x2  }
0x369: {  	s5 =	sadd.s32 s18, s5  }
0x36a: {  	s5 =	sshrl.u32 s5, $0x3  }
0x36b: {  	s13 =	simm.s32 $0x140;
	s7 =	sadd.s32 s1, s5  }
0x36c: {  	[tilespmem:s13], [sflag:$0x6] =	stream.linear.gather [hbm4b:s7+s2], $0x40, $0x38;
	v63 =	vld [tilespmem:$0x0]  }
.Ltmp12:
0x36d: {  	_ = 	snop;
	(pc) =	sbr.rel .LBB2_4-.Ltmp12, $4  }
0x36e: {  	s25 =	simm.s32 $0x340;
	s20 =	sadd.s32 s16, s5  }
0x36f: {  	[tilespmem:s25], [sflag:$0x6] =	stream.linear.gather [hbm4b:s20+s2], $0x40, $0x38;
	v63 =	vld [tilespmem:$0x0]  }
0x370: {  	s3 =	sadd.s32 $0x1, s3;
	s5 =	sadd.s32 s17, s5  }
0x371: {  	[tilespmem:s28], [sflag:$0x6] =	stream.linear.gather [hbm4b:s5+s2], $0x40, $0x38;
	v63 =	vld [tilespmem:$0x0]  }
.LBB2_23:
0x372: {  	_ =	sfence.sel $0x180000  }
0x373: {  	[bflag:$0x0] =	sbarrier.arrive $0xFFFF  }
0x374: {  	_ =	strace $0x90000047  }
0x375: {  	s0 =	stileid.u32;
	[bflag:$0x2] =	sbarrier.arrive $0xFFFF  }
0x376: {  	p0 =	sne.s32 s0, $0x0;
	s0 =	rddreg [dreg:$0x3]  }
0x377: {  	s0 =	sadd.s32 @!p0 $0x100000, s0  }
0x378: {  	[sflag:s0] =	ssyncadd.tile.s32 @!p0 $0x1;
	_ =	shalt  }
.Lfunc_end2:
_tile_overlayer_lowered:
.L_overlay_start_2:
0x379: {  	(tag) =	ssettag $0x2  }
0x37a: {  	s0 =	rddreg [dreg:$0x0];
	s2 =	stileid.u32  }
0x37b: {  	s1 =	rddreg [dreg:$0x1];
	p0 =	sne.s32 s2, $0x0  }
0x37c: {  	s3 =	rddreg [dreg:$0x2];
	[bflag:$0x3] =	sbarrier.arrive $0xFFFF;
	s2 =	simm.s32 @!p0 $0x1C13  }
0x37d: {  	[timem:s3], [sflag:s2] =	dma.local @!p0 [hbm:s0], s1  }
0x37e: {  	s0 =	simm.s32 @!p0 $0x13  }
0x37f: {  	_ =	swait.ge @!p0 [sflag:s0], s1  }
0x380: {  	s1 =	ssub.s32 @!p0 $0x0, s1;
	[sflag:s0] =	ssyncset.done @!p0 $0x0  }
0x381: {  	[sflag:s0] =	ssyncadd.s32 @!p0 s1  }
0x382: {  	[bflag:$0x3] =	sbarrier.arrive $0xFFFF  }
0x383: {  	_ =	shalt  }

</sc_bundles>
